<compile_context>
chip_gen: v7x
topology: tpu7x:2x2x1
jax: 0.10.2.dev20260603
libtpu: 0.0.44.dev20260713+nightly
codegen_flags: <defaults>
</compile_context>

<pallas_src>
import functools

import jax
import jax.numpy as jnp
from jax import lax
from jax.experimental import pallas as pl
from jax.experimental.pallas import tpu as pltpu
from jax.experimental.pallas import tpu_sc as plsc

_C = 128
_K = 256
_S = 4


@functools.lru_cache(maxsize=None)
def _build_sc_call(N, D, T_ROWS):
    info = plsc.get_sparse_core_info()
    num_workers = info.num_cores * info.num_subcores
    KC = _K // _C
    per_w = N // num_workers
    idx_rows = per_w // _C
    nb = per_w // _K
    assert N % num_workers == 0 and per_w % _K == 0 and nb % _S == 0 and nb > 2 * _S

    mesh = plsc.VectorSubcoreMesh(core_axis_name="c", subcore_axis_name="s")

    @functools.partial(
        pl.kernel,
        mesh=mesh,
        compiler_params=pltpu.CompilerParams(use_tc_tiling_on_sc=False),
        out_type=jax.ShapeDtypeStruct((N, 128), jnp.float32),
        scratch_types=(
            [pltpu.VMEM((idx_rows, _C), jnp.int32) for _ in range(3)]
            + [pltpu.VMEM((_K, D), jnp.float32) for _ in range(_S)]
            + [pltpu.VMEM_SHARED((T_ROWS, D), jnp.float32)]
            + [pltpu.SemaphoreType.DMA for _ in range(3 * _S + 1)]
        ),
    )
    def sc_fn(t_hbm, l_hbm, u_hbm, et_hbm, el_hbm, eu_hbm, out_hbm, *refs):
        it_v, il_v, iu_v = refs[0:3]
        acc = refs[3:3 + _S]
        shared_t = refs[3 + _S]
        tsem = refs[4 + _S:4 + 2 * _S]
        asem = refs[4 + 2 * _S:4 + 3 * _S]
        osem = refs[4 + 3 * _S:4 + 4 * _S]
        isem = refs[4 + 4 * _S]

        wid = lax.axis_index("s") * info.num_cores + lax.axis_index("c")
        idx_row0 = wid * idx_rows
        out_row0 = wid * per_w

        @pl.when(lax.axis_index("s") == 0)
        def _load_t_table():
            pltpu.sync_copy(et_hbm, shared_t)

        ci = pltpu.async_copy(t_hbm.at[pl.ds(idx_row0, idx_rows)], it_v, isem)
        cl = pltpu.async_copy(l_hbm.at[pl.ds(idx_row0, idx_rows)], il_v, isem)
        cu = pltpu.async_copy(u_hbm.at[pl.ds(idx_row0, idx_rows)], iu_v, isem)
        ci.wait()
        cl.wait()
        cu.wait()
        plsc.subcore_barrier()

        def t_gather(bi, s, issue):
            for k in range(KC):
                d = pltpu.make_async_copy(
                    shared_t.at[it_v.at[bi * KC + k]], acc[s].at[pl.ds(k * _C, _C)], tsem[s])
                d.start() if issue else d.wait()

        def add_gathers(bi, s, issue):
            for k in range(KC):
                dst = acc[s].at[pl.ds(k * _C, _C)]
                dl = pltpu.make_async_copy(el_hbm.at[il_v.at[bi * KC + k]], dst, asem[s])
                du = pltpu.make_async_copy(eu_hbm.at[iu_v.at[bi * KC + k]], dst, asem[s])
                if issue:
                    dl.start(add=True)
                    du.start(add=True)
                else:
                    dl.wait()
                    du.wait()

        def out_copy(bi, s, issue):
            d = pltpu.make_async_copy(
                acc[s], out_hbm.at[pl.ds(out_row0 + bi * _K, _K), pl.ds(0, D)], osem[s])
            d.start() if issue else d.wait()

        def slot_b(i, s):
            t_gather(i - 1, s, False)
            add_gathers(i - 1, s, True)

        def slot_c(i, s):
            add_gathers(i - 2, s, False)
            out_copy(i - 2, s, True)

        for i in range(_S):
            t_gather(i, i % _S, True)
            if i >= 1:
                slot_b(i, (i - 1) % _S)
            if i >= 2:
                slot_c(i, (i - 2) % _S)

        def group(g, carry):
            for s in range(_S):
                i = g * _S + s
                out_copy(i - _S, s, False)
                t_gather(i, s, True)
                slot_b(i, (s - 1) % _S)
                slot_c(i, (s - 2) % _S)
            return carry

        lax.fori_loop(1, nb // _S, group, 0)

        slot_b(nb, (nb - 1) % _S)
        slot_c(nb, (nb - 2) % _S)
        slot_c(nb + 1, (nb - 1) % _S)
        for s in range(_S):
            out_copy(nb - _S + s, s, False)

    return sc_fn


def kernel(t, l, u, emb_t, emb_l, emb_u):
    B, S = t.shape
    N = B * S
    D = emb_t.shape[1]
    ti = t.reshape(N // _C, _C).astype(jnp.int32)
    li = l.reshape(N // _C, _C).astype(jnp.int32)
    ui = u.reshape(N // _C, _C).astype(jnp.int32)
    out = _build_sc_call(N, D, emb_t.shape[0])(ti, li, ui, emb_t, emb_l, emb_u)
    return out[:, :D].reshape(B, S, D)

# --- scband reference (transcript-rebuilt; emitter-appended) ---
"""Pipeline reference for scband-my-span-87247965651331 (READ-ONLY COPY).

The authoritative reference and input builder live on the scoring server;
editing this copy changes nothing except your own understanding.
"""

import jax, jax.numpy as jnp
import numpy as np

T_DIM = 1000
L_DIM = 1000000
U_DIM = 100000
D = 32
B = 4096
S = 200


def setup_inputs(seed: int = 0) -> dict:
    key = jax.random.key(seed)
    k1, k2, k3, k4, k5, k6 = jax.random.split(key, 6)
    # Embedding tables (padding_idx=0 -> row 0 zeroed, matching nn.Embedding(padding_idx=0))
    emb_t = (jax.random.normal(k1, (T_DIM, D), dtype=jnp.float32) * 0.02).at[0].set(0.0)
    emb_l = (jax.random.normal(k2, (L_DIM, D), dtype=jnp.float32) * 0.02).at[0].set(0.0)
    emb_u = (jax.random.normal(k3, (U_DIM, D), dtype=jnp.float32) * 0.02).at[0].set(0.0)
    # Index tensors: time-bucket ids, location ids, user ids per trajectory step
    t = jax.random.randint(k4, (B, S), 0, T_DIM, dtype=jnp.int64)
    l = jax.random.randint(k5, (B, S), 0, L_DIM, dtype=jnp.int64)
    u = jax.random.randint(k6, (B, S), 0, U_DIM, dtype=jnp.int64)
    return {"t": t, "l": l, "u": u, "emb_t": emb_t, "emb_l": emb_l, "emb_u": emb_u}


def reference(t, l, u, emb_t, emb_l, emb_u):
    # STAN/SPAN-style joint embedding: sum of time, location, and user embedding lookups
    # gather -> jnp.take(table, idx, axis=0)
    e_t = jnp.take(emb_t, t, axis=0)  # [B, S, D]
    e_l = jnp.take(emb_l, l, axis=0)  # [B, S, D]
    e_u = jnp.take(emb_u, u, axis=0)  # [B, S, D]
    joint = e_t + e_l + e_u
    return joint

if __name__ == "__main__":
    import jax
    _d = setup_inputs()
    print(jax.jit(kernel)(*tuple(_d.values())))

</pallas_src>

<mosaic_0001>
#map = affine_map<(d0, d1) -> (0, 0)>
module attributes {stable_mosaic.version = 14 : i64} {
  func.func @sc_fn(%arg0: i32, %arg1: i32, %arg2: memref<6400x128xi32, #tpu.memory_space<hbm>>, %arg3: memref<6400x128xi32, #tpu.memory_space<hbm>>, %arg4: memref<6400x128xi32, #tpu.memory_space<hbm>>, %arg5: memref<1000x32xf32, #tpu.memory_space<hbm>>, %arg6: memref<1000000x32xf32, #tpu.memory_space<hbm>>, %arg7: memref<100000x32xf32, #tpu.memory_space<hbm>>, %arg8: memref<819200x128xf32, #tpu.memory_space<hbm>>, %arg9: memref<200x128xi32, #tpu.memory_space<vmem>>, %arg10: memref<200x128xi32, #tpu.memory_space<vmem>>, %arg11: memref<200x128xi32, #tpu.memory_space<vmem>>, %arg12: memref<256x32xf32, #tpu.memory_space<vmem>>, %arg13: memref<256x32xf32, #tpu.memory_space<vmem>>, %arg14: memref<256x32xf32, #tpu.memory_space<vmem>>, %arg15: memref<256x32xf32, #tpu.memory_space<vmem>>, %arg16: memref<1000x32xf32, #tpu.memory_space<vmem_shared>>, %arg17: memref<!tpu.dma_semaphore, #tpu.memory_space<semaphore_mem>>, %arg18: memref<!tpu.dma_semaphore, #tpu.memory_space<semaphore_mem>>, %arg19: memref<!tpu.dma_semaphore, #tpu.memory_space<semaphore_mem>>, %arg20: memref<!tpu.dma_semaphore, #tpu.memory_space<semaphore_mem>>, %arg21: memref<!tpu.dma_semaphore, #tpu.memory_space<semaphore_mem>>, %arg22: memref<!tpu.dma_semaphore, #tpu.memory_space<semaphore_mem>>, %arg23: memref<!tpu.dma_semaphore, #tpu.memory_space<semaphore_mem>>, %arg24: memref<!tpu.dma_semaphore, #tpu.memory_space<semaphore_mem>>, %arg25: memref<!tpu.dma_semaphore, #tpu.memory_space<semaphore_mem>>, %arg26: memref<!tpu.dma_semaphore, #tpu.memory_space<semaphore_mem>>, %arg27: memref<!tpu.dma_semaphore, #tpu.memory_space<semaphore_mem>>, %arg28: memref<!tpu.dma_semaphore, #tpu.memory_space<semaphore_mem>>, %arg29: memref<!tpu.dma_semaphore, #tpu.memory_space<semaphore_mem>>) attributes {dimension_semantics = [#tpu.dimension_semantics<core_parallel>, #tpu.dimension_semantics<subcore_parallel>], iteration_bounds = array<i64: 2, 16>, scalar_prefetch = 0 : i64, scratch_operands = 21 : i64, tpu.core_type = #tpu.core_type<sc_vector_subcore>, window_params = [{transform_indices = #map}, {transform_indices = #map}, {transform_indices = #map}, {transform_indices = #map}, {transform_indices = #map}, {transform_indices = #map}, {transform_indices = #map}]} {
    %mul3A = arith.constant 2 : i32
    %mul3A_0 = arith.muli %arg1, %mul3A : i32
    %add3A = arith.addi %mul3A_0, %arg0 : i32
    %mul3A_1 = arith.constant 200 : i32
    %mul3A_2 = arith.muli %add3A, %mul3A_1 : i32
    %mul3A_3 = arith.constant 25600 : i32
    %mul3A_4 = arith.muli %add3A, %mul3A_3 : i32
    %eq3A = arith.constant 0 : i32
    %eq3A_5 = arith.cmpi eq, %arg1, %eq3A : i32
    %convert_element_type3A = arith.extui %eq3A_5 : i1 to i32
    %cond3A = arith.constant 0 : i32
    %cond3A_6 = arith.cmpi ne, %convert_element_type3A, %cond3A : i32
    scf.if %cond3A_6 {
      "tpu.region"() ({
        %run_scoped3A = tpu.sem_alloc : memref<!tpu.dma_semaphore, #tpu.memory_space<semaphore_mem>>
        tpu.enqueue_dma source(%arg5 : memref<1000x32xf32, #tpu.memory_space<hbm>>) target(%arg16 : memref<1000x32xf32, #tpu.memory_space<vmem_shared>>) target_semaphore(%run_scoped3A : memref<!tpu.dma_semaphore, #tpu.memory_space<semaphore_mem>>)
        tpu.wait_dma2 semaphore(%run_scoped3A : memref<!tpu.dma_semaphore, #tpu.memory_space<semaphore_mem>>) src(%arg5 : memref<1000x32xf32, #tpu.memory_space<hbm>>) dst(%arg16 : memref<1000x32xf32, #tpu.memory_space<vmem_shared>>)
        tpu.yield
      }) : () -> ()
    } else {
    }
    %dma_start3A = arith.constant 0 : i32
    %dma_start3A_7 = tpu.memref_slice %arg2[%mul3A_2, %dma_start3A] : memref<6400x128xi32, #tpu.memory_space<hbm>> -> memref<200x128xi32, #tpu.memory_space<hbm>>
    %dma_start3A_8 = arith.constant 0 : i32
    %dma_start3A_9 = tpu.memref_slice %arg2[%mul3A_2, %dma_start3A_8] : memref<6400x128xi32, #tpu.memory_space<hbm>> -> memref<200x128xi32, #tpu.memory_space<hbm>>
    tpu.enqueue_dma source(%dma_start3A_9 : memref<200x128xi32, #tpu.memory_space<hbm>>) target(%arg9 : memref<200x128xi32, #tpu.memory_space<vmem>>) target_semaphore(%arg29 : memref<!tpu.dma_semaphore, #tpu.memory_space<semaphore_mem>>)
    %dma_start3A_10 = arith.constant 0 : i32
    %dma_start3A_11 = tpu.memref_slice %arg3[%mul3A_2, %dma_start3A_10] : memref<6400x128xi32, #tpu.memory_space<hbm>> -> memref<200x128xi32, #tpu.memory_space<hbm>>
    %dma_start3A_12 = arith.constant 0 : i32
    %dma_start3A_13 = tpu.memref_slice %arg3[%mul3A_2, %dma_start3A_12] : memref<6400x128xi32, #tpu.memory_space<hbm>> -> memref<200x128xi32, #tpu.memory_space<hbm>>
    tpu.enqueue_dma source(%dma_start3A_13 : memref<200x128xi32, #tpu.memory_space<hbm>>) target(%arg10 : memref<200x128xi32, #tpu.memory_space<vmem>>) target_semaphore(%arg29 : memref<!tpu.dma_semaphore, #tpu.memory_space<semaphore_mem>>)
    %dma_start3A_14 = arith.constant 0 : i32
    %dma_start3A_15 = tpu.memref_slice %arg4[%mul3A_2, %dma_start3A_14] : memref<6400x128xi32, #tpu.memory_space<hbm>> -> memref<200x128xi32, #tpu.memory_space<hbm>>
    %dma_start3A_16 = arith.constant 0 : i32
    %dma_start3A_17 = tpu.memref_slice %arg4[%mul3A_2, %dma_start3A_16] : memref<6400x128xi32, #tpu.memory_space<hbm>> -> memref<200x128xi32, #tpu.memory_space<hbm>>
    tpu.enqueue_dma source(%dma_start3A_17 : memref<200x128xi32, #tpu.memory_space<hbm>>) target(%arg11 : memref<200x128xi32, #tpu.memory_space<vmem>>) target_semaphore(%arg29 : memref<!tpu.dma_semaphore, #tpu.memory_space<semaphore_mem>>)
    %dma_wait3A = arith.constant 0 : i32
    %dma_wait3A_18 = tpu.memref_slice %arg2[%mul3A_2, %dma_wait3A] : memref<6400x128xi32, #tpu.memory_space<hbm>> -> memref<200x128xi32, #tpu.memory_space<hbm>>
    %dma_wait3A_19 = arith.constant 0 : i32
    %dma_wait3A_20 = tpu.memref_slice %arg2[%mul3A_2, %dma_wait3A_19] : memref<6400x128xi32, #tpu.memory_space<hbm>> -> memref<200x128xi32, #tpu.memory_space<hbm>>
    tpu.wait_dma2 semaphore(%arg29 : memref<!tpu.dma_semaphore, #tpu.memory_space<semaphore_mem>>) src(%dma_wait3A_20 : memref<200x128xi32, #tpu.memory_space<hbm>>) dst(%arg9 : memref<200x128xi32, #tpu.memory_space<vmem>>)
    %dma_wait3A_21 = arith.constant 0 : i32
    %dma_wait3A_22 = tpu.memref_slice %arg3[%mul3A_2, %dma_wait3A_21] : memref<6400x128xi32, #tpu.memory_space<hbm>> -> memref<200x128xi32, #tpu.memory_space<hbm>>
    %dma_wait3A_23 = arith.constant 0 : i32
    %dma_wait3A_24 = tpu.memref_slice %arg3[%mul3A_2, %dma_wait3A_23] : memref<6400x128xi32, #tpu.memory_space<hbm>> -> memref<200x128xi32, #tpu.memory_space<hbm>>
    tpu.wait_dma2 semaphore(%arg29 : memref<!tpu.dma_semaphore, #tpu.memory_space<semaphore_mem>>) src(%dma_wait3A_24 : memref<200x128xi32, #tpu.memory_space<hbm>>) dst(%arg10 : memref<200x128xi32, #tpu.memory_space<vmem>>)
    %dma_wait3A_25 = arith.constant 0 : i32
    %dma_wait3A_26 = tpu.memref_slice %arg4[%mul3A_2, %dma_wait3A_25] : memref<6400x128xi32, #tpu.memory_space<hbm>> -> memref<200x128xi32, #tpu.memory_space<hbm>>
    %dma_wait3A_27 = arith.constant 0 : i32
    %dma_wait3A_28 = tpu.memref_slice %arg4[%mul3A_2, %dma_wait3A_27] : memref<6400x128xi32, #tpu.memory_space<hbm>> -> memref<200x128xi32, #tpu.memory_space<hbm>>
    tpu.wait_dma2 semaphore(%arg29 : memref<!tpu.dma_semaphore, #tpu.memory_space<semaphore_mem>>) src(%dma_wait3A_28 : memref<200x128xi32, #tpu.memory_space<hbm>>) dst(%arg11 : memref<200x128xi32, #tpu.memory_space<vmem>>)
    %barrier3A = arith.constant 0 : index
    tpu.barrier barrier_id(%barrier3A)
    %dma_start3A_29 = arith.constant 0 : i32
    %dma_start3A_30 = arith.constant 0 : i32
    %dma_start3A_31 = arith.constant 0 : i32
    %dma_start3A_32 = tpu.memref_slice %arg12[%dma_start3A_30, %dma_start3A_31] : memref<256x32xf32, #tpu.memory_space<vmem>> -> memref<128x32xf32, #tpu.memory_space<vmem>>
    %dma_start3A_33 = arith.constant 0 : i32
    %dma_start3A_34 = tpu.memref_slice %arg9[%dma_start3A_29, %dma_start3A_33] : memref<200x128xi32, #tpu.memory_space<vmem>> -> memref<1x128xi32, #tpu.memory_space<vmem>>
    %dma_start3A_35 = tpu.memref_squeeze %dma_start3A_34 : memref<1x128xi32, #tpu.memory_space<vmem>> -> memref<128xi32, #tpu.memory_space<vmem>>
    %dma_start3A_36 = arith.constant 0 : i32
    %dma_start3A_37 = arith.constant 0 : i32
    %dma_start3A_38 = tpu.memref_slice %arg16[%dma_start3A_36, %dma_start3A_37] : memref<1000x32xf32, #tpu.memory_space<vmem_shared>> -> memref<1000x32xf32, #tpu.memory_space<vmem_shared>>
    tpu.enqueue_indirect_dma source(%dma_start3A_38 : memref<1000x32xf32, #tpu.memory_space<vmem_shared>>) target(%dma_start3A_32 : memref<128x32xf32, #tpu.memory_space<vmem>>) offsets(%dma_start3A_35 : memref<128xi32, #tpu.memory_space<vmem>>) semaphore(%arg17 : memref<!tpu.dma_semaphore, #tpu.memory_space<semaphore_mem>>)
    %dma_start3A_39 = arith.constant 1 : i32
    %dma_start3A_40 = arith.constant 128 : i32
    %dma_start3A_41 = arith.constant 0 : i32
    %dma_start3A_42 = tpu.memref_slice %arg12[%dma_start3A_40, %dma_start3A_41] : memref<256x32xf32, #tpu.memory_space<vmem>> -> memref<128x32xf32, #tpu.memory_space<vmem>>
    %dma_start3A_43 = arith.constant 0 : i32
    %dma_start3A_44 = tpu.memref_slice %arg9[%dma_start3A_39, %dma_start3A_43] : memref<200x128xi32, #tpu.memory_space<vmem>> -> memref<1x128xi32, #tpu.memory_space<vmem>>
    %dma_start3A_45 = tpu.memref_squeeze %dma_start3A_44 : memref<1x128xi32, #tpu.memory_space<vmem>> -> memref<128xi32, #tpu.memory_space<vmem>>
    %dma_start3A_46 = arith.constant 0 : i32
    %dma_start3A_47 = arith.constant 0 : i32
    %dma_start3A_48 = tpu.memref_slice %arg16[%dma_start3A_46, %dma_start3A_47] : memref<1000x32xf32, #tpu.memory_space<vmem_shared>> -> memref<1000x32xf32, #tpu.memory_space<vmem_shared>>
    tpu.enqueue_indirect_dma source(%dma_start3A_48 : memref<1000x32xf32, #tpu.memory_space<vmem_shared>>) target(%dma_start3A_42 : memref<128x32xf32, #tpu.memory_space<vmem>>) offsets(%dma_start3A_45 : memref<128xi32, #tpu.memory_space<vmem>>) semaphore(%arg17 : memref<!tpu.dma_semaphore, #tpu.memory_space<semaphore_mem>>)
    %dma_start3A_49 = arith.constant 2 : i32
    %dma_start3A_50 = arith.constant 0 : i32
    %dma_start3A_51 = arith.constant 0 : i32
    %dma_start3A_52 = tpu.memref_slice %arg13[%dma_start3A_50, %dma_start3A_51] : memref<256x32xf32, #tpu.memory_space<vmem>> -> memref<128x32xf32, #tpu.memory_space<vmem>>
    %dma_start3A_53 = arith.constant 0 : i32
    %dma_start3A_54 = tpu.memref_slice %arg9[%dma_start3A_49, %dma_start3A_53] : memref<200x128xi32, #tpu.memory_space<vmem>> -> memref<1x128xi32, #tpu.memory_space<vmem>>
    %dma_start3A_55 = tpu.memref_squeeze %dma_start3A_54 : memref<1x128xi32, #tpu.memory_space<vmem>> -> memref<128xi32, #tpu.memory_space<vmem>>
    %dma_start3A_56 = arith.constant 0 : i32
    %dma_start3A_57 = arith.constant 0 : i32
    %dma_start3A_58 = tpu.memref_slice %arg16[%dma_start3A_56, %dma_start3A_57] : memref<1000x32xf32, #tpu.memory_space<vmem_shared>> -> memref<1000x32xf32, #tpu.memory_space<vmem_shared>>
    tpu.enqueue_indirect_dma source(%dma_start3A_58 : memref<1000x32xf32, #tpu.memory_space<vmem_shared>>) target(%dma_start3A_52 : memref<128x32xf32, #tpu.memory_space<vmem>>) offsets(%dma_start3A_55 : memref<128xi32, #tpu.memory_space<vmem>>) semaphore(%arg18 : memref<!tpu.dma_semaphore, #tpu.memory_space<semaphore_mem>>)
    %dma_start3A_59 = arith.constant 3 : i32
    %dma_start3A_60 = arith.constant 128 : i32
    %dma_start3A_61 = arith.constant 0 : i32
    %dma_start3A_62 = tpu.memref_slice %arg13[%dma_start3A_60, %dma_start3A_61] : memref<256x32xf32, #tpu.memory_space<vmem>> -> memref<128x32xf32, #tpu.memory_space<vmem>>
    %dma_start3A_63 = arith.constant 0 : i32
    %dma_start3A_64 = tpu.memref_slice %arg9[%dma_start3A_59, %dma_start3A_63] : memref<200x128xi32, #tpu.memory_space<vmem>> -> memref<1x128xi32, #tpu.memory_space<vmem>>
    %dma_start3A_65 = tpu.memref_squeeze %dma_start3A_64 : memref<1x128xi32, #tpu.memory_space<vmem>> -> memref<128xi32, #tpu.memory_space<vmem>>
    %dma_start3A_66 = arith.constant 0 : i32
    %dma_start3A_67 = arith.constant 0 : i32
    %dma_start3A_68 = tpu.memref_slice %arg16[%dma_start3A_66, %dma_start3A_67] : memref<1000x32xf32, #tpu.memory_space<vmem_shared>> -> memref<1000x32xf32, #tpu.memory_space<vmem_shared>>
    tpu.enqueue_indirect_dma source(%dma_start3A_68 : memref<1000x32xf32, #tpu.memory_space<vmem_shared>>) target(%dma_start3A_62 : memref<128x32xf32, #tpu.memory_space<vmem>>) offsets(%dma_start3A_65 : memref<128xi32, #tpu.memory_space<vmem>>) semaphore(%arg18 : memref<!tpu.dma_semaphore, #tpu.memory_space<semaphore_mem>>)
    %dma_wait3A_69 = arith.constant 0 : i32
    %dma_wait3A_70 = arith.constant 0 : i32
    %dma_wait3A_71 = arith.constant 0 : i32
    %dma_wait3A_72 = tpu.memref_slice %arg12[%dma_wait3A_70, %dma_wait3A_71] : memref<256x32xf32, #tpu.memory_space<vmem>> -> memref<128x32xf32, #tpu.memory_space<vmem>>
    %dma_wait3A_73 = arith.constant 0 : i32
    %dma_wait3A_74 = tpu.memref_slice %arg9[%dma_wait3A_69, %dma_wait3A_73] : memref<200x128xi32, #tpu.memory_space<vmem>> -> memref<1x128xi32, #tpu.memory_space<vmem>>
    %dma_wait3A_75 = tpu.memref_squeeze %dma_wait3A_74 : memref<1x128xi32, #tpu.memory_space<vmem>> -> memref<128xi32, #tpu.memory_space<vmem>>
    %dma_wait3A_76 = arith.constant 0 : i32
    %dma_wait3A_77 = arith.constant 0 : i32
    %dma_wait3A_78 = tpu.memref_slice %arg16[%dma_wait3A_76, %dma_wait3A_77] : memref<1000x32xf32, #tpu.memory_space<vmem_shared>> -> memref<1000x32xf32, #tpu.memory_space<vmem_shared>>
    tpu.wait_indirect_dma semaphore(%arg17 : memref<!tpu.dma_semaphore, #tpu.memory_space<semaphore_mem>>) src(%dma_wait3A_78 : memref<1000x32xf32, #tpu.memory_space<vmem_shared>>) dst(%dma_wait3A_72 : memref<128x32xf32, #tpu.memory_space<vmem>>)
    %dma_wait3A_79 = arith.constant 1 : i32
    %dma_wait3A_80 = arith.constant 128 : i32
    %dma_wait3A_81 = arith.constant 0 : i32
    %dma_wait3A_82 = tpu.memref_slice %arg12[%dma_wait3A_80, %dma_wait3A_81] : memref<256x32xf32, #tpu.memory_space<vmem>> -> memref<128x32xf32, #tpu.memory_space<vmem>>
    %dma_wait3A_83 = arith.constant 0 : i32
    %dma_wait3A_84 = tpu.memref_slice %arg9[%dma_wait3A_79, %dma_wait3A_83] : memref<200x128xi32, #tpu.memory_space<vmem>> -> memref<1x128xi32, #tpu.memory_space<vmem>>
    %dma_wait3A_85 = tpu.memref_squeeze %dma_wait3A_84 : memref<1x128xi32, #tpu.memory_space<vmem>> -> memref<128xi32, #tpu.memory_space<vmem>>
    %dma_wait3A_86 = arith.constant 0 : i32
    %dma_wait3A_87 = arith.constant 0 : i32
    %dma_wait3A_88 = tpu.memref_slice %arg16[%dma_wait3A_86, %dma_wait3A_87] : memref<1000x32xf32, #tpu.memory_space<vmem_shared>> -> memref<1000x32xf32, #tpu.memory_space<vmem_shared>>
    tpu.wait_indirect_dma semaphore(%arg17 : memref<!tpu.dma_semaphore, #tpu.memory_space<semaphore_mem>>) src(%dma_wait3A_88 : memref<1000x32xf32, #tpu.memory_space<vmem_shared>>) dst(%dma_wait3A_82 : memref<128x32xf32, #tpu.memory_space<vmem>>)
    %dma_start3A_89 = arith.constant 0 : i32
    %dma_start3A_90 = arith.constant 0 : i32
    %dma_start3A_91 = arith.constant 0 : i32
    %dma_start3A_92 = tpu.memref_slice %arg12[%dma_start3A_90, %dma_start3A_91] : memref<256x32xf32, #tpu.memory_space<vmem>> -> memref<128x32xf32, #tpu.memory_space<vmem>>
    %dma_start3A_93 = arith.constant 0 : i32
    %dma_start3A_94 = tpu.memref_slice %arg10[%dma_start3A_89, %dma_start3A_93] : memref<200x128xi32, #tpu.memory_space<vmem>> -> memref<1x128xi32, #tpu.memory_space<vmem>>
    %dma_start3A_95 = tpu.memref_squeeze %dma_start3A_94 : memref<1x128xi32, #tpu.memory_space<vmem>> -> memref<128xi32, #tpu.memory_space<vmem>>
    %dma_start3A_96 = arith.constant 0 : i32
    %dma_start3A_97 = arith.constant 0 : i32
    %dma_start3A_98 = tpu.memref_slice %arg6[%dma_start3A_96, %dma_start3A_97] : memref<1000000x32xf32, #tpu.memory_space<hbm>> -> memref<1000000x32xf32, #tpu.memory_space<hbm>>
    tpu.enqueue_indirect_dma source(%dma_start3A_98 : memref<1000000x32xf32, #tpu.memory_space<hbm>>) target(%dma_start3A_92 : memref<128x32xf32, #tpu.memory_space<vmem>>) offsets(%dma_start3A_95 : memref<128xi32, #tpu.memory_space<vmem>>) semaphore(%arg21 : memref<!tpu.dma_semaphore, #tpu.memory_space<semaphore_mem>>) {add = true}
    %dma_start3A_99 = arith.constant 0 : i32
    %dma_start3A_100 = arith.constant 0 : i32
    %dma_start3A_101 = arith.constant 0 : i32
    %dma_start3A_102 = tpu.memref_slice %arg12[%dma_start3A_100, %dma_start3A_101] : memref<256x32xf32, #tpu.memory_space<vmem>> -> memref<128x32xf32, #tpu.memory_space<vmem>>
    %dma_start3A_103 = arith.constant 0 : i32
    %dma_start3A_104 = tpu.memref_slice %arg11[%dma_start3A_99, %dma_start3A_103] : memref<200x128xi32, #tpu.memory_space<vmem>> -> memref<1x128xi32, #tpu.memory_space<vmem>>
    %dma_start3A_105 = tpu.memref_squeeze %dma_start3A_104 : memref<1x128xi32, #tpu.memory_space<vmem>> -> memref<128xi32, #tpu.memory_space<vmem>>
    %dma_start3A_106 = arith.constant 0 : i32
    %dma_start3A_107 = arith.constant 0 : i32
    %dma_start3A_108 = tpu.memref_slice %arg7[%dma_start3A_106, %dma_start3A_107] : memref<100000x32xf32, #tpu.memory_space<hbm>> -> memref<100000x32xf32, #tpu.memory_space<hbm>>
    tpu.enqueue_indirect_dma source(%dma_start3A_108 : memref<100000x32xf32, #tpu.memory_space<hbm>>) target(%dma_start3A_102 : memref<128x32xf32, #tpu.memory_space<vmem>>) offsets(%dma_start3A_105 : memref<128xi32, #tpu.memory_space<vmem>>) semaphore(%arg21 : memref<!tpu.dma_semaphore, #tpu.memory_space<semaphore_mem>>) {add = true}
    %dma_start3A_109 = arith.constant 1 : i32
    %dma_start3A_110 = arith.constant 128 : i32
    %dma_start3A_111 = arith.constant 0 : i32
    %dma_start3A_112 = tpu.memref_slice %arg12[%dma_start3A_110, %dma_start3A_111] : memref<256x32xf32, #tpu.memory_space<vmem>> -> memref<128x32xf32, #tpu.memory_space<vmem>>
    %dma_start3A_113 = arith.constant 0 : i32
    %dma_start3A_114 = tpu.memref_slice %arg10[%dma_start3A_109, %dma_start3A_113] : memref<200x128xi32, #tpu.memory_space<vmem>> -> memref<1x128xi32, #tpu.memory_space<vmem>>
    %dma_start3A_115 = tpu.memref_squeeze %dma_start3A_114 : memref<1x128xi32, #tpu.memory_space<vmem>> -> memref<128xi32, #tpu.memory_space<vmem>>
    %dma_start3A_116 = arith.constant 0 : i32
    %dma_start3A_117 = arith.constant 0 : i32
    %dma_start3A_118 = tpu.memref_slice %arg6[%dma_start3A_116, %dma_start3A_117] : memref<1000000x32xf32, #tpu.memory_space<hbm>> -> memref<1000000x32xf32, #tpu.memory_space<hbm>>
    tpu.enqueue_indirect_dma source(%dma_start3A_118 : memref<1000000x32xf32, #tpu.memory_space<hbm>>) target(%dma_start3A_112 : memref<128x32xf32, #tpu.memory_space<vmem>>) offsets(%dma_start3A_115 : memref<128xi32, #tpu.memory_space<vmem>>) semaphore(%arg21 : memref<!tpu.dma_semaphore, #tpu.memory_space<semaphore_mem>>) {add = true}
    %dma_start3A_119 = arith.constant 1 : i32
    %dma_start3A_120 = arith.constant 128 : i32
    %dma_start3A_121 = arith.constant 0 : i32
    %dma_start3A_122 = tpu.memref_slice %arg12[%dma_start3A_120, %dma_start3A_121] : memref<256x32xf32, #tpu.memory_space<vmem>> -> memref<128x32xf32, #tpu.memory_space<vmem>>
    %dma_start3A_123 = arith.constant 0 : i32
    %dma_start3A_124 = tpu.memref_slice %arg11[%dma_start3A_119, %dma_start3A_123] : memref<200x128xi32, #tpu.memory_space<vmem>> -> memref<1x128xi32, #tpu.memory_space<vmem>>
    %dma_start3A_125 = tpu.memref_squeeze %dma_start3A_124 : memref<1x128xi32, #tpu.memory_space<vmem>> -> memref<128xi32, #tpu.memory_space<vmem>>
    %dma_start3A_126 = arith.constant 0 : i32
    %dma_start3A_127 = arith.constant 0 : i32
    %dma_start3A_128 = tpu.memref_slice %arg7[%dma_start3A_126, %dma_start3A_127] : memref<100000x32xf32, #tpu.memory_space<hbm>> -> memref<100000x32xf32, #tpu.memory_space<hbm>>
    tpu.enqueue_indirect_dma source(%dma_start3A_128 : memref<100000x32xf32, #tpu.memory_space<hbm>>) target(%dma_start3A_122 : memref<128x32xf32, #tpu.memory_space<vmem>>) offsets(%dma_start3A_125 : memref<128xi32, #tpu.memory_space<vmem>>) semaphore(%arg21 : memref<!tpu.dma_semaphore, #tpu.memory_space<semaphore_mem>>) {add = true}
    %dma_start3A_129 = arith.constant 4 : i32
    %dma_start3A_130 = arith.constant 0 : i32
    %dma_start3A_131 = arith.constant 0 : i32
    %dma_start3A_132 = tpu.memref_slice %arg14[%dma_start3A_130, %dma_start3A_131] : memref<256x32xf32, #tpu.memory_space<vmem>> -> memref<128x32xf32, #tpu.memory_space<vmem>>
    %dma_start3A_133 = arith.constant 0 : i32
    %dma_start3A_134 = tpu.memref_slice %arg9[%dma_start3A_129, %dma_start3A_133] : memref<200x128xi32, #tpu.memory_space<vmem>> -> memref<1x128xi32, #tpu.memory_space<vmem>>
    %dma_start3A_135 = tpu.memref_squeeze %dma_start3A_134 : memref<1x128xi32, #tpu.memory_space<vmem>> -> memref<128xi32, #tpu.memory_space<vmem>>
    %dma_start3A_136 = arith.constant 0 : i32
    %dma_start3A_137 = arith.constant 0 : i32
    %dma_start3A_138 = tpu.memref_slice %arg16[%dma_start3A_136, %dma_start3A_137] : memref<1000x32xf32, #tpu.memory_space<vmem_shared>> -> memref<1000x32xf32, #tpu.memory_space<vmem_shared>>
    tpu.enqueue_indirect_dma source(%dma_start3A_138 : memref<1000x32xf32, #tpu.memory_space<vmem_shared>>) target(%dma_start3A_132 : memref<128x32xf32, #tpu.memory_space<vmem>>) offsets(%dma_start3A_135 : memref<128xi32, #tpu.memory_space<vmem>>) semaphore(%arg19 : memref<!tpu.dma_semaphore, #tpu.memory_space<semaphore_mem>>)
    %dma_start3A_139 = arith.constant 5 : i32
    %dma_start3A_140 = arith.constant 128 : i32
    %dma_start3A_141 = arith.constant 0 : i32
    %dma_start3A_142 = tpu.memref_slice %arg14[%dma_start3A_140, %dma_start3A_141] : memref<256x32xf32, #tpu.memory_space<vmem>> -> memref<128x32xf32, #tpu.memory_space<vmem>>
    %dma_start3A_143 = arith.constant 0 : i32
    %dma_start3A_144 = tpu.memref_slice %arg9[%dma_start3A_139, %dma_start3A_143] : memref<200x128xi32, #tpu.memory_space<vmem>> -> memref<1x128xi32, #tpu.memory_space<vmem>>
    %dma_start3A_145 = tpu.memref_squeeze %dma_start3A_144 : memref<1x128xi32, #tpu.memory_space<vmem>> -> memref<128xi32, #tpu.memory_space<vmem>>
    %dma_start3A_146 = arith.constant 0 : i32
    %dma_start3A_147 = arith.constant 0 : i32
    %dma_start3A_148 = tpu.memref_slice %arg16[%dma_start3A_146, %dma_start3A_147] : memref<1000x32xf32, #tpu.memory_space<vmem_shared>> -> memref<1000x32xf32, #tpu.memory_space<vmem_shared>>
    tpu.enqueue_indirect_dma source(%dma_start3A_148 : memref<1000x32xf32, #tpu.memory_space<vmem_shared>>) target(%dma_start3A_142 : memref<128x32xf32, #tpu.memory_space<vmem>>) offsets(%dma_start3A_145 : memref<128xi32, #tpu.memory_space<vmem>>) semaphore(%arg19 : memref<!tpu.dma_semaphore, #tpu.memory_space<semaphore_mem>>)
    %dma_wait3A_149 = arith.constant 2 : i32
    %dma_wait3A_150 = arith.constant 0 : i32
    %dma_wait3A_151 = arith.constant 0 : i32
    %dma_wait3A_152 = tpu.memref_slice %arg13[%dma_wait3A_150, %dma_wait3A_151] : memref<256x32xf32, #tpu.memory_space<vmem>> -> memref<128x32xf32, #tpu.memory_space<vmem>>
    %dma_wait3A_153 = arith.constant 0 : i32
    %dma_wait3A_154 = tpu.memref_slice %arg9[%dma_wait3A_149, %dma_wait3A_153] : memref<200x128xi32, #tpu.memory_space<vmem>> -> memref<1x128xi32, #tpu.memory_space<vmem>>
    %dma_wait3A_155 = tpu.memref_squeeze %dma_wait3A_154 : memref<1x128xi32, #tpu.memory_space<vmem>> -> memref<128xi32, #tpu.memory_space<vmem>>
    %dma_wait3A_156 = arith.constant 0 : i32
    %dma_wait3A_157 = arith.constant 0 : i32
    %dma_wait3A_158 = tpu.memref_slice %arg16[%dma_wait3A_156, %dma_wait3A_157] : memref<1000x32xf32, #tpu.memory_space<vmem_shared>> -> memref<1000x32xf32, #tpu.memory_space<vmem_shared>>
    tpu.wait_indirect_dma semaphore(%arg18 : memref<!tpu.dma_semaphore, #tpu.memory_space<semaphore_mem>>) src(%dma_wait3A_158 : memref<1000x32xf32, #tpu.memory_space<vmem_shared>>) dst(%dma_wait3A_152 : memref<128x32xf32, #tpu.memory_space<vmem>>)
    %dma_wait3A_159 = arith.constant 3 : i32
    %dma_wait3A_160 = arith.constant 128 : i32
    %dma_wait3A_161 = arith.constant 0 : i32
    %dma_wait3A_162 = tpu.memref_slice %arg13[%dma_wait3A_160, %dma_wait3A_161] : memref<256x32xf32, #tpu.memory_space<vmem>> -> memref<128x32xf32, #tpu.memory_space<vmem>>
    %dma_wait3A_163 = arith.constant 0 : i32
    %dma_wait3A_164 = tpu.memref_slice %arg9[%dma_wait3A_159, %dma_wait3A_163] : memref<200x128xi32, #tpu.memory_space<vmem>> -> memref<1x128xi32, #tpu.memory_space<vmem>>
    %dma_wait3A_165 = tpu.memref_squeeze %dma_wait3A_164 : memref<1x128xi32, #tpu.memory_space<vmem>> -> memref<128xi32, #tpu.memory_space<vmem>>
    %dma_wait3A_166 = arith.constant 0 : i32
    %dma_wait3A_167 = arith.constant 0 : i32
    %dma_wait3A_168 = tpu.memref_slice %arg16[%dma_wait3A_166, %dma_wait3A_167] : memref<1000x32xf32, #tpu.memory_space<vmem_shared>> -> memref<1000x32xf32, #tpu.memory_space<vmem_shared>>
    tpu.wait_indirect_dma semaphore(%arg18 : memref<!tpu.dma_semaphore, #tpu.memory_space<semaphore_mem>>) src(%dma_wait3A_168 : memref<1000x32xf32, #tpu.memory_space<vmem_shared>>) dst(%dma_wait3A_162 : memref<128x32xf32, #tpu.memory_space<vmem>>)
    %dma_start3A_169 = arith.constant 2 : i32
    %dma_start3A_170 = arith.constant 0 : i32
    %dma_start3A_171 = arith.constant 0 : i32
    %dma_start3A_172 = tpu.memref_slice %arg13[%dma_start3A_170, %dma_start3A_171] : memref<256x32xf32, #tpu.memory_space<vmem>> -> memref<128x32xf32, #tpu.memory_space<vmem>>
    %dma_start3A_173 = arith.constant 0 : i32
    %dma_start3A_174 = tpu.memref_slice %arg10[%dma_start3A_169, %dma_start3A_173] : memref<200x128xi32, #tpu.memory_space<vmem>> -> memref<1x128xi32, #tpu.memory_space<vmem>>
    %dma_start3A_175 = tpu.memref_squeeze %dma_start3A_174 : memref<1x128xi32, #tpu.memory_space<vmem>> -> memref<128xi32, #tpu.memory_space<vmem>>
    %dma_start3A_176 = arith.constant 0 : i32
    %dma_start3A_177 = arith.constant 0 : i32
    %dma_start3A_178 = tpu.memref_slice %arg6[%dma_start3A_176, %dma_start3A_177] : memref<1000000x32xf32, #tpu.memory_space<hbm>> -> memref<1000000x32xf32, #tpu.memory_space<hbm>>
    tpu.enqueue_indirect_dma source(%dma_start3A_178 : memref<1000000x32xf32, #tpu.memory_space<hbm>>) target(%dma_start3A_172 : memref<128x32xf32, #tpu.memory_space<vmem>>) offsets(%dma_start3A_175 : memref<128xi32, #tpu.memory_space<vmem>>) semaphore(%arg22 : memref<!tpu.dma_semaphore, #tpu.memory_space<semaphore_mem>>) {add = true}
    %dma_start3A_179 = arith.constant 2 : i32
    %dma_start3A_180 = arith.constant 0 : i32
    %dma_start3A_181 = arith.constant 0 : i32
    %dma_start3A_182 = tpu.memref_slice %arg13[%dma_start3A_180, %dma_start3A_181] : memref<256x32xf32, #tpu.memory_space<vmem>> -> memref<128x32xf32, #tpu.memory_space<vmem>>
    %dma_start3A_183 = arith.constant 0 : i32
    %dma_start3A_184 = tpu.memref_slice %arg11[%dma_start3A_179, %dma_start3A_183] : memref<200x128xi32, #tpu.memory_space<vmem>> -> memref<1x128xi32, #tpu.memory_space<vmem>>
    %dma_start3A_185 = tpu.memref_squeeze %dma_start3A_184 : memref<1x128xi32, #tpu.memory_space<vmem>> -> memref<128xi32, #tpu.memory_space<vmem>>
    %dma_start3A_186 = arith.constant 0 : i32
    %dma_start3A_187 = arith.constant 0 : i32
    %dma_start3A_188 = tpu.memref_slice %arg7[%dma_start3A_186, %dma_start3A_187] : memref<100000x32xf32, #tpu.memory_space<hbm>> -> memref<100000x32xf32, #tpu.memory_space<hbm>>
    tpu.enqueue_indirect_dma source(%dma_start3A_188 : memref<100000x32xf32, #tpu.memory_space<hbm>>) target(%dma_start3A_182 : memref<128x32xf32, #tpu.memory_space<vmem>>) offsets(%dma_start3A_185 : memref<128xi32, #tpu.memory_space<vmem>>) semaphore(%arg22 : memref<!tpu.dma_semaphore, #tpu.memory_space<semaphore_mem>>) {add = true}
    %dma_start3A_189 = arith.constant 3 : i32
    %dma_start3A_190 = arith.constant 128 : i32
    %dma_start3A_191 = arith.constant 0 : i32
    %dma_start3A_192 = tpu.memref_slice %arg13[%dma_start3A_190, %dma_start3A_191] : memref<256x32xf32, #tpu.memory_space<vmem>> -> memref<128x32xf32, #tpu.memory_space<vmem>>
    %dma_start3A_193 = arith.constant 0 : i32
    %dma_start3A_194 = tpu.memref_slice %arg10[%dma_start3A_189, %dma_start3A_193] : memref<200x128xi32, #tpu.memory_space<vmem>> -> memref<1x128xi32, #tpu.memory_space<vmem>>
    %dma_start3A_195 = tpu.memref_squeeze %dma_start3A_194 : memref<1x128xi32, #tpu.memory_space<vmem>> -> memref<128xi32, #tpu.memory_space<vmem>>
    %dma_start3A_196 = arith.constant 0 : i32
    %dma_start3A_197 = arith.constant 0 : i32
    %dma_start3A_198 = tpu.memref_slice %arg6[%dma_start3A_196, %dma_start3A_197] : memref<1000000x32xf32, #tpu.memory_space<hbm>> -> memref<1000000x32xf32, #tpu.memory_space<hbm>>
    tpu.enqueue_indirect_dma source(%dma_start3A_198 : memref<1000000x32xf32, #tpu.memory_space<hbm>>) target(%dma_start3A_192 : memref<128x32xf32, #tpu.memory_space<vmem>>) offsets(%dma_start3A_195 : memref<128xi32, #tpu.memory_space<vmem>>) semaphore(%arg22 : memref<!tpu.dma_semaphore, #tpu.memory_space<semaphore_mem>>) {add = true}
    %dma_start3A_199 = arith.constant 3 : i32
    %dma_start3A_200 = arith.constant 128 : i32
    %dma_start3A_201 = arith.constant 0 : i32
    %dma_start3A_202 = tpu.memref_slice %arg13[%dma_start3A_200, %dma_start3A_201] : memref<256x32xf32, #tpu.memory_space<vmem>> -> memref<128x32xf32, #tpu.memory_space<vmem>>
    %dma_start3A_203 = arith.constant 0 : i32
    %dma_start3A_204 = tpu.memref_slice %arg11[%dma_start3A_199, %dma_start3A_203] : memref<200x128xi32, #tpu.memory_space<vmem>> -> memref<1x128xi32, #tpu.memory_space<vmem>>
    %dma_start3A_205 = tpu.memref_squeeze %dma_start3A_204 : memref<1x128xi32, #tpu.memory_space<vmem>> -> memref<128xi32, #tpu.memory_space<vmem>>
    %dma_start3A_206 = arith.constant 0 : i32
    %dma_start3A_207 = arith.constant 0 : i32
    %dma_start3A_208 = tpu.memref_slice %arg7[%dma_start3A_206, %dma_start3A_207] : memref<100000x32xf32, #tpu.memory_space<hbm>> -> memref<100000x32xf32, #tpu.memory_space<hbm>>
    tpu.enqueue_indirect_dma source(%dma_start3A_208 : memref<100000x32xf32, #tpu.memory_space<hbm>>) target(%dma_start3A_202 : memref<128x32xf32, #tpu.memory_space<vmem>>) offsets(%dma_start3A_205 : memref<128xi32, #tpu.memory_space<vmem>>) semaphore(%arg22 : memref<!tpu.dma_semaphore, #tpu.memory_space<semaphore_mem>>) {add = true}
    %dma_wait3A_209 = arith.constant 0 : i32
    %dma_wait3A_210 = arith.constant 0 : i32
    %dma_wait3A_211 = arith.constant 0 : i32
    %dma_wait3A_212 = tpu.memref_slice %arg12[%dma_wait3A_210, %dma_wait3A_211] : memref<256x32xf32, #tpu.memory_space<vmem>> -> memref<128x32xf32, #tpu.memory_space<vmem>>
    %dma_wait3A_213 = arith.constant 0 : i32
    %dma_wait3A_214 = tpu.memref_slice %arg10[%dma_wait3A_209, %dma_wait3A_213] : memref<200x128xi32, #tpu.memory_space<vmem>> -> memref<1x128xi32, #tpu.memory_space<vmem>>
    %dma_wait3A_215 = tpu.memref_squeeze %dma_wait3A_214 : memref<1x128xi32, #tpu.memory_space<vmem>> -> memref<128xi32, #tpu.memory_space<vmem>>
    %dma_wait3A_216 = arith.constant 0 : i32
    %dma_wait3A_217 = arith.constant 0 : i32
    %dma_wait3A_218 = tpu.memref_slice %arg6[%dma_wait3A_216, %dma_wait3A_217] : memref<1000000x32xf32, #tpu.memory_space<hbm>> -> memref<1000000x32xf32, #tpu.memory_space<hbm>>
    tpu.wait_indirect_dma semaphore(%arg21 : memref<!tpu.dma_semaphore, #tpu.memory_space<semaphore_mem>>) src(%dma_wait3A_218 : memref<1000000x32xf32, #tpu.memory_space<hbm>>) dst(%dma_wait3A_212 : memref<128x32xf32, #tpu.memory_space<vmem>>)
    %dma_wait3A_219 = arith.constant 0 : i32
    %dma_wait3A_220 = arith.constant 0 : i32
    %dma_wait3A_221 = arith.constant 0 : i32
    %dma_wait3A_222 = tpu.memref_slice %arg12[%dma_wait3A_220, %dma_wait3A_221] : memref<256x32xf32, #tpu.memory_space<vmem>> -> memref<128x32xf32, #tpu.memory_space<vmem>>
    %dma_wait3A_223 = arith.constant 0 : i32
    %dma_wait3A_224 = tpu.memref_slice %arg11[%dma_wait3A_219, %dma_wait3A_223] : memref<200x128xi32, #tpu.memory_space<vmem>> -> memref<1x128xi32, #tpu.memory_space<vmem>>
    %dma_wait3A_225 = tpu.memref_squeeze %dma_wait3A_224 : memref<1x128xi32, #tpu.memory_space<vmem>> -> memref<128xi32, #tpu.memory_space<vmem>>
    %dma_wait3A_226 = arith.constant 0 : i32
    %dma_wait3A_227 = arith.constant 0 : i32
    %dma_wait3A_228 = tpu.memref_slice %arg7[%dma_wait3A_226, %dma_wait3A_227] : memref<100000x32xf32, #tpu.memory_space<hbm>> -> memref<100000x32xf32, #tpu.memory_space<hbm>>
    tpu.wait_indirect_dma semaphore(%arg21 : memref<!tpu.dma_semaphore, #tpu.memory_space<semaphore_mem>>) src(%dma_wait3A_228 : memref<100000x32xf32, #tpu.memory_space<hbm>>) dst(%dma_wait3A_222 : memref<128x32xf32, #tpu.memory_space<vmem>>)
    %dma_wait3A_229 = arith.constant 1 : i32
    %dma_wait3A_230 = arith.constant 128 : i32
    %dma_wait3A_231 = arith.constant 0 : i32
    %dma_wait3A_232 = tpu.memref_slice %arg12[%dma_wait3A_230, %dma_wait3A_231] : memref<256x32xf32, #tpu.memory_space<vmem>> -> memref<128x32xf32, #tpu.memory_space<vmem>>
    %dma_wait3A_233 = arith.constant 0 : i32
    %dma_wait3A_234 = tpu.memref_slice %arg10[%dma_wait3A_229, %dma_wait3A_233] : memref<200x128xi32, #tpu.memory_space<vmem>> -> memref<1x128xi32, #tpu.memory_space<vmem>>
    %dma_wait3A_235 = tpu.memref_squeeze %dma_wait3A_234 : memref<1x128xi32, #tpu.memory_space<vmem>> -> memref<128xi32, #tpu.memory_space<vmem>>
    %dma_wait3A_236 = arith.constant 0 : i32
    %dma_wait3A_237 = arith.constant 0 : i32
    %dma_wait3A_238 = tpu.memref_slice %arg6[%dma_wait3A_236, %dma_wait3A_237] : memref<1000000x32xf32, #tpu.memory_space<hbm>> -> memref<1000000x32xf32, #tpu.memory_space<hbm>>
    tpu.wait_indirect_dma semaphore(%arg21 : memref<!tpu.dma_semaphore, #tpu.memory_space<semaphore_mem>>) src(%dma_wait3A_238 : memref<1000000x32xf32, #tpu.memory_space<hbm>>) dst(%dma_wait3A_232 : memref<128x32xf32, #tpu.memory_space<vmem>>)
    %dma_wait3A_239 = arith.constant 1 : i32
    %dma_wait3A_240 = arith.constant 128 : i32
    %dma_wait3A_241 = arith.constant 0 : i32
    %dma_wait3A_242 = tpu.memref_slice %arg12[%dma_wait3A_240, %dma_wait3A_241] : memref<256x32xf32, #tpu.memory_space<vmem>> -> memref<128x32xf32, #tpu.memory_space<vmem>>
    %dma_wait3A_243 = arith.constant 0 : i32
    %dma_wait3A_244 = tpu.memref_slice %arg11[%dma_wait3A_239, %dma_wait3A_243] : memref<200x128xi32, #tpu.memory_space<vmem>> -> memref<1x128xi32, #tpu.memory_space<vmem>>
    %dma_wait3A_245 = tpu.memref_squeeze %dma_wait3A_244 : memref<1x128xi32, #tpu.memory_space<vmem>> -> memref<128xi32, #tpu.memory_space<vmem>>
    %dma_wait3A_246 = arith.constant 0 : i32
    %dma_wait3A_247 = arith.constant 0 : i32
    %dma_wait3A_248 = tpu.memref_slice %arg7[%dma_wait3A_246, %dma_wait3A_247] : memref<100000x32xf32, #tpu.memory_space<hbm>> -> memref<100000x32xf32, #tpu.memory_space<hbm>>
    tpu.wait_indirect_dma semaphore(%arg21 : memref<!tpu.dma_semaphore, #tpu.memory_space<semaphore_mem>>) src(%dma_wait3A_248 : memref<100000x32xf32, #tpu.memory_space<hbm>>) dst(%dma_wait3A_242 : memref<128x32xf32, #tpu.memory_space<vmem>>)
    %add3A_249 = arith.constant 0 : i32
    %add3A_250 = arith.addi %mul3A_4, %add3A_249 : i32
    %dma_start3A_251 = arith.constant 0 : i32
    %dma_start3A_252 = tpu.memref_slice %arg8[%add3A_250, %dma_start3A_251] : memref<819200x128xf32, #tpu.memory_space<hbm>> -> memref<256x32xf32, #tpu.memory_space<hbm>>
    %dma_start3A_253 = arith.constant 0 : i32
    %dma_start3A_254 = tpu.memref_slice %arg8[%add3A_250, %dma_start3A_253] : memref<819200x128xf32, #tpu.memory_space<hbm>> -> memref<256x32xf32, #tpu.memory_space<hbm>>
    tpu.enqueue_dma source(%arg12 : memref<256x32xf32, #tpu.memory_space<vmem>>) target(%dma_start3A_254 : memref<256x32xf32, #tpu.memory_space<hbm>>) target_semaphore(%arg25 : memref<!tpu.dma_semaphore, #tpu.memory_space<semaphore_mem>>)
    %dma_start3A_255 = arith.constant 6 : i32
    %dma_start3A_256 = arith.constant 0 : i32
    %dma_start3A_257 = arith.constant 0 : i32
    %dma_start3A_258 = tpu.memref_slice %arg15[%dma_start3A_256, %dma_start3A_257] : memref<256x32xf32, #tpu.memory_space<vmem>> -> memref<128x32xf32, #tpu.memory_space<vmem>>
    %dma_start3A_259 = arith.constant 0 : i32
    %dma_start3A_260 = tpu.memref_slice %arg9[%dma_start3A_255, %dma_start3A_259] : memref<200x128xi32, #tpu.memory_space<vmem>> -> memref<1x128xi32, #tpu.memory_space<vmem>>
    %dma_start3A_261 = tpu.memref_squeeze %dma_start3A_260 : memref<1x128xi32, #tpu.memory_space<vmem>> -> memref<128xi32, #tpu.memory_space<vmem>>
    %dma_start3A_262 = arith.constant 0 : i32
    %dma_start3A_263 = arith.constant 0 : i32
    %dma_start3A_264 = tpu.memref_slice %arg16[%dma_start3A_262, %dma_start3A_263] : memref<1000x32xf32, #tpu.memory_space<vmem_shared>> -> memref<1000x32xf32, #tpu.memory_space<vmem_shared>>
    tpu.enqueue_indirect_dma source(%dma_start3A_264 : memref<1000x32xf32, #tpu.memory_space<vmem_shared>>) target(%dma_start3A_258 : memref<128x32xf32, #tpu.memory_space<vmem>>) offsets(%dma_start3A_261 : memref<128xi32, #tpu.memory_space<vmem>>) semaphore(%arg20 : memref<!tpu.dma_semaphore, #tpu.memory_space<semaphore_mem>>)
    %dma_start3A_265 = arith.constant 7 : i32
    %dma_start3A_266 = arith.constant 128 : i32
    %dma_start3A_267 = arith.constant 0 : i32
    %dma_start3A_268 = tpu.memref_slice %arg15[%dma_start3A_266, %dma_start3A_267] : memref<256x32xf32, #tpu.memory_space<vmem>> -> memref<128x32xf32, #tpu.memory_space<vmem>>
    %dma_start3A_269 = arith.constant 0 : i32
    %dma_start3A_270 = tpu.memref_slice %arg9[%dma_start3A_265, %dma_start3A_269] : memref<200x128xi32, #tpu.memory_space<vmem>> -> memref<1x128xi32, #tpu.memory_space<vmem>>
    %dma_start3A_271 = tpu.memref_squeeze %dma_start3A_270 : memref<1x128xi32, #tpu.memory_space<vmem>> -> memref<128xi32, #tpu.memory_space<vmem>>
    %dma_start3A_272 = arith.constant 0 : i32
    %dma_start3A_273 = arith.constant 0 : i32
    %dma_start3A_274 = tpu.memref_slice %arg16[%dma_start3A_272, %dma_start3A_273] : memref<1000x32xf32, #tpu.memory_space<vmem_shared>> -> memref<1000x32xf32, #tpu.memory_space<vmem_shared>>
    tpu.enqueue_indirect_dma source(%dma_start3A_274 : memref<1000x32xf32, #tpu.memory_space<vmem_shared>>) target(%dma_start3A_268 : memref<128x32xf32, #tpu.memory_space<vmem>>) offsets(%dma_start3A_271 : memref<128xi32, #tpu.memory_space<vmem>>) semaphore(%arg20 : memref<!tpu.dma_semaphore, #tpu.memory_space<semaphore_mem>>)
    %dma_wait3A_275 = arith.constant 4 : i32
    %dma_wait3A_276 = arith.constant 0 : i32
    %dma_wait3A_277 = arith.constant 0 : i32
    %dma_wait3A_278 = tpu.memref_slice %arg14[%dma_wait3A_276, %dma_wait3A_277] : memref<256x32xf32, #tpu.memory_space<vmem>> -> memref<128x32xf32, #tpu.memory_space<vmem>>
    %dma_wait3A_279 = arith.constant 0 : i32
    %dma_wait3A_280 = tpu.memref_slice %arg9[%dma_wait3A_275, %dma_wait3A_279] : memref<200x128xi32, #tpu.memory_space<vmem>> -> memref<1x128xi32, #tpu.memory_space<vmem>>
    %dma_wait3A_281 = tpu.memref_squeeze %dma_wait3A_280 : memref<1x128xi32, #tpu.memory_space<vmem>> -> memref<128xi32, #tpu.memory_space<vmem>>
    %dma_wait3A_282 = arith.constant 0 : i32
    %dma_wait3A_283 = arith.constant 0 : i32
    %dma_wait3A_284 = tpu.memref_slice %arg16[%dma_wait3A_282, %dma_wait3A_283] : memref<1000x32xf32, #tpu.memory_space<vmem_shared>> -> memref<1000x32xf32, #tpu.memory_space<vmem_shared>>
    tpu.wait_indirect_dma semaphore(%arg19 : memref<!tpu.dma_semaphore, #tpu.memory_space<semaphore_mem>>) src(%dma_wait3A_284 : memref<1000x32xf32, #tpu.memory_space<vmem_shared>>) dst(%dma_wait3A_278 : memref<128x32xf32, #tpu.memory_space<vmem>>)
    %dma_wait3A_285 = arith.constant 5 : i32
    %dma_wait3A_286 = arith.constant 128 : i32
    %dma_wait3A_287 = arith.constant 0 : i32
    %dma_wait3A_288 = tpu.memref_slice %arg14[%dma_wait3A_286, %dma_wait3A_287] : memref<256x32xf32, #tpu.memory_space<vmem>> -> memref<128x32xf32, #tpu.memory_space<vmem>>
    %dma_wait3A_289 = arith.constant 0 : i32
    %dma_wait3A_290 = tpu.memref_slice %arg9[%dma_wait3A_285, %dma_wait3A_289] : memref<200x128xi32, #tpu.memory_space<vmem>> -> memref<1x128xi32, #tpu.memory_space<vmem>>
    %dma_wait3A_291 = tpu.memref_squeeze %dma_wait3A_290 : memref<1x128xi32, #tpu.memory_space<vmem>> -> memref<128xi32, #tpu.memory_space<vmem>>
    %dma_wait3A_292 = arith.constant 0 : i32
    %dma_wait3A_293 = arith.constant 0 : i32
    %dma_wait3A_294 = tpu.memref_slice %arg16[%dma_wait3A_292, %dma_wait3A_293] : memref<1000x32xf32, #tpu.memory_space<vmem_shared>> -> memref<1000x32xf32, #tpu.memory_space<vmem_shared>>
    tpu.wait_indirect_dma semaphore(%arg19 : memref<!tpu.dma_semaphore, #tpu.memory_space<semaphore_mem>>) src(%dma_wait3A_294 : memref<1000x32xf32, #tpu.memory_space<vmem_shared>>) dst(%dma_wait3A_288 : memref<128x32xf32, #tpu.memory_space<vmem>>)
    %dma_start3A_295 = arith.constant 4 : i32
    %dma_start3A_296 = arith.constant 0 : i32
    %dma_start3A_297 = arith.constant 0 : i32
    %dma_start3A_298 = tpu.memref_slice %arg14[%dma_start3A_296, %dma_start3A_297] : memref<256x32xf32, #tpu.memory_space<vmem>> -> memref<128x32xf32, #tpu.memory_space<vmem>>
    %dma_start3A_299 = arith.constant 0 : i32
    %dma_start3A_300 = tpu.memref_slice %arg10[%dma_start3A_295, %dma_start3A_299] : memref<200x128xi32, #tpu.memory_space<vmem>> -> memref<1x128xi32, #tpu.memory_space<vmem>>
    %dma_start3A_301 = tpu.memref_squeeze %dma_start3A_300 : memref<1x128xi32, #tpu.memory_space<vmem>> -> memref<128xi32, #tpu.memory_space<vmem>>
    %dma_start3A_302 = arith.constant 0 : i32
    %dma_start3A_303 = arith.constant 0 : i32
    %dma_start3A_304 = tpu.memref_slice %arg6[%dma_start3A_302, %dma_start3A_303] : memref<1000000x32xf32, #tpu.memory_space<hbm>> -> memref<1000000x32xf32, #tpu.memory_space<hbm>>
    tpu.enqueue_indirect_dma source(%dma_start3A_304 : memref<1000000x32xf32, #tpu.memory_space<hbm>>) target(%dma_start3A_298 : memref<128x32xf32, #tpu.memory_space<vmem>>) offsets(%dma_start3A_301 : memref<128xi32, #tpu.memory_space<vmem>>) semaphore(%arg23 : memref<!tpu.dma_semaphore, #tpu.memory_space<semaphore_mem>>) {add = true}
    %dma_start3A_305 = arith.constant 4 : i32
    %dma_start3A_306 = arith.constant 0 : i32
    %dma_start3A_307 = arith.constant 0 : i32
    %dma_start3A_308 = tpu.memref_slice %arg14[%dma_start3A_306, %dma_start3A_307] : memref<256x32xf32, #tpu.memory_space<vmem>> -> memref<128x32xf32, #tpu.memory_space<vmem>>
    %dma_start3A_309 = arith.constant 0 : i32
    %dma_start3A_310 = tpu.memref_slice %arg11[%dma_start3A_305, %dma_start3A_309] : memref<200x128xi32, #tpu.memory_space<vmem>> -> memref<1x128xi32, #tpu.memory_space<vmem>>
    %dma_start3A_311 = tpu.memref_squeeze %dma_start3A_310 : memref<1x128xi32, #tpu.memory_space<vmem>> -> memref<128xi32, #tpu.memory_space<vmem>>
    %dma_start3A_312 = arith.constant 0 : i32
    %dma_start3A_313 = arith.constant 0 : i32
    %dma_start3A_314 = tpu.memref_slice %arg7[%dma_start3A_312, %dma_start3A_313] : memref<100000x32xf32, #tpu.memory_space<hbm>> -> memref<100000x32xf32, #tpu.memory_space<hbm>>
    tpu.enqueue_indirect_dma source(%dma_start3A_314 : memref<100000x32xf32, #tpu.memory_space<hbm>>) target(%dma_start3A_308 : memref<128x32xf32, #tpu.memory_space<vmem>>) offsets(%dma_start3A_311 : memref<128xi32, #tpu.memory_space<vmem>>) semaphore(%arg23 : memref<!tpu.dma_semaphore, #tpu.memory_space<semaphore_mem>>) {add = true}
    %dma_start3A_315 = arith.constant 5 : i32
    %dma_start3A_316 = arith.constant 128 : i32
    %dma_start3A_317 = arith.constant 0 : i32
    %dma_start3A_318 = tpu.memref_slice %arg14[%dma_start3A_316, %dma_start3A_317] : memref<256x32xf32, #tpu.memory_space<vmem>> -> memref<128x32xf32, #tpu.memory_space<vmem>>
    %dma_start3A_319 = arith.constant 0 : i32
    %dma_start3A_320 = tpu.memref_slice %arg10[%dma_start3A_315, %dma_start3A_319] : memref<200x128xi32, #tpu.memory_space<vmem>> -> memref<1x128xi32, #tpu.memory_space<vmem>>
    %dma_start3A_321 = tpu.memref_squeeze %dma_start3A_320 : memref<1x128xi32, #tpu.memory_space<vmem>> -> memref<128xi32, #tpu.memory_space<vmem>>
    %dma_start3A_322 = arith.constant 0 : i32
    %dma_start3A_323 = arith.constant 0 : i32
    %dma_start3A_324 = tpu.memref_slice %arg6[%dma_start3A_322, %dma_start3A_323] : memref<1000000x32xf32, #tpu.memory_space<hbm>> -> memref<1000000x32xf32, #tpu.memory_space<hbm>>
    tpu.enqueue_indirect_dma source(%dma_start3A_324 : memref<1000000x32xf32, #tpu.memory_space<hbm>>) target(%dma_start3A_318 : memref<128x32xf32, #tpu.memory_space<vmem>>) offsets(%dma_start3A_321 : memref<128xi32, #tpu.memory_space<vmem>>) semaphore(%arg23 : memref<!tpu.dma_semaphore, #tpu.memory_space<semaphore_mem>>) {add = true}
    %dma_start3A_325 = arith.constant 5 : i32
    %dma_start3A_326 = arith.constant 128 : i32
    %dma_start3A_327 = arith.constant 0 : i32
    %dma_start3A_328 = tpu.memref_slice %arg14[%dma_start3A_326, %dma_start3A_327] : memref<256x32xf32, #tpu.memory_space<vmem>> -> memref<128x32xf32, #tpu.memory_space<vmem>>
    %dma_start3A_329 = arith.constant 0 : i32
    %dma_start3A_330 = tpu.memref_slice %arg11[%dma_start3A_325, %dma_start3A_329] : memref<200x128xi32, #tpu.memory_space<vmem>> -> memref<1x128xi32, #tpu.memory_space<vmem>>
    %dma_start3A_331 = tpu.memref_squeeze %dma_start3A_330 : memref<1x128xi32, #tpu.memory_space<vmem>> -> memref<128xi32, #tpu.memory_space<vmem>>
    %dma_start3A_332 = arith.constant 0 : i32
    %dma_start3A_333 = arith.constant 0 : i32
    %dma_start3A_334 = tpu.memref_slice %arg7[%dma_start3A_332, %dma_start3A_333] : memref<100000x32xf32, #tpu.memory_space<hbm>> -> memref<100000x32xf32, #tpu.memory_space<hbm>>
    tpu.enqueue_indirect_dma source(%dma_start3A_334 : memref<100000x32xf32, #tpu.memory_space<hbm>>) target(%dma_start3A_328 : memref<128x32xf32, #tpu.memory_space<vmem>>) offsets(%dma_start3A_331 : memref<128xi32, #tpu.memory_space<vmem>>) semaphore(%arg23 : memref<!tpu.dma_semaphore, #tpu.memory_space<semaphore_mem>>) {add = true}
    %dma_wait3A_335 = arith.constant 2 : i32
    %dma_wait3A_336 = arith.constant 0 : i32
    %dma_wait3A_337 = arith.constant 0 : i32
    %dma_wait3A_338 = tpu.memref_slice %arg13[%dma_wait3A_336, %dma_wait3A_337] : memref<256x32xf32, #tpu.memory_space<vmem>> -> memref<128x32xf32, #tpu.memory_space<vmem>>
    %dma_wait3A_339 = arith.constant 0 : i32
    %dma_wait3A_340 = tpu.memref_slice %arg10[%dma_wait3A_335, %dma_wait3A_339] : memref<200x128xi32, #tpu.memory_space<vmem>> -> memref<1x128xi32, #tpu.memory_space<vmem>>
    %dma_wait3A_341 = tpu.memref_squeeze %dma_wait3A_340 : memref<1x128xi32, #tpu.memory_space<vmem>> -> memref<128xi32, #tpu.memory_space<vmem>>
    %dma_wait3A_342 = arith.constant 0 : i32
    %dma_wait3A_343 = arith.constant 0 : i32
    %dma_wait3A_344 = tpu.memref_slice %arg6[%dma_wait3A_342, %dma_wait3A_343] : memref<1000000x32xf32, #tpu.memory_space<hbm>> -> memref<1000000x32xf32, #tpu.memory_space<hbm>>
    tpu.wait_indirect_dma semaphore(%arg22 : memref<!tpu.dma_semaphore, #tpu.memory_space<semaphore_mem>>) src(%dma_wait3A_344 : memref<1000000x32xf32, #tpu.memory_space<hbm>>) dst(%dma_wait3A_338 : memref<128x32xf32, #tpu.memory_space<vmem>>)
    %dma_wait3A_345 = arith.constant 2 : i32
    %dma_wait3A_346 = arith.constant 0 : i32
    %dma_wait3A_347 = arith.constant 0 : i32
    %dma_wait3A_348 = tpu.memref_slice %arg13[%dma_wait3A_346, %dma_wait3A_347] : memref<256x32xf32, #tpu.memory_space<vmem>> -> memref<128x32xf32, #tpu.memory_space<vmem>>
    %dma_wait3A_349 = arith.constant 0 : i32
    %dma_wait3A_350 = tpu.memref_slice %arg11[%dma_wait3A_345, %dma_wait3A_349] : memref<200x128xi32, #tpu.memory_space<vmem>> -> memref<1x128xi32, #tpu.memory_space<vmem>>
    %dma_wait3A_351 = tpu.memref_squeeze %dma_wait3A_350 : memref<1x128xi32, #tpu.memory_space<vmem>> -> memref<128xi32, #tpu.memory_space<vmem>>
    %dma_wait3A_352 = arith.constant 0 : i32
    %dma_wait3A_353 = arith.constant 0 : i32
    %dma_wait3A_354 = tpu.memref_slice %arg7[%dma_wait3A_352, %dma_wait3A_353] : memref<100000x32xf32, #tpu.memory_space<hbm>> -> memref<100000x32xf32, #tpu.memory_space<hbm>>
    tpu.wait_indirect_dma semaphore(%arg22 : memref<!tpu.dma_semaphore, #tpu.memory_space<semaphore_mem>>) src(%dma_wait3A_354 : memref<100000x32xf32, #tpu.memory_space<hbm>>) dst(%dma_wait3A_348 : memref<128x32xf32, #tpu.memory_space<vmem>>)
    %dma_wait3A_355 = arith.constant 3 : i32
    %dma_wait3A_356 = arith.constant 128 : i32
    %dma_wait3A_357 = arith.constant 0 : i32
    %dma_wait3A_358 = tpu.memref_slice %arg13[%dma_wait3A_356, %dma_wait3A_357] : memref<256x32xf32, #tpu.memory_space<vmem>> -> memref<128x32xf32, #tpu.memory_space<vmem>>
    %dma_wait3A_359 = arith.constant 0 : i32
    %dma_wait3A_360 = tpu.memref_slice %arg10[%dma_wait3A_355, %dma_wait3A_359] : memref<200x128xi32, #tpu.memory_space<vmem>> -> memref<1x128xi32, #tpu.memory_space<vmem>>
    %dma_wait3A_361 = tpu.memref_squeeze %dma_wait3A_360 : memref<1x128xi32, #tpu.memory_space<vmem>> -> memref<128xi32, #tpu.memory_space<vmem>>
    %dma_wait3A_362 = arith.constant 0 : i32
    %dma_wait3A_363 = arith.constant 0 : i32
    %dma_wait3A_364 = tpu.memref_slice %arg6[%dma_wait3A_362, %dma_wait3A_363] : memref<1000000x32xf32, #tpu.memory_space<hbm>> -> memref<1000000x32xf32, #tpu.memory_space<hbm>>
    tpu.wait_indirect_dma semaphore(%arg22 : memref<!tpu.dma_semaphore, #tpu.memory_space<semaphore_mem>>) src(%dma_wait3A_364 : memref<1000000x32xf32, #tpu.memory_space<hbm>>) dst(%dma_wait3A_358 : memref<128x32xf32, #tpu.memory_space<vmem>>)
    %dma_wait3A_365 = arith.constant 3 : i32
    %dma_wait3A_366 = arith.constant 128 : i32
    %dma_wait3A_367 = arith.constant 0 : i32
    %dma_wait3A_368 = tpu.memref_slice %arg13[%dma_wait3A_366, %dma_wait3A_367] : memref<256x32xf32, #tpu.memory_space<vmem>> -> memref<128x32xf32, #tpu.memory_space<vmem>>
    %dma_wait3A_369 = arith.constant 0 : i32
    %dma_wait3A_370 = tpu.memref_slice %arg11[%dma_wait3A_365, %dma_wait3A_369] : memref<200x128xi32, #tpu.memory_space<vmem>> -> memref<1x128xi32, #tpu.memory_space<vmem>>
    %dma_wait3A_371 = tpu.memref_squeeze %dma_wait3A_370 : memref<1x128xi32, #tpu.memory_space<vmem>> -> memref<128xi32, #tpu.memory_space<vmem>>
    %dma_wait3A_372 = arith.constant 0 : i32
    %dma_wait3A_373 = arith.constant 0 : i32
    %dma_wait3A_374 = tpu.memref_slice %arg7[%dma_wait3A_372, %dma_wait3A_373] : memref<100000x32xf32, #tpu.memory_space<hbm>> -> memref<100000x32xf32, #tpu.memory_space<hbm>>
    tpu.wait_indirect_dma semaphore(%arg22 : memref<!tpu.dma_semaphore, #tpu.memory_space<semaphore_mem>>) src(%dma_wait3A_374 : memref<100000x32xf32, #tpu.memory_space<hbm>>) dst(%dma_wait3A_368 : memref<128x32xf32, #tpu.memory_space<vmem>>)
    %add3A_375 = arith.constant 256 : i32
    %add3A_376 = arith.addi %mul3A_4, %add3A_375 : i32
    %dma_start3A_377 = arith.constant 0 : i32
    %dma_start3A_378 = tpu.memref_slice %arg8[%add3A_376, %dma_start3A_377] : memref<819200x128xf32, #tpu.memory_space<hbm>> -> memref<256x32xf32, #tpu.memory_space<hbm>>
    %dma_start3A_379 = arith.constant 0 : i32
    %dma_start3A_380 = tpu.memref_slice %arg8[%add3A_376, %dma_start3A_379] : memref<819200x128xf32, #tpu.memory_space<hbm>> -> memref<256x32xf32, #tpu.memory_space<hbm>>
    tpu.enqueue_dma source(%arg13 : memref<256x32xf32, #tpu.memory_space<vmem>>) target(%dma_start3A_380 : memref<256x32xf32, #tpu.memory_space<hbm>>) target_semaphore(%arg26 : memref<!tpu.dma_semaphore, #tpu.memory_space<semaphore_mem>>)
    %scan3A = arith.constant 0 : i32
    %scan3A_381 = arith.constant 1 : i32
    %scan3A_382 = arith.constant 24 : i32
    %scan3A_383 = arith.addi %scan3A_381, %scan3A_382 : i32
    %scan3A_384 = arith.constant 1 : i32
    scf.for %scan3A_562 = %scan3A_381 to %scan3A_383 step %scan3A_384  : i32 {
      %mul3A_563 = arith.constant 4 : i32
      %mul3A_564 = arith.muli %scan3A_562, %mul3A_563 : i32
      %add3A_565 = arith.constant 0 : i32
      %add3A_566 = arith.addi %mul3A_564, %add3A_565 : i32
      %sub3A = arith.constant 4 : i32
      %sub3A_567 = arith.subi %add3A_566, %sub3A : i32
      %mul3A_568 = arith.constant 256 : i32
      %mul3A_569 = arith.muli %sub3A_567, %mul3A_568 : i32
      %add3A_570 = arith.addi %mul3A_4, %mul3A_569 : i32
      %dma_wait3A_571 = arith.constant 0 : i32
      %dma_wait3A_572 = tpu.memref_slice %arg8[%add3A_570, %dma_wait3A_571] : memref<819200x128xf32, #tpu.memory_space<hbm>> -> memref<256x32xf32, #tpu.memory_space<hbm>>
      %dma_wait3A_573 = arith.constant 0 : i32
      %dma_wait3A_574 = tpu.memref_slice %arg8[%add3A_570, %dma_wait3A_573] : memref<819200x128xf32, #tpu.memory_space<hbm>> -> memref<256x32xf32, #tpu.memory_space<hbm>>
      tpu.wait_dma2 semaphore(%arg25 : memref<!tpu.dma_semaphore, #tpu.memory_space<semaphore_mem>>) src(%arg12 : memref<256x32xf32, #tpu.memory_space<vmem>>) dst(%dma_wait3A_574 : memref<256x32xf32, #tpu.memory_space<hbm>>)
      %mul3A_575 = arith.constant 2 : i32
      %mul3A_576 = arith.muli %add3A_566, %mul3A_575 : i32
      %add3A_577 = arith.constant 0 : i32
      %add3A_578 = arith.addi %mul3A_576, %add3A_577 : i32
      %dma_start3A_579 = arith.constant 0 : i32
      %dma_start3A_580 = arith.constant 0 : i32
      %dma_start3A_581 = tpu.memref_slice %arg12[%dma_start3A_579, %dma_start3A_580] : memref<256x32xf32, #tpu.memory_space<vmem>> -> memref<128x32xf32, #tpu.memory_space<vmem>>
      %dma_start3A_582 = arith.constant 0 : i32
      %dma_start3A_583 = tpu.memref_slice %arg9[%add3A_578, %dma_start3A_582] : memref<200x128xi32, #tpu.memory_space<vmem>> -> memref<1x128xi32, #tpu.memory_space<vmem>>
      %dma_start3A_584 = tpu.memref_squeeze %dma_start3A_583 : memref<1x128xi32, #tpu.memory_space<vmem>> -> memref<128xi32, #tpu.memory_space<vmem>>
      %dma_start3A_585 = arith.constant 0 : i32
      %dma_start3A_586 = arith.constant 0 : i32
      %dma_start3A_587 = tpu.memref_slice %arg16[%dma_start3A_585, %dma_start3A_586] : memref<1000x32xf32, #tpu.memory_space<vmem_shared>> -> memref<1000x32xf32, #tpu.memory_space<vmem_shared>>
      tpu.enqueue_indirect_dma source(%dma_start3A_587 : memref<1000x32xf32, #tpu.memory_space<vmem_shared>>) target(%dma_start3A_581 : memref<128x32xf32, #tpu.memory_space<vmem>>) offsets(%dma_start3A_584 : memref<128xi32, #tpu.memory_space<vmem>>) semaphore(%arg17 : memref<!tpu.dma_semaphore, #tpu.memory_space<semaphore_mem>>)
      %mul3A_588 = arith.constant 2 : i32
      %mul3A_589 = arith.muli %add3A_566, %mul3A_588 : i32
      %add3A_590 = arith.constant 1 : i32
      %add3A_591 = arith.addi %mul3A_589, %add3A_590 : i32
      %dma_start3A_592 = arith.constant 128 : i32
      %dma_start3A_593 = arith.constant 0 : i32
      %dma_start3A_594 = tpu.memref_slice %arg12[%dma_start3A_592, %dma_start3A_593] : memref<256x32xf32, #tpu.memory_space<vmem>> -> memref<128x32xf32, #tpu.memory_space<vmem>>
      %dma_start3A_595 = arith.constant 0 : i32
      %dma_start3A_596 = tpu.memref_slice %arg9[%add3A_591, %dma_start3A_595] : memref<200x128xi32, #tpu.memory_space<vmem>> -> memref<1x128xi32, #tpu.memory_space<vmem>>
      %dma_start3A_597 = tpu.memref_squeeze %dma_start3A_596 : memref<1x128xi32, #tpu.memory_space<vmem>> -> memref<128xi32, #tpu.memory_space<vmem>>
      %dma_start3A_598 = arith.constant 0 : i32
      %dma_start3A_599 = arith.constant 0 : i32
      %dma_start3A_600 = tpu.memref_slice %arg16[%dma_start3A_598, %dma_start3A_599] : memref<1000x32xf32, #tpu.memory_space<vmem_shared>> -> memref<1000x32xf32, #tpu.memory_space<vmem_shared>>
      tpu.enqueue_indirect_dma source(%dma_start3A_600 : memref<1000x32xf32, #tpu.memory_space<vmem_shared>>) target(%dma_start3A_594 : memref<128x32xf32, #tpu.memory_space<vmem>>) offsets(%dma_start3A_597 : memref<128xi32, #tpu.memory_space<vmem>>) semaphore(%arg17 : memref<!tpu.dma_semaphore, #tpu.memory_space<semaphore_mem>>)
      %sub3A_601 = arith.constant 1 : i32
      %sub3A_602 = arith.subi %add3A_566, %sub3A_601 : i32
      %mul3A_603 = arith.constant 2 : i32
      %mul3A_604 = arith.muli %sub3A_602, %mul3A_603 : i32
      %add3A_605 = arith.constant 0 : i32
      %add3A_606 = arith.addi %mul3A_604, %add3A_605 : i32
      %dma_wait3A_607 = arith.constant 0 : i32
      %dma_wait3A_608 = arith.constant 0 : i32
      %dma_wait3A_609 = tpu.memref_slice %arg15[%dma_wait3A_607, %dma_wait3A_608] : memref<256x32xf32, #tpu.memory_space<vmem>> -> memref<128x32xf32, #tpu.memory_space<vmem>>
      %dma_wait3A_610 = arith.constant 0 : i32
      %dma_wait3A_611 = tpu.memref_slice %arg9[%add3A_606, %dma_wait3A_610] : memref<200x128xi32, #tpu.memory_space<vmem>> -> memref<1x128xi32, #tpu.memory_space<vmem>>
      %dma_wait3A_612 = tpu.memref_squeeze %dma_wait3A_611 : memref<1x128xi32, #tpu.memory_space<vmem>> -> memref<128xi32, #tpu.memory_space<vmem>>
      %dma_wait3A_613 = arith.constant 0 : i32
      %dma_wait3A_614 = arith.constant 0 : i32
      %dma_wait3A_615 = tpu.memref_slice %arg16[%dma_wait3A_613, %dma_wait3A_614] : memref<1000x32xf32, #tpu.memory_space<vmem_shared>> -> memref<1000x32xf32, #tpu.memory_space<vmem_shared>>
      tpu.wait_indirect_dma semaphore(%arg20 : memref<!tpu.dma_semaphore, #tpu.memory_space<semaphore_mem>>) src(%dma_wait3A_615 : memref<1000x32xf32, #tpu.memory_space<vmem_shared>>) dst(%dma_wait3A_609 : memref<128x32xf32, #tpu.memory_space<vmem>>)
      %mul3A_616 = arith.constant 2 : i32
      %mul3A_617 = arith.muli %sub3A_602, %mul3A_616 : i32
      %add3A_618 = arith.constant 1 : i32
      %add3A_619 = arith.addi %mul3A_617, %add3A_618 : i32
      %dma_wait3A_620 = arith.constant 128 : i32
      %dma_wait3A_621 = arith.constant 0 : i32
      %dma_wait3A_622 = tpu.memref_slice %arg15[%dma_wait3A_620, %dma_wait3A_621] : memref<256x32xf32, #tpu.memory_space<vmem>> -> memref<128x32xf32, #tpu.memory_space<vmem>>
      %dma_wait3A_623 = arith.constant 0 : i32
      %dma_wait3A_624 = tpu.memref_slice %arg9[%add3A_619, %dma_wait3A_623] : memref<200x128xi32, #tpu.memory_space<vmem>> -> memref<1x128xi32, #tpu.memory_space<vmem>>
      %dma_wait3A_625 = tpu.memref_squeeze %dma_wait3A_624 : memref<1x128xi32, #tpu.memory_space<vmem>> -> memref<128xi32, #tpu.memory_space<vmem>>
      %dma_wait3A_626 = arith.constant 0 : i32
      %dma_wait3A_627 = arith.constant 0 : i32
      %dma_wait3A_628 = tpu.memref_slice %arg16[%dma_wait3A_626, %dma_wait3A_627] : memref<1000x32xf32, #tpu.memory_space<vmem_shared>> -> memref<1000x32xf32, #tpu.memory_space<vmem_shared>>
      tpu.wait_indirect_dma semaphore(%arg20 : memref<!tpu.dma_semaphore, #tpu.memory_space<semaphore_mem>>) src(%dma_wait3A_628 : memref<1000x32xf32, #tpu.memory_space<vmem_shared>>) dst(%dma_wait3A_622 : memref<128x32xf32, #tpu.memory_space<vmem>>)
      %sub3A_629 = arith.constant 1 : i32
      %sub3A_630 = arith.subi %add3A_566, %sub3A_629 : i32
      %mul3A_631 = arith.constant 2 : i32
      %mul3A_632 = arith.muli %sub3A_630, %mul3A_631 : i32
      %add3A_633 = arith.constant 0 : i32
      %add3A_634 = arith.addi %mul3A_632, %add3A_633 : i32
      %mul3A_635 = arith.constant 2 : i32
      %mul3A_636 = arith.muli %sub3A_630, %mul3A_635 : i32
      %add3A_637 = arith.constant 0 : i32
      %add3A_638 = arith.addi %mul3A_636, %add3A_637 : i32
      %dma_start3A_639 = arith.constant 0 : i32
      %dma_start3A_640 = arith.constant 0 : i32
      %dma_start3A_641 = tpu.memref_slice %arg15[%dma_start3A_639, %dma_start3A_640] : memref<256x32xf32, #tpu.memory_space<vmem>> -> memref<128x32xf32, #tpu.memory_space<vmem>>
      %dma_start3A_642 = arith.constant 0 : i32
      %dma_start3A_643 = tpu.memref_slice %arg10[%add3A_634, %dma_start3A_642] : memref<200x128xi32, #tpu.memory_space<vmem>> -> memref<1x128xi32, #tpu.memory_space<vmem>>
      %dma_start3A_644 = tpu.memref_squeeze %dma_start3A_643 : memref<1x128xi32, #tpu.memory_space<vmem>> -> memref<128xi32, #tpu.memory_space<vmem>>
      %dma_start3A_645 = arith.constant 0 : i32
      %dma_start3A_646 = arith.constant 0 : i32
      %dma_start3A_647 = tpu.memref_slice %arg6[%dma_start3A_645, %dma_start3A_646] : memref<1000000x32xf32, #tpu.memory_space<hbm>> -> memref<1000000x32xf32, #tpu.memory_space<hbm>>
      tpu.enqueue_indirect_dma source(%dma_start3A_647 : memref<1000000x32xf32, #tpu.memory_space<hbm>>) target(%dma_start3A_641 : memref<128x32xf32, #tpu.memory_space<vmem>>) offsets(%dma_start3A_644 : memref<128xi32, #tpu.memory_space<vmem>>) semaphore(%arg24 : memref<!tpu.dma_semaphore, #tpu.memory_space<semaphore_mem>>) {add = true}
      %dma_start3A_648 = arith.constant 0 : i32
      %dma_start3A_649 = arith.constant 0 : i32
      %dma_start3A_650 = tpu.memref_slice %arg15[%dma_start3A_648, %dma_start3A_649] : memref<256x32xf32, #tpu.memory_space<vmem>> -> memref<128x32xf32, #tpu.memory_space<vmem>>
      %dma_start3A_651 = arith.constant 0 : i32
      %dma_start3A_652 = tpu.memref_slice %arg11[%add3A_638, %dma_start3A_651] : memref<200x128xi32, #tpu.memory_space<vmem>> -> memref<1x128xi32, #tpu.memory_space<vmem>>
      %dma_start3A_653 = tpu.memref_squeeze %dma_start3A_652 : memref<1x128xi32, #tpu.memory_space<vmem>> -> memref<128xi32, #tpu.memory_space<vmem>>
      %dma_start3A_654 = arith.constant 0 : i32
      %dma_start3A_655 = arith.constant 0 : i32
      %dma_start3A_656 = tpu.memref_slice %arg7[%dma_start3A_654, %dma_start3A_655] : memref<100000x32xf32, #tpu.memory_space<hbm>> -> memref<100000x32xf32, #tpu.memory_space<hbm>>
      tpu.enqueue_indirect_dma source(%dma_start3A_656 : memref<100000x32xf32, #tpu.memory_space<hbm>>) target(%dma_start3A_650 : memref<128x32xf32, #tpu.memory_space<vmem>>) offsets(%dma_start3A_653 : memref<128xi32, #tpu.memory_space<vmem>>) semaphore(%arg24 : memref<!tpu.dma_semaphore, #tpu.memory_space<semaphore_mem>>) {add = true}
      %mul3A_657 = arith.constant 2 : i32
      %mul3A_658 = arith.muli %sub3A_630, %mul3A_657 : i32
      %add3A_659 = arith.constant 1 : i32
      %add3A_660 = arith.addi %mul3A_658, %add3A_659 : i32
      %mul3A_661 = arith.constant 2 : i32
      %mul3A_662 = arith.muli %sub3A_630, %mul3A_661 : i32
      %add3A_663 = arith.constant 1 : i32
      %add3A_664 = arith.addi %mul3A_662, %add3A_663 : i32
      %dma_start3A_665 = arith.constant 128 : i32
      %dma_start3A_666 = arith.constant 0 : i32
      %dma_start3A_667 = tpu.memref_slice %arg15[%dma_start3A_665, %dma_start3A_666] : memref<256x32xf32, #tpu.memory_space<vmem>> -> memref<128x32xf32, #tpu.memory_space<vmem>>
      %dma_start3A_668 = arith.constant 0 : i32
      %dma_start3A_669 = tpu.memref_slice %arg10[%add3A_660, %dma_start3A_668] : memref<200x128xi32, #tpu.memory_space<vmem>> -> memref<1x128xi32, #tpu.memory_space<vmem>>
      %dma_start3A_670 = tpu.memref_squeeze %dma_start3A_669 : memref<1x128xi32, #tpu.memory_space<vmem>> -> memref<128xi32, #tpu.memory_space<vmem>>
      %dma_start3A_671 = arith.constant 0 : i32
      %dma_start3A_672 = arith.constant 0 : i32
      %dma_start3A_673 = tpu.memref_slice %arg6[%dma_start3A_671, %dma_start3A_672] : memref<1000000x32xf32, #tpu.memory_space<hbm>> -> memref<1000000x32xf32, #tpu.memory_space<hbm>>
      tpu.enqueue_indirect_dma source(%dma_start3A_673 : memref<1000000x32xf32, #tpu.memory_space<hbm>>) target(%dma_start3A_667 : memref<128x32xf32, #tpu.memory_space<vmem>>) offsets(%dma_start3A_670 : memref<128xi32, #tpu.memory_space<vmem>>) semaphore(%arg24 : memref<!tpu.dma_semaphore, #tpu.memory_space<semaphore_mem>>) {add = true}
      %dma_start3A_674 = arith.constant 128 : i32
      %dma_start3A_675 = arith.constant 0 : i32
      %dma_start3A_676 = tpu.memref_slice %arg15[%dma_start3A_674, %dma_start3A_675] : memref<256x32xf32, #tpu.memory_space<vmem>> -> memref<128x32xf32, #tpu.memory_space<vmem>>
      %dma_start3A_677 = arith.constant 0 : i32
      %dma_start3A_678 = tpu.memref_slice %arg11[%add3A_664, %dma_start3A_677] : memref<200x128xi32, #tpu.memory_space<vmem>> -> memref<1x128xi32, #tpu.memory_space<vmem>>
      %dma_start3A_679 = tpu.memref_squeeze %dma_start3A_678 : memref<1x128xi32, #tpu.memory_space<vmem>> -> memref<128xi32, #tpu.memory_space<vmem>>
      %dma_start3A_680 = arith.constant 0 : i32
      %dma_start3A_681 = arith.constant 0 : i32
      %dma_start3A_682 = tpu.memref_slice %arg7[%dma_start3A_680, %dma_start3A_681] : memref<100000x32xf32, #tpu.memory_space<hbm>> -> memref<100000x32xf32, #tpu.memory_space<hbm>>
      tpu.enqueue_indirect_dma source(%dma_start3A_682 : memref<100000x32xf32, #tpu.memory_space<hbm>>) target(%dma_start3A_676 : memref<128x32xf32, #tpu.memory_space<vmem>>) offsets(%dma_start3A_679 : memref<128xi32, #tpu.memory_space<vmem>>) semaphore(%arg24 : memref<!tpu.dma_semaphore, #tpu.memory_space<semaphore_mem>>) {add = true}
      %sub3A_683 = arith.constant 2 : i32
      %sub3A_684 = arith.subi %add3A_566, %sub3A_683 : i32
      %mul3A_685 = arith.constant 2 : i32
      %mul3A_686 = arith.muli %sub3A_684, %mul3A_685 : i32
      %add3A_687 = arith.constant 0 : i32
      %add3A_688 = arith.addi %mul3A_686, %add3A_687 : i32
      %mul3A_689 = arith.constant 2 : i32
      %mul3A_690 = arith.muli %sub3A_684, %mul3A_689 : i32
      %add3A_691 = arith.constant 0 : i32
      %add3A_692 = arith.addi %mul3A_690, %add3A_691 : i32
      %dma_wait3A_693 = arith.constant 0 : i32
      %dma_wait3A_694 = arith.constant 0 : i32
      %dma_wait3A_695 = tpu.memref_slice %arg14[%dma_wait3A_693, %dma_wait3A_694] : memref<256x32xf32, #tpu.memory_space<vmem>> -> memref<128x32xf32, #tpu.memory_space<vmem>>
      %dma_wait3A_696 = arith.constant 0 : i32
      %dma_wait3A_697 = tpu.memref_slice %arg10[%add3A_688, %dma_wait3A_696] : memref<200x128xi32, #tpu.memory_space<vmem>> -> memref<1x128xi32, #tpu.memory_space<vmem>>
      %dma_wait3A_698 = tpu.memref_squeeze %dma_wait3A_697 : memref<1x128xi32, #tpu.memory_space<vmem>> -> memref<128xi32, #tpu.memory_space<vmem>>
      %dma_wait3A_699 = arith.constant 0 : i32
      %dma_wait3A_700 = arith.constant 0 : i32
      %dma_wait3A_701 = tpu.memref_slice %arg6[%dma_wait3A_699, %dma_wait3A_700] : memref<1000000x32xf32, #tpu.memory_space<hbm>> -> memref<1000000x32xf32, #tpu.memory_space<hbm>>
      tpu.wait_indirect_dma semaphore(%arg23 : memref<!tpu.dma_semaphore, #tpu.memory_space<semaphore_mem>>) src(%dma_wait3A_701 : memref<1000000x32xf32, #tpu.memory_space<hbm>>) dst(%dma_wait3A_695 : memref<128x32xf32, #tpu.memory_space<vmem>>)
      %dma_wait3A_702 = arith.constant 0 : i32
      %dma_wait3A_703 = arith.constant 0 : i32
      %dma_wait3A_704 = tpu.memref_slice %arg14[%dma_wait3A_702, %dma_wait3A_703] : memref<256x32xf32, #tpu.memory_space<vmem>> -> memref<128x32xf32, #tpu.memory_space<vmem>>
      %dma_wait3A_705 = arith.constant 0 : i32
      %dma_wait3A_706 = tpu.memref_slice %arg11[%add3A_692, %dma_wait3A_705] : memref<200x128xi32, #tpu.memory_space<vmem>> -> memref<1x128xi32, #tpu.memory_space<vmem>>
      %dma_wait3A_707 = tpu.memref_squeeze %dma_wait3A_706 : memref<1x128xi32, #tpu.memory_space<vmem>> -> memref<128xi32, #tpu.memory_space<vmem>>
      %dma_wait3A_708 = arith.constant 0 : i32
      %dma_wait3A_709 = arith.constant 0 : i32
      %dma_wait3A_710 = tpu.memref_slice %arg7[%dma_wait3A_708, %dma_wait3A_709] : memref<100000x32xf32, #tpu.memory_space<hbm>> -> memref<100000x32xf32, #tpu.memory_space<hbm>>
      tpu.wait_indirect_dma semaphore(%arg23 : memref<!tpu.dma_semaphore, #tpu.memory_space<semaphore_mem>>) src(%dma_wait3A_710 : memref<100000x32xf32, #tpu.memory_space<hbm>>) dst(%dma_wait3A_704 : memref<128x32xf32, #tpu.memory_space<vmem>>)
      %mul3A_711 = arith.constant 2 : i32
      %mul3A_712 = arith.muli %sub3A_684, %mul3A_711 : i32
      %add3A_713 = arith.constant 1 : i32
      %add3A_714 = arith.addi %mul3A_712, %add3A_713 : i32
      %mul3A_715 = arith.constant 2 : i32
      %mul3A_716 = arith.muli %sub3A_684, %mul3A_715 : i32
      %add3A_717 = arith.constant 1 : i32
      %add3A_718 = arith.addi %mul3A_716, %add3A_717 : i32
      %dma_wait3A_719 = arith.constant 128 : i32
      %dma_wait3A_720 = arith.constant 0 : i32
      %dma_wait3A_721 = tpu.memref_slice %arg14[%dma_wait3A_719, %dma_wait3A_720] : memref<256x32xf32, #tpu.memory_space<vmem>> -> memref<128x32xf32, #tpu.memory_space<vmem>>
      %dma_wait3A_722 = arith.constant 0 : i32
      %dma_wait3A_723 = tpu.memref_slice %arg10[%add3A_714, %dma_wait3A_722] : memref<200x128xi32, #tpu.memory_space<vmem>> -> memref<1x128xi32, #tpu.memory_space<vmem>>
      %dma_wait3A_724 = tpu.memref_squeeze %dma_wait3A_723 : memref<1x128xi32, #tpu.memory_space<vmem>> -> memref<128xi32, #tpu.memory_space<vmem>>
      %dma_wait3A_725 = arith.constant 0 : i32
      %dma_wait3A_726 = arith.constant 0 : i32
      %dma_wait3A_727 = tpu.memref_slice %arg6[%dma_wait3A_725, %dma_wait3A_726] : memref<1000000x32xf32, #tpu.memory_space<hbm>> -> memref<1000000x32xf32, #tpu.memory_space<hbm>>
      tpu.wait_indirect_dma semaphore(%arg23 : memref<!tpu.dma_semaphore, #tpu.memory_space<semaphore_mem>>) src(%dma_wait3A_727 : memref<1000000x32xf32, #tpu.memory_space<hbm>>) dst(%dma_wait3A_721 : memref<128x32xf32, #tpu.memory_space<vmem>>)
      %dma_wait3A_728 = arith.constant 128 : i32
      %dma_wait3A_729 = arith.constant 0 : i32
      %dma_wait3A_730 = tpu.memref_slice %arg14[%dma_wait3A_728, %dma_wait3A_729] : memref<256x32xf32, #tpu.memory_space<vmem>> -> memref<128x32xf32, #tpu.memory_space<vmem>>
      %dma_wait3A_731 = arith.constant 0 : i32
      %dma_wait3A_732 = tpu.memref_slice %arg11[%add3A_718, %dma_wait3A_731] : memref<200x128xi32, #tpu.memory_space<vmem>> -> memref<1x128xi32, #tpu.memory_space<vmem>>
      %dma_wait3A_733 = tpu.memref_squeeze %dma_wait3A_732 : memref<1x128xi32, #tpu.memory_space<vmem>> -> memref<128xi32, #tpu.memory_space<vmem>>
      %dma_wait3A_734 = arith.constant 0 : i32
      %dma_wait3A_735 = arith.constant 0 : i32
      %dma_wait3A_736 = tpu.memref_slice %arg7[%dma_wait3A_734, %dma_wait3A_735] : memref<100000x32xf32, #tpu.memory_space<hbm>> -> memref<100000x32xf32, #tpu.memory_space<hbm>>
      tpu.wait_indirect_dma semaphore(%arg23 : memref<!tpu.dma_semaphore, #tpu.memory_space<semaphore_mem>>) src(%dma_wait3A_736 : memref<100000x32xf32, #tpu.memory_space<hbm>>) dst(%dma_wait3A_730 : memref<128x32xf32, #tpu.memory_space<vmem>>)
      %sub3A_737 = arith.constant 2 : i32
      %sub3A_738 = arith.subi %add3A_566, %sub3A_737 : i32
      %mul3A_739 = arith.constant 256 : i32
      %mul3A_740 = arith.muli %sub3A_738, %mul3A_739 : i32
      %add3A_741 = arith.addi %mul3A_4, %mul3A_740 : i32
      %dma_start3A_742 = arith.constant 0 : i32
      %dma_start3A_743 = tpu.memref_slice %arg8[%add3A_741, %dma_start3A_742] : memref<819200x128xf32, #tpu.memory_space<hbm>> -> memref<256x32xf32, #tpu.memory_space<hbm>>
      %dma_start3A_744 = arith.constant 0 : i32
      %dma_start3A_745 = tpu.memref_slice %arg8[%add3A_741, %dma_start3A_744] : memref<819200x128xf32, #tpu.memory_space<hbm>> -> memref<256x32xf32, #tpu.memory_space<hbm>>
      tpu.enqueue_dma source(%arg14 : memref<256x32xf32, #tpu.memory_space<vmem>>) target(%dma_start3A_745 : memref<256x32xf32, #tpu.memory_space<hbm>>) target_semaphore(%arg27 : memref<!tpu.dma_semaphore, #tpu.memory_space<semaphore_mem>>)
      %mul3A_746 = arith.constant 4 : i32
      %mul3A_747 = arith.muli %scan3A_562, %mul3A_746 : i32
      %add3A_748 = arith.constant 1 : i32
      %add3A_749 = arith.addi %mul3A_747, %add3A_748 : i32
      %sub3A_750 = arith.constant 4 : i32
      %sub3A_751 = arith.subi %add3A_749, %sub3A_750 : i32
      %mul3A_752 = arith.constant 256 : i32
      %mul3A_753 = arith.muli %sub3A_751, %mul3A_752 : i32
      %add3A_754 = arith.addi %mul3A_4, %mul3A_753 : i32
      %dma_wait3A_755 = arith.constant 0 : i32
      %dma_wait3A_756 = tpu.memref_slice %arg8[%add3A_754, %dma_wait3A_755] : memref<819200x128xf32, #tpu.memory_space<hbm>> -> memref<256x32xf32, #tpu.memory_space<hbm>>
      %dma_wait3A_757 = arith.constant 0 : i32
      %dma_wait3A_758 = tpu.memref_slice %arg8[%add3A_754, %dma_wait3A_757] : memref<819200x128xf32, #tpu.memory_space<hbm>> -> memref<256x32xf32, #tpu.memory_space<hbm>>
      tpu.wait_dma2 semaphore(%arg26 : memref<!tpu.dma_semaphore, #tpu.memory_space<semaphore_mem>>) src(%arg13 : memref<256x32xf32, #tpu.memory_space<vmem>>) dst(%dma_wait3A_758 : memref<256x32xf32, #tpu.memory_space<hbm>>)
      %mul3A_759 = arith.constant 2 : i32
      %mul3A_760 = arith.muli %add3A_749, %mul3A_759 : i32
      %add3A_761 = arith.constant 0 : i32
      %add3A_762 = arith.addi %mul3A_760, %add3A_761 : i32
      %dma_start3A_763 = arith.constant 0 : i32
      %dma_start3A_764 = arith.constant 0 : i32
      %dma_start3A_765 = tpu.memref_slice %arg13[%dma_start3A_763, %dma_start3A_764] : memref<256x32xf32, #tpu.memory_space<vmem>> -> memref<128x32xf32, #tpu.memory_space<vmem>>
      %dma_start3A_766 = arith.constant 0 : i32
      %dma_start3A_767 = tpu.memref_slice %arg9[%add3A_762, %dma_start3A_766] : memref<200x128xi32, #tpu.memory_space<vmem>> -> memref<1x128xi32, #tpu.memory_space<vmem>>
      %dma_start3A_768 = tpu.memref_squeeze %dma_start3A_767 : memref<1x128xi32, #tpu.memory_space<vmem>> -> memref<128xi32, #tpu.memory_space<vmem>>
      %dma_start3A_769 = arith.constant 0 : i32
      %dma_start3A_770 = arith.constant 0 : i32
      %dma_start3A_771 = tpu.memref_slice %arg16[%dma_start3A_769, %dma_start3A_770] : memref<1000x32xf32, #tpu.memory_space<vmem_shared>> -> memref<1000x32xf32, #tpu.memory_space<vmem_shared>>
      tpu.enqueue_indirect_dma source(%dma_start3A_771 : memref<1000x32xf32, #tpu.memory_space<vmem_shared>>) target(%dma_start3A_765 : memref<128x32xf32, #tpu.memory_space<vmem>>) offsets(%dma_start3A_768 : memref<128xi32, #tpu.memory_space<vmem>>) semaphore(%arg18 : memref<!tpu.dma_semaphore, #tpu.memory_space<semaphore_mem>>)
      %mul3A_772 = arith.constant 2 : i32
      %mul3A_773 = arith.muli %add3A_749, %mul3A_772 : i32
      %add3A_774 = arith.constant 1 : i32
      %add3A_775 = arith.addi %mul3A_773, %add3A_774 : i32
      %dma_start3A_776 = arith.constant 128 : i32
      %dma_start3A_777 = arith.constant 0 : i32
      %dma_start3A_778 = tpu.memref_slice %arg13[%dma_start3A_776, %dma_start3A_777] : memref<256x32xf32, #tpu.memory_space<vmem>> -> memref<128x32xf32, #tpu.memory_space<vmem>>
      %dma_start3A_779 = arith.constant 0 : i32
      %dma_start3A_780 = tpu.memref_slice %arg9[%add3A_775, %dma_start3A_779] : memref<200x128xi32, #tpu.memory_space<vmem>> -> memref<1x128xi32, #tpu.memory_space<vmem>>
      %dma_start3A_781 = tpu.memref_squeeze %dma_start3A_780 : memref<1x128xi32, #tpu.memory_space<vmem>> -> memref<128xi32, #tpu.memory_space<vmem>>
      %dma_start3A_782 = arith.constant 0 : i32
      %dma_start3A_783 = arith.constant 0 : i32
      %dma_start3A_784 = tpu.memref_slice %arg16[%dma_start3A_782, %dma_start3A_783] : memref<1000x32xf32, #tpu.memory_space<vmem_shared>> -> memref<1000x32xf32, #tpu.memory_space<vmem_shared>>
      tpu.enqueue_indirect_dma source(%dma_start3A_784 : memref<1000x32xf32, #tpu.memory_space<vmem_shared>>) target(%dma_start3A_778 : memref<128x32xf32, #tpu.memory_space<vmem>>) offsets(%dma_start3A_781 : memref<128xi32, #tpu.memory_space<vmem>>) semaphore(%arg18 : memref<!tpu.dma_semaphore, #tpu.memory_space<semaphore_mem>>)
      %sub3A_785 = arith.constant 1 : i32
      %sub3A_786 = arith.subi %add3A_749, %sub3A_785 : i32
      %mul3A_787 = arith.constant 2 : i32
      %mul3A_788 = arith.muli %sub3A_786, %mul3A_787 : i32
      %add3A_789 = arith.constant 0 : i32
      %add3A_790 = arith.addi %mul3A_788, %add3A_789 : i32
      %dma_wait3A_791 = arith.constant 0 : i32
      %dma_wait3A_792 = arith.constant 0 : i32
      %dma_wait3A_793 = tpu.memref_slice %arg12[%dma_wait3A_791, %dma_wait3A_792] : memref<256x32xf32, #tpu.memory_space<vmem>> -> memref<128x32xf32, #tpu.memory_space<vmem>>
      %dma_wait3A_794 = arith.constant 0 : i32
      %dma_wait3A_795 = tpu.memref_slice %arg9[%add3A_790, %dma_wait3A_794] : memref<200x128xi32, #tpu.memory_space<vmem>> -> memref<1x128xi32, #tpu.memory_space<vmem>>
      %dma_wait3A_796 = tpu.memref_squeeze %dma_wait3A_795 : memref<1x128xi32, #tpu.memory_space<vmem>> -> memref<128xi32, #tpu.memory_space<vmem>>
      %dma_wait3A_797 = arith.constant 0 : i32
      %dma_wait3A_798 = arith.constant 0 : i32
      %dma_wait3A_799 = tpu.memref_slice %arg16[%dma_wait3A_797, %dma_wait3A_798] : memref<1000x32xf32, #tpu.memory_space<vmem_shared>> -> memref<1000x32xf32, #tpu.memory_space<vmem_shared>>
      tpu.wait_indirect_dma semaphore(%arg17 : memref<!tpu.dma_semaphore, #tpu.memory_space<semaphore_mem>>) src(%dma_wait3A_799 : memref<1000x32xf32, #tpu.memory_space<vmem_shared>>) dst(%dma_wait3A_793 : memref<128x32xf32, #tpu.memory_space<vmem>>)
      %mul3A_800 = arith.constant 2 : i32
      %mul3A_801 = arith.muli %sub3A_786, %mul3A_800 : i32
      %add3A_802 = arith.constant 1 : i32
      %add3A_803 = arith.addi %mul3A_801, %add3A_802 : i32
      %dma_wait3A_804 = arith.constant 128 : i32
      %dma_wait3A_805 = arith.constant 0 : i32
      %dma_wait3A_806 = tpu.memref_slice %arg12[%dma_wait3A_804, %dma_wait3A_805] : memref<256x32xf32, #tpu.memory_space<vmem>> -> memref<128x32xf32, #tpu.memory_space<vmem>>
      %dma_wait3A_807 = arith.constant 0 : i32
      %dma_wait3A_808 = tpu.memref_slice %arg9[%add3A_803, %dma_wait3A_807] : memref<200x128xi32, #tpu.memory_space<vmem>> -> memref<1x128xi32, #tpu.memory_space<vmem>>
      %dma_wait3A_809 = tpu.memref_squeeze %dma_wait3A_808 : memref<1x128xi32, #tpu.memory_space<vmem>> -> memref<128xi32, #tpu.memory_space<vmem>>
      %dma_wait3A_810 = arith.constant 0 : i32
      %dma_wait3A_811 = arith.constant 0 : i32
      %dma_wait3A_812 = tpu.memref_slice %arg16[%dma_wait3A_810, %dma_wait3A_811] : memref<1000x32xf32, #tpu.memory_space<vmem_shared>> -> memref<1000x32xf32, #tpu.memory_space<vmem_shared>>
      tpu.wait_indirect_dma semaphore(%arg17 : memref<!tpu.dma_semaphore, #tpu.memory_space<semaphore_mem>>) src(%dma_wait3A_812 : memref<1000x32xf32, #tpu.memory_space<vmem_shared>>) dst(%dma_wait3A_806 : memref<128x32xf32, #tpu.memory_space<vmem>>)
      %sub3A_813 = arith.constant 1 : i32
      %sub3A_814 = arith.subi %add3A_749, %sub3A_813 : i32
      %mul3A_815 = arith.constant 2 : i32
      %mul3A_816 = arith.muli %sub3A_814, %mul3A_815 : i32
      %add3A_817 = arith.constant 0 : i32
      %add3A_818 = arith.addi %mul3A_816, %add3A_817 : i32
      %mul3A_819 = arith.constant 2 : i32
      %mul3A_820 = arith.muli %sub3A_814, %mul3A_819 : i32
      %add3A_821 = arith.constant 0 : i32
      %add3A_822 = arith.addi %mul3A_820, %add3A_821 : i32
      %dma_start3A_823 = arith.constant 0 : i32
      %dma_start3A_824 = arith.constant 0 : i32
      %dma_start3A_825 = tpu.memref_slice %arg12[%dma_start3A_823, %dma_start3A_824] : memref<256x32xf32, #tpu.memory_space<vmem>> -> memref<128x32xf32, #tpu.memory_space<vmem>>
      %dma_start3A_826 = arith.constant 0 : i32
      %dma_start3A_827 = tpu.memref_slice %arg10[%add3A_818, %dma_start3A_826] : memref<200x128xi32, #tpu.memory_space<vmem>> -> memref<1x128xi32, #tpu.memory_space<vmem>>
      %dma_start3A_828 = tpu.memref_squeeze %dma_start3A_827 : memref<1x128xi32, #tpu.memory_space<vmem>> -> memref<128xi32, #tpu.memory_space<vmem>>
      %dma_start3A_829 = arith.constant 0 : i32
      %dma_start3A_830 = arith.constant 0 : i32
      %dma_start3A_831 = tpu.memref_slice %arg6[%dma_start3A_829, %dma_start3A_830] : memref<1000000x32xf32, #tpu.memory_space<hbm>> -> memref<1000000x32xf32, #tpu.memory_space<hbm>>
      tpu.enqueue_indirect_dma source(%dma_start3A_831 : memref<1000000x32xf32, #tpu.memory_space<hbm>>) target(%dma_start3A_825 : memref<128x32xf32, #tpu.memory_space<vmem>>) offsets(%dma_start3A_828 : memref<128xi32, #tpu.memory_space<vmem>>) semaphore(%arg21 : memref<!tpu.dma_semaphore, #tpu.memory_space<semaphore_mem>>) {add = true}
      %dma_start3A_832 = arith.constant 0 : i32
      %dma_start3A_833 = arith.constant 0 : i32
      %dma_start3A_834 = tpu.memref_slice %arg12[%dma_start3A_832, %dma_start3A_833] : memref<256x32xf32, #tpu.memory_space<vmem>> -> memref<128x32xf32, #tpu.memory_space<vmem>>
      %dma_start3A_835 = arith.constant 0 : i32
      %dma_start3A_836 = tpu.memref_slice %arg11[%add3A_822, %dma_start3A_835] : memref<200x128xi32, #tpu.memory_space<vmem>> -> memref<1x128xi32, #tpu.memory_space<vmem>>
      %dma_start3A_837 = tpu.memref_squeeze %dma_start3A_836 : memref<1x128xi32, #tpu.memory_space<vmem>> -> memref<128xi32, #tpu.memory_space<vmem>>
      %dma_start3A_838 = arith.constant 0 : i32
      %dma_start3A_839 = arith.constant 0 : i32
      %dma_start3A_840 = tpu.memref_slice %arg7[%dma_start3A_838, %dma_start3A_839] : memref<100000x32xf32, #tpu.memory_space<hbm>> -> memref<100000x32xf32, #tpu.memory_space<hbm>>
      tpu.enqueue_indirect_dma source(%dma_start3A_840 : memref<100000x32xf32, #tpu.memory_space<hbm>>) target(%dma_start3A_834 : memref<128x32xf32, #tpu.memory_space<vmem>>) offsets(%dma_start3A_837 : memref<128xi32, #tpu.memory_space<vmem>>) semaphore(%arg21 : memref<!tpu.dma_semaphore, #tpu.memory_space<semaphore_mem>>) {add = true}
      %mul3A_841 = arith.constant 2 : i32
      %mul3A_842 = arith.muli %sub3A_814, %mul3A_841 : i32
      %add3A_843 = arith.constant 1 : i32
      %add3A_844 = arith.addi %mul3A_842, %add3A_843 : i32
      %mul3A_845 = arith.constant 2 : i32
      %mul3A_846 = arith.muli %sub3A_814, %mul3A_845 : i32
      %add3A_847 = arith.constant 1 : i32
      %add3A_848 = arith.addi %mul3A_846, %add3A_847 : i32
      %dma_start3A_849 = arith.constant 128 : i32
      %dma_start3A_850 = arith.constant 0 : i32
      %dma_start3A_851 = tpu.memref_slice %arg12[%dma_start3A_849, %dma_start3A_850] : memref<256x32xf32, #tpu.memory_space<vmem>> -> memref<128x32xf32, #tpu.memory_space<vmem>>
      %dma_start3A_852 = arith.constant 0 : i32
      %dma_start3A_853 = tpu.memref_slice %arg10[%add3A_844, %dma_start3A_852] : memref<200x128xi32, #tpu.memory_space<vmem>> -> memref<1x128xi32, #tpu.memory_space<vmem>>
      %dma_start3A_854 = tpu.memref_squeeze %dma_start3A_853 : memref<1x128xi32, #tpu.memory_space<vmem>> -> memref<128xi32, #tpu.memory_space<vmem>>
      %dma_start3A_855 = arith.constant 0 : i32
      %dma_start3A_856 = arith.constant 0 : i32
      %dma_start3A_857 = tpu.memref_slice %arg6[%dma_start3A_855, %dma_start3A_856] : memref<1000000x32xf32, #tpu.memory_space<hbm>> -> memref<1000000x32xf32, #tpu.memory_space<hbm>>
      tpu.enqueue_indirect_dma source(%dma_start3A_857 : memref<1000000x32xf32, #tpu.memory_space<hbm>>) target(%dma_start3A_851 : memref<128x32xf32, #tpu.memory_space<vmem>>) offsets(%dma_start3A_854 : memref<128xi32, #tpu.memory_space<vmem>>) semaphore(%arg21 : memref<!tpu.dma_semaphore, #tpu.memory_space<semaphore_mem>>) {add = true}
      %dma_start3A_858 = arith.constant 128 : i32
      %dma_start3A_859 = arith.constant 0 : i32
      %dma_start3A_860 = tpu.memref_slice %arg12[%dma_start3A_858, %dma_start3A_859] : memref<256x32xf32, #tpu.memory_space<vmem>> -> memref<128x32xf32, #tpu.memory_space<vmem>>
      %dma_start3A_861 = arith.constant 0 : i32
      %dma_start3A_862 = tpu.memref_slice %arg11[%add3A_848, %dma_start3A_861] : memref<200x128xi32, #tpu.memory_space<vmem>> -> memref<1x128xi32, #tpu.memory_space<vmem>>
      %dma_start3A_863 = tpu.memref_squeeze %dma_start3A_862 : memref<1x128xi32, #tpu.memory_space<vmem>> -> memref<128xi32, #tpu.memory_space<vmem>>
      %dma_start3A_864 = arith.constant 0 : i32
      %dma_start3A_865 = arith.constant 0 : i32
      %dma_start3A_866 = tpu.memref_slice %arg7[%dma_start3A_864, %dma_start3A_865] : memref<100000x32xf32, #tpu.memory_space<hbm>> -> memref<100000x32xf32, #tpu.memory_space<hbm>>
      tpu.enqueue_indirect_dma source(%dma_start3A_866 : memref<100000x32xf32, #tpu.memory_space<hbm>>) target(%dma_start3A_860 : memref<128x32xf32, #tpu.memory_space<vmem>>) offsets(%dma_start3A_863 : memref<128xi32, #tpu.memory_space<vmem>>) semaphore(%arg21 : memref<!tpu.dma_semaphore, #tpu.memory_space<semaphore_mem>>) {add = true}
      %sub3A_867 = arith.constant 2 : i32
      %sub3A_868 = arith.subi %add3A_749, %sub3A_867 : i32
      %mul3A_869 = arith.constant 2 : i32
      %mul3A_870 = arith.muli %sub3A_868, %mul3A_869 : i32
      %add3A_871 = arith.constant 0 : i32
      %add3A_872 = arith.addi %mul3A_870, %add3A_871 : i32
      %mul3A_873 = arith.constant 2 : i32
      %mul3A_874 = arith.muli %sub3A_868, %mul3A_873 : i32
      %add3A_875 = arith.constant 0 : i32
      %add3A_876 = arith.addi %mul3A_874, %add3A_875 : i32
      %dma_wait3A_877 = arith.constant 0 : i32
      %dma_wait3A_878 = arith.constant 0 : i32
      %dma_wait3A_879 = tpu.memref_slice %arg15[%dma_wait3A_877, %dma_wait3A_878] : memref<256x32xf32, #tpu.memory_space<vmem>> -> memref<128x32xf32, #tpu.memory_space<vmem>>
      %dma_wait3A_880 = arith.constant 0 : i32
      %dma_wait3A_881 = tpu.memref_slice %arg10[%add3A_872, %dma_wait3A_880] : memref<200x128xi32, #tpu.memory_space<vmem>> -> memref<1x128xi32, #tpu.memory_space<vmem>>
      %dma_wait3A_882 = tpu.memref_squeeze %dma_wait3A_881 : memref<1x128xi32, #tpu.memory_space<vmem>> -> memref<128xi32, #tpu.memory_space<vmem>>
      %dma_wait3A_883 = arith.constant 0 : i32
      %dma_wait3A_884 = arith.constant 0 : i32
      %dma_wait3A_885 = tpu.memref_slice %arg6[%dma_wait3A_883, %dma_wait3A_884] : memref<1000000x32xf32, #tpu.memory_space<hbm>> -> memref<1000000x32xf32, #tpu.memory_space<hbm>>
      tpu.wait_indirect_dma semaphore(%arg24 : memref<!tpu.dma_semaphore, #tpu.memory_space<semaphore_mem>>) src(%dma_wait3A_885 : memref<1000000x32xf32, #tpu.memory_space<hbm>>) dst(%dma_wait3A_879 : memref<128x32xf32, #tpu.memory_space<vmem>>)
      %dma_wait3A_886 = arith.constant 0 : i32
      %dma_wait3A_887 = arith.constant 0 : i32
      %dma_wait3A_888 = tpu.memref_slice %arg15[%dma_wait3A_886, %dma_wait3A_887] : memref<256x32xf32, #tpu.memory_space<vmem>> -> memref<128x32xf32, #tpu.memory_space<vmem>>
      %dma_wait3A_889 = arith.constant 0 : i32
      %dma_wait3A_890 = tpu.memref_slice %arg11[%add3A_876, %dma_wait3A_889] : memref<200x128xi32, #tpu.memory_space<vmem>> -> memref<1x128xi32, #tpu.memory_space<vmem>>
      %dma_wait3A_891 = tpu.memref_squeeze %dma_wait3A_890 : memref<1x128xi32, #tpu.memory_space<vmem>> -> memref<128xi32, #tpu.memory_space<vmem>>
      %dma_wait3A_892 = arith.constant 0 : i32
      %dma_wait3A_893 = arith.constant 0 : i32
      %dma_wait3A_894 = tpu.memref_slice %arg7[%dma_wait3A_892, %dma_wait3A_893] : memref<100000x32xf32, #tpu.memory_space<hbm>> -> memref<100000x32xf32, #tpu.memory_space<hbm>>
      tpu.wait_indirect_dma semaphore(%arg24 : memref<!tpu.dma_semaphore, #tpu.memory_space<semaphore_mem>>) src(%dma_wait3A_894 : memref<100000x32xf32, #tpu.memory_space<hbm>>) dst(%dma_wait3A_888 : memref<128x32xf32, #tpu.memory_space<vmem>>)
      %mul3A_895 = arith.constant 2 : i32
      %mul3A_896 = arith.muli %sub3A_868, %mul3A_895 : i32
      %add3A_897 = arith.constant 1 : i32
      %add3A_898 = arith.addi %mul3A_896, %add3A_897 : i32
      %mul3A_899 = arith.constant 2 : i32
      %mul3A_900 = arith.muli %sub3A_868, %mul3A_899 : i32
      %add3A_901 = arith.constant 1 : i32
      %add3A_902 = arith.addi %mul3A_900, %add3A_901 : i32
      %dma_wait3A_903 = arith.constant 128 : i32
      %dma_wait3A_904 = arith.constant 0 : i32
      %dma_wait3A_905 = tpu.memref_slice %arg15[%dma_wait3A_903, %dma_wait3A_904] : memref<256x32xf32, #tpu.memory_space<vmem>> -> memref<128x32xf32, #tpu.memory_space<vmem>>
      %dma_wait3A_906 = arith.constant 0 : i32
      %dma_wait3A_907 = tpu.memref_slice %arg10[%add3A_898, %dma_wait3A_906] : memref<200x128xi32, #tpu.memory_space<vmem>> -> memref<1x128xi32, #tpu.memory_space<vmem>>
      %dma_wait3A_908 = tpu.memref_squeeze %dma_wait3A_907 : memref<1x128xi32, #tpu.memory_space<vmem>> -> memref<128xi32, #tpu.memory_space<vmem>>
      %dma_wait3A_909 = arith.constant 0 : i32
      %dma_wait3A_910 = arith.constant 0 : i32
      %dma_wait3A_911 = tpu.memref_slice %arg6[%dma_wait3A_909, %dma_wait3A_910] : memref<1000000x32xf32, #tpu.memory_space<hbm>> -> memref<1000000x32xf32, #tpu.memory_space<hbm>>
      tpu.wait_indirect_dma semaphore(%arg24 : memref<!tpu.dma_semaphore, #tpu.memory_space<semaphore_mem>>) src(%dma_wait3A_911 : memref<1000000x32xf32, #tpu.memory_space<hbm>>) dst(%dma_wait3A_905 : memref<128x32xf32, #tpu.memory_space<vmem>>)
      %dma_wait3A_912 = arith.constant 128 : i32
      %dma_wait3A_913 = arith.constant 0 : i32
      %dma_wait3A_914 = tpu.memref_slice %arg15[%dma_wait3A_912, %dma_wait3A_913] : memref<256x32xf32, #tpu.memory_space<vmem>> -> memref<128x32xf32, #tpu.memory_space<vmem>>
      %dma_wait3A_915 = arith.constant 0 : i32
      %dma_wait3A_916 = tpu.memref_slice %arg11[%add3A_902, %dma_wait3A_915] : memref<200x128xi32, #tpu.memory_space<vmem>> -> memref<1x128xi32, #tpu.memory_space<vmem>>
      %dma_wait3A_917 = tpu.memref_squeeze %dma_wait3A_916 : memref<1x128xi32, #tpu.memory_space<vmem>> -> memref<128xi32, #tpu.memory_space<vmem>>
      %dma_wait3A_918 = arith.constant 0 : i32
      %dma_wait3A_919 = arith.constant 0 : i32
      %dma_wait3A_920 = tpu.memref_slice %arg7[%dma_wait3A_918, %dma_wait3A_919] : memref<100000x32xf32, #tpu.memory_space<hbm>> -> memref<100000x32xf32, #tpu.memory_space<hbm>>
      tpu.wait_indirect_dma semaphore(%arg24 : memref<!tpu.dma_semaphore, #tpu.memory_space<semaphore_mem>>) src(%dma_wait3A_920 : memref<100000x32xf32, #tpu.memory_space<hbm>>) dst(%dma_wait3A_914 : memref<128x32xf32, #tpu.memory_space<vmem>>)
      %sub3A_921 = arith.constant 2 : i32
      %sub3A_922 = arith.subi %add3A_749, %sub3A_921 : i32
      %mul3A_923 = arith.constant 256 : i32
      %mul3A_924 = arith.muli %sub3A_922, %mul3A_923 : i32
      %add3A_925 = arith.addi %mul3A_4, %mul3A_924 : i32
      %dma_start3A_926 = arith.constant 0 : i32
      %dma_start3A_927 = tpu.memref_slice %arg8[%add3A_925, %dma_start3A_926] : memref<819200x128xf32, #tpu.memory_space<hbm>> -> memref<256x32xf32, #tpu.memory_space<hbm>>
      %dma_start3A_928 = arith.constant 0 : i32
      %dma_start3A_929 = tpu.memref_slice %arg8[%add3A_925, %dma_start3A_928] : memref<819200x128xf32, #tpu.memory_space<hbm>> -> memref<256x32xf32, #tpu.memory_space<hbm>>
      tpu.enqueue_dma source(%arg15 : memref<256x32xf32, #tpu.memory_space<vmem>>) target(%dma_start3A_929 : memref<256x32xf32, #tpu.memory_space<hbm>>) target_semaphore(%arg28 : memref<!tpu.dma_semaphore, #tpu.memory_space<semaphore_mem>>)
      %mul3A_930 = arith.constant 4 : i32
      %mul3A_931 = arith.muli %scan3A_562, %mul3A_930 : i32
      %add3A_932 = arith.constant 2 : i32
      %add3A_933 = arith.addi %mul3A_931, %add3A_932 : i32
      %sub3A_934 = arith.constant 4 : i32
      %sub3A_935 = arith.subi %add3A_933, %sub3A_934 : i32
      %mul3A_936 = arith.constant 256 : i32
      %mul3A_937 = arith.muli %sub3A_935, %mul3A_936 : i32
      %add3A_938 = arith.addi %mul3A_4, %mul3A_937 : i32
      %dma_wait3A_939 = arith.constant 0 : i32
      %dma_wait3A_940 = tpu.memref_slice %arg8[%add3A_938, %dma_wait3A_939] : memref<819200x128xf32, #tpu.memory_space<hbm>> -> memref<256x32xf32, #tpu.memory_space<hbm>>
      %dma_wait3A_941 = arith.constant 0 : i32
      %dma_wait3A_942 = tpu.memref_slice %arg8[%add3A_938, %dma_wait3A_941] : memref<819200x128xf32, #tpu.memory_space<hbm>> -> memref<256x32xf32, #tpu.memory_space<hbm>>
      tpu.wait_dma2 semaphore(%arg27 : memref<!tpu.dma_semaphore, #tpu.memory_space<semaphore_mem>>) src(%arg14 : memref<256x32xf32, #tpu.memory_space<vmem>>) dst(%dma_wait3A_942 : memref<256x32xf32, #tpu.memory_space<hbm>>)
      %mul3A_943 = arith.constant 2 : i32
      %mul3A_944 = arith.muli %add3A_933, %mul3A_943 : i32
      %add3A_945 = arith.constant 0 : i32
      %add3A_946 = arith.addi %mul3A_944, %add3A_945 : i32
      %dma_start3A_947 = arith.constant 0 : i32
      %dma_start3A_948 = arith.constant 0 : i32
      %dma_start3A_949 = tpu.memref_slice %arg14[%dma_start3A_947, %dma_start3A_948] : memref<256x32xf32, #tpu.memory_space<vmem>> -> memref<128x32xf32, #tpu.memory_space<vmem>>
      %dma_start3A_950 = arith.constant 0 : i32
      %dma_start3A_951 = tpu.memref_slice %arg9[%add3A_946, %dma_start3A_950] : memref<200x128xi32, #tpu.memory_space<vmem>> -> memref<1x128xi32, #tpu.memory_space<vmem>>
      %dma_start3A_952 = tpu.memref_squeeze %dma_start3A_951 : memref<1x128xi32, #tpu.memory_space<vmem>> -> memref<128xi32, #tpu.memory_space<vmem>>
      %dma_start3A_953 = arith.constant 0 : i32
      %dma_start3A_954 = arith.constant 0 : i32
      %dma_start3A_955 = tpu.memref_slice %arg16[%dma_start3A_953, %dma_start3A_954] : memref<1000x32xf32, #tpu.memory_space<vmem_shared>> -> memref<1000x32xf32, #tpu.memory_space<vmem_shared>>
      tpu.enqueue_indirect_dma source(%dma_start3A_955 : memref<1000x32xf32, #tpu.memory_space<vmem_shared>>) target(%dma_start3A_949 : memref<128x32xf32, #tpu.memory_space<vmem>>) offsets(%dma_start3A_952 : memref<128xi32, #tpu.memory_space<vmem>>) semaphore(%arg19 : memref<!tpu.dma_semaphore, #tpu.memory_space<semaphore_mem>>)
      %mul3A_956 = arith.constant 2 : i32
      %mul3A_957 = arith.muli %add3A_933, %mul3A_956 : i32
      %add3A_958 = arith.constant 1 : i32
      %add3A_959 = arith.addi %mul3A_957, %add3A_958 : i32
      %dma_start3A_960 = arith.constant 128 : i32
      %dma_start3A_961 = arith.constant 0 : i32
      %dma_start3A_962 = tpu.memref_slice %arg14[%dma_start3A_960, %dma_start3A_961] : memref<256x32xf32, #tpu.memory_space<vmem>> -> memref<128x32xf32, #tpu.memory_space<vmem>>
      %dma_start3A_963 = arith.constant 0 : i32
      %dma_start3A_964 = tpu.memref_slice %arg9[%add3A_959, %dma_start3A_963] : memref<200x128xi32, #tpu.memory_space<vmem>> -> memref<1x128xi32, #tpu.memory_space<vmem>>
      %dma_start3A_965 = tpu.memref_squeeze %dma_start3A_964 : memref<1x128xi32, #tpu.memory_space<vmem>> -> memref<128xi32, #tpu.memory_space<vmem>>
      %dma_start3A_966 = arith.constant 0 : i32
      %dma_start3A_967 = arith.constant 0 : i32
      %dma_start3A_968 = tpu.memref_slice %arg16[%dma_start3A_966, %dma_start3A_967] : memref<1000x32xf32, #tpu.memory_space<vmem_shared>> -> memref<1000x32xf32, #tpu.memory_space<vmem_shared>>
      tpu.enqueue_indirect_dma source(%dma_start3A_968 : memref<1000x32xf32, #tpu.memory_space<vmem_shared>>) target(%dma_start3A_962 : memref<128x32xf32, #tpu.memory_space<vmem>>) offsets(%dma_start3A_965 : memref<128xi32, #tpu.memory_space<vmem>>) semaphore(%arg19 : memref<!tpu.dma_semaphore, #tpu.memory_space<semaphore_mem>>)
      %sub3A_969 = arith.constant 1 : i32
      %sub3A_970 = arith.subi %add3A_933, %sub3A_969 : i32
      %mul3A_971 = arith.constant 2 : i32
      %mul3A_972 = arith.muli %sub3A_970, %mul3A_971 : i32
      %add3A_973 = arith.constant 0 : i32
      %add3A_974 = arith.addi %mul3A_972, %add3A_973 : i32
      %dma_wait3A_975 = arith.constant 0 : i32
      %dma_wait3A_976 = arith.constant 0 : i32
      %dma_wait3A_977 = tpu.memref_slice %arg13[%dma_wait3A_975, %dma_wait3A_976] : memref<256x32xf32, #tpu.memory_space<vmem>> -> memref<128x32xf32, #tpu.memory_space<vmem>>
      %dma_wait3A_978 = arith.constant 0 : i32
      %dma_wait3A_979 = tpu.memref_slice %arg9[%add3A_974, %dma_wait3A_978] : memref<200x128xi32, #tpu.memory_space<vmem>> -> memref<1x128xi32, #tpu.memory_space<vmem>>
      %dma_wait3A_980 = tpu.memref_squeeze %dma_wait3A_979 : memref<1x128xi32, #tpu.memory_space<vmem>> -> memref<128xi32, #tpu.memory_space<vmem>>
      %dma_wait3A_981 = arith.constant 0 : i32
      %dma_wait3A_982 = arith.constant 0 : i32
      %dma_wait3A_983 = tpu.memref_slice %arg16[%dma_wait3A_981, %dma_wait3A_982] : memref<1000x32xf32, #tpu.memory_space<vmem_shared>> -> memref<1000x32xf32, #tpu.memory_space<vmem_shared>>
      tpu.wait_indirect_dma semaphore(%arg18 : memref<!tpu.dma_semaphore, #tpu.memory_space<semaphore_mem>>) src(%dma_wait3A_983 : memref<1000x32xf32, #tpu.memory_space<vmem_shared>>) dst(%dma_wait3A_977 : memref<128x32xf32, #tpu.memory_space<vmem>>)
      %mul3A_984 = arith.constant 2 : i32
      %mul3A_985 = arith.muli %sub3A_970, %mul3A_984 : i32
      %add3A_986 = arith.constant 1 : i32
      %add3A_987 = arith.addi %mul3A_985, %add3A_986 : i32
      %dma_wait3A_988 = arith.constant 128 : i32
      %dma_wait3A_989 = arith.constant 0 : i32
      %dma_wait3A_990 = tpu.memref_slice %arg13[%dma_wait3A_988, %dma_wait3A_989] : memref<256x32xf32, #tpu.memory_space<vmem>> -> memref<128x32xf32, #tpu.memory_space<vmem>>
      %dma_wait3A_991 = arith.constant 0 : i32
      %dma_wait3A_992 = tpu.memref_slice %arg9[%add3A_987, %dma_wait3A_991] : memref<200x128xi32, #tpu.memory_space<vmem>> -> memref<1x128xi32, #tpu.memory_space<vmem>>
      %dma_wait3A_993 = tpu.memref_squeeze %dma_wait3A_992 : memref<1x128xi32, #tpu.memory_space<vmem>> -> memref<128xi32, #tpu.memory_space<vmem>>
      %dma_wait3A_994 = arith.constant 0 : i32
      %dma_wait3A_995 = arith.constant 0 : i32
      %dma_wait3A_996 = tpu.memref_slice %arg16[%dma_wait3A_994, %dma_wait3A_995] : memref<1000x32xf32, #tpu.memory_space<vmem_shared>> -> memref<1000x32xf32, #tpu.memory_space<vmem_shared>>
      tpu.wait_indirect_dma semaphore(%arg18 : memref<!tpu.dma_semaphore, #tpu.memory_space<semaphore_mem>>) src(%dma_wait3A_996 : memref<1000x32xf32, #tpu.memory_space<vmem_shared>>) dst(%dma_wait3A_990 : memref<128x32xf32, #tpu.memory_space<vmem>>)
      %sub3A_997 = arith.constant 1 : i32
      %sub3A_998 = arith.subi %add3A_933, %sub3A_997 : i32
      %mul3A_999 = arith.constant 2 : i32
      %mul3A_1000 = arith.muli %sub3A_998, %mul3A_999 : i32
      %add3A_1001 = arith.constant 0 : i32
      %add3A_1002 = arith.addi %mul3A_1000, %add3A_1001 : i32
      %mul3A_1003 = arith.constant 2 : i32
      %mul3A_1004 = arith.muli %sub3A_998, %mul3A_1003 : i32
      %add3A_1005 = arith.constant 0 : i32
      %add3A_1006 = arith.addi %mul3A_1004, %add3A_1005 : i32
      %dma_start3A_1007 = arith.constant 0 : i32
      %dma_start3A_1008 = arith.constant 0 : i32
      %dma_start3A_1009 = tpu.memref_slice %arg13[%dma_start3A_1007, %dma_start3A_1008] : memref<256x32xf32, #tpu.memory_space<vmem>> -> memref<128x32xf32, #tpu.memory_space<vmem>>
      %dma_start3A_1010 = arith.constant 0 : i32
      %dma_start3A_1011 = tpu.memref_slice %arg10[%add3A_1002, %dma_start3A_1010] : memref<200x128xi32, #tpu.memory_space<vmem>> -> memref<1x128xi32, #tpu.memory_space<vmem>>
      %dma_start3A_1012 = tpu.memref_squeeze %dma_start3A_1011 : memref<1x128xi32, #tpu.memory_space<vmem>> -> memref<128xi32, #tpu.memory_space<vmem>>
      %dma_start3A_1013 = arith.constant 0 : i32
      %dma_start3A_1014 = arith.constant 0 : i32
      %dma_start3A_1015 = tpu.memref_slice %arg6[%dma_start3A_1013, %dma_start3A_1014] : memref<1000000x32xf32, #tpu.memory_space<hbm>> -> memref<1000000x32xf32, #tpu.memory_space<hbm>>
      tpu.enqueue_indirect_dma source(%dma_start3A_1015 : memref<1000000x32xf32, #tpu.memory_space<hbm>>) target(%dma_start3A_1009 : memref<128x32xf32, #tpu.memory_space<vmem>>) offsets(%dma_start3A_1012 : memref<128xi32, #tpu.memory_space<vmem>>) semaphore(%arg22 : memref<!tpu.dma_semaphore, #tpu.memory_space<semaphore_mem>>) {add = true}
      %dma_start3A_1016 = arith.constant 0 : i32
      %dma_start3A_1017 = arith.constant 0 : i32
      %dma_start3A_1018 = tpu.memref_slice %arg13[%dma_start3A_1016, %dma_start3A_1017] : memref<256x32xf32, #tpu.memory_space<vmem>> -> memref<128x32xf32, #tpu.memory_space<vmem>>
      %dma_start3A_1019 = arith.constant 0 : i32
      %dma_start3A_1020 = tpu.memref_slice %arg11[%add3A_1006, %dma_start3A_1019] : memref<200x128xi32, #tpu.memory_space<vmem>> -> memref<1x128xi32, #tpu.memory_space<vmem>>
      %dma_start3A_1021 = tpu.memref_squeeze %dma_start3A_1020 : memref<1x128xi32, #tpu.memory_space<vmem>> -> memref<128xi32, #tpu.memory_space<vmem>>
      %dma_start3A_1022 = arith.constant 0 : i32
      %dma_start3A_1023 = arith.constant 0 : i32
      %dma_start3A_1024 = tpu.memref_slice %arg7[%dma_start3A_1022, %dma_start3A_1023] : memref<100000x32xf32, #tpu.memory_space<hbm>> -> memref<100000x32xf32, #tpu.memory_space<hbm>>
      tpu.enqueue_indirect_dma source(%dma_start3A_1024 : memref<100000x32xf32, #tpu.memory_space<hbm>>) target(%dma_start3A_1018 : memref<128x32xf32, #tpu.memory_space<vmem>>) offsets(%dma_start3A_1021 : memref<128xi32, #tpu.memory_space<vmem>>) semaphore(%arg22 : memref<!tpu.dma_semaphore, #tpu.memory_space<semaphore_mem>>) {add = true}
      %mul3A_1025 = arith.constant 2 : i32
      %mul3A_1026 = arith.muli %sub3A_998, %mul3A_1025 : i32
      %add3A_1027 = arith.constant 1 : i32
      %add3A_1028 = arith.addi %mul3A_1026, %add3A_1027 : i32
      %mul3A_1029 = arith.constant 2 : i32
      %mul3A_1030 = arith.muli %sub3A_998, %mul3A_1029 : i32
      %add3A_1031 = arith.constant 1 : i32
      %add3A_1032 = arith.addi %mul3A_1030, %add3A_1031 : i32
      %dma_start3A_1033 = arith.constant 128 : i32
      %dma_start3A_1034 = arith.constant 0 : i32
      %dma_start3A_1035 = tpu.memref_slice %arg13[%dma_start3A_1033, %dma_start3A_1034] : memref<256x32xf32, #tpu.memory_space<vmem>> -> memref<128x32xf32, #tpu.memory_space<vmem>>
      %dma_start3A_1036 = arith.constant 0 : i32
      %dma_start3A_1037 = tpu.memref_slice %arg10[%add3A_1028, %dma_start3A_1036] : memref<200x128xi32, #tpu.memory_space<vmem>> -> memref<1x128xi32, #tpu.memory_space<vmem>>
      %dma_start3A_1038 = tpu.memref_squeeze %dma_start3A_1037 : memref<1x128xi32, #tpu.memory_space<vmem>> -> memref<128xi32, #tpu.memory_space<vmem>>
      %dma_start3A_1039 = arith.constant 0 : i32
      %dma_start3A_1040 = arith.constant 0 : i32
      %dma_start3A_1041 = tpu.memref_slice %arg6[%dma_start3A_1039, %dma_start3A_1040] : memref<1000000x32xf32, #tpu.memory_space<hbm>> -> memref<1000000x32xf32, #tpu.memory_space<hbm>>
      tpu.enqueue_indirect_dma source(%dma_start3A_1041 : memref<1000000x32xf32, #tpu.memory_space<hbm>>) target(%dma_start3A_1035 : memref<128x32xf32, #tpu.memory_space<vmem>>) offsets(%dma_start3A_1038 : memref<128xi32, #tpu.memory_space<vmem>>) semaphore(%arg22 : memref<!tpu.dma_semaphore, #tpu.memory_space<semaphore_mem>>) {add = true}
      %dma_start3A_1042 = arith.constant 128 : i32
      %dma_start3A_1043 = arith.constant 0 : i32
      %dma_start3A_1044 = tpu.memref_slice %arg13[%dma_start3A_1042, %dma_start3A_1043] : memref<256x32xf32, #tpu.memory_space<vmem>> -> memref<128x32xf32, #tpu.memory_space<vmem>>
      %dma_start3A_1045 = arith.constant 0 : i32
      %dma_start3A_1046 = tpu.memref_slice %arg11[%add3A_1032, %dma_start3A_1045] : memref<200x128xi32, #tpu.memory_space<vmem>> -> memref<1x128xi32, #tpu.memory_space<vmem>>
      %dma_start3A_1047 = tpu.memref_squeeze %dma_start3A_1046 : memref<1x128xi32, #tpu.memory_space<vmem>> -> memref<128xi32, #tpu.memory_space<vmem>>
      %dma_start3A_1048 = arith.constant 0 : i32
      %dma_start3A_1049 = arith.constant 0 : i32
      %dma_start3A_1050 = tpu.memref_slice %arg7[%dma_start3A_1048, %dma_start3A_1049] : memref<100000x32xf32, #tpu.memory_space<hbm>> -> memref<100000x32xf32, #tpu.memory_space<hbm>>
      tpu.enqueue_indirect_dma source(%dma_start3A_1050 : memref<100000x32xf32, #tpu.memory_space<hbm>>) target(%dma_start3A_1044 : memref<128x32xf32, #tpu.memory_space<vmem>>) offsets(%dma_start3A_1047 : memref<128xi32, #tpu.memory_space<vmem>>) semaphore(%arg22 : memref<!tpu.dma_semaphore, #tpu.memory_space<semaphore_mem>>) {add = true}
      %sub3A_1051 = arith.constant 2 : i32
      %sub3A_1052 = arith.subi %add3A_933, %sub3A_1051 : i32
      %mul3A_1053 = arith.constant 2 : i32
      %mul3A_1054 = arith.muli %sub3A_1052, %mul3A_1053 : i32
      %add3A_1055 = arith.constant 0 : i32
      %add3A_1056 = arith.addi %mul3A_1054, %add3A_1055 : i32
      %mul3A_1057 = arith.constant 2 : i32
      %mul3A_1058 = arith.muli %sub3A_1052, %mul3A_1057 : i32
      %add3A_1059 = arith.constant 0 : i32
      %add3A_1060 = arith.addi %mul3A_1058, %add3A_1059 : i32
      %dma_wait3A_1061 = arith.constant 0 : i32
      %dma_wait3A_1062 = arith.constant 0 : i32
      %dma_wait3A_1063 = tpu.memref_slice %arg12[%dma_wait3A_1061, %dma_wait3A_1062] : memref<256x32xf32, #tpu.memory_space<vmem>> -> memref<128x32xf32, #tpu.memory_space<vmem>>
      %dma_wait3A_1064 = arith.constant 0 : i32
      %dma_wait3A_1065 = tpu.memref_slice %arg10[%add3A_1056, %dma_wait3A_1064] : memref<200x128xi32, #tpu.memory_space<vmem>> -> memref<1x128xi32, #tpu.memory_space<vmem>>
      %dma_wait3A_1066 = tpu.memref_squeeze %dma_wait3A_1065 : memref<1x128xi32, #tpu.memory_space<vmem>> -> memref<128xi32, #tpu.memory_space<vmem>>
      %dma_wait3A_1067 = arith.constant 0 : i32
      %dma_wait3A_1068 = arith.constant 0 : i32
      %dma_wait3A_1069 = tpu.memref_slice %arg6[%dma_wait3A_1067, %dma_wait3A_1068] : memref<1000000x32xf32, #tpu.memory_space<hbm>> -> memref<1000000x32xf32, #tpu.memory_space<hbm>>
      tpu.wait_indirect_dma semaphore(%arg21 : memref<!tpu.dma_semaphore, #tpu.memory_space<semaphore_mem>>) src(%dma_wait3A_1069 : memref<1000000x32xf32, #tpu.memory_space<hbm>>) dst(%dma_wait3A_1063 : memref<128x32xf32, #tpu.memory_space<vmem>>)
      %dma_wait3A_1070 = arith.constant 0 : i32
      %dma_wait3A_1071 = arith.constant 0 : i32
      %dma_wait3A_1072 = tpu.memref_slice %arg12[%dma_wait3A_1070, %dma_wait3A_1071] : memref<256x32xf32, #tpu.memory_space<vmem>> -> memref<128x32xf32, #tpu.memory_space<vmem>>
      %dma_wait3A_1073 = arith.constant 0 : i32
      %dma_wait3A_1074 = tpu.memref_slice %arg11[%add3A_1060, %dma_wait3A_1073] : memref<200x128xi32, #tpu.memory_space<vmem>> -> memref<1x128xi32, #tpu.memory_space<vmem>>
      %dma_wait3A_1075 = tpu.memref_squeeze %dma_wait3A_1074 : memref<1x128xi32, #tpu.memory_space<vmem>> -> memref<128xi32, #tpu.memory_space<vmem>>
      %dma_wait3A_1076 = arith.constant 0 : i32
      %dma_wait3A_1077 = arith.constant 0 : i32
      %dma_wait3A_1078 = tpu.memref_slice %arg7[%dma_wait3A_1076, %dma_wait3A_1077] : memref<100000x32xf32, #tpu.memory_space<hbm>> -> memref<100000x32xf32, #tpu.memory_space<hbm>>
      tpu.wait_indirect_dma semaphore(%arg21 : memref<!tpu.dma_semaphore, #tpu.memory_space<semaphore_mem>>) src(%dma_wait3A_1078 : memref<100000x32xf32, #tpu.memory_space<hbm>>) dst(%dma_wait3A_1072 : memref<128x32xf32, #tpu.memory_space<vmem>>)
      %mul3A_1079 = arith.constant 2 : i32
      %mul3A_1080 = arith.muli %sub3A_1052, %mul3A_1079 : i32
      %add3A_1081 = arith.constant 1 : i32
      %add3A_1082 = arith.addi %mul3A_1080, %add3A_1081 : i32
      %mul3A_1083 = arith.constant 2 : i32
      %mul3A_1084 = arith.muli %sub3A_1052, %mul3A_1083 : i32
      %add3A_1085 = arith.constant 1 : i32
      %add3A_1086 = arith.addi %mul3A_1084, %add3A_1085 : i32
      %dma_wait3A_1087 = arith.constant 128 : i32
      %dma_wait3A_1088 = arith.constant 0 : i32
      %dma_wait3A_1089 = tpu.memref_slice %arg12[%dma_wait3A_1087, %dma_wait3A_1088] : memref<256x32xf32, #tpu.memory_space<vmem>> -> memref<128x32xf32, #tpu.memory_space<vmem>>
      %dma_wait3A_1090 = arith.constant 0 : i32
      %dma_wait3A_1091 = tpu.memref_slice %arg10[%add3A_1082, %dma_wait3A_1090] : memref<200x128xi32, #tpu.memory_space<vmem>> -> memref<1x128xi32, #tpu.memory_space<vmem>>
      %dma_wait3A_1092 = tpu.memref_squeeze %dma_wait3A_1091 : memref<1x128xi32, #tpu.memory_space<vmem>> -> memref<128xi32, #tpu.memory_space<vmem>>
      %dma_wait3A_1093 = arith.constant 0 : i32
      %dma_wait3A_1094 = arith.constant 0 : i32
      %dma_wait3A_1095 = tpu.memref_slice %arg6[%dma_wait3A_1093, %dma_wait3A_1094] : memref<1000000x32xf32, #tpu.memory_space<hbm>> -> memref<1000000x32xf32, #tpu.memory_space<hbm>>
      tpu.wait_indirect_dma semaphore(%arg21 : memref<!tpu.dma_semaphore, #tpu.memory_space<semaphore_mem>>) src(%dma_wait3A_1095 : memref<1000000x32xf32, #tpu.memory_space<hbm>>) dst(%dma_wait3A_1089 : memref<128x32xf32, #tpu.memory_space<vmem>>)
      %dma_wait3A_1096 = arith.constant 128 : i32
      %dma_wait3A_1097 = arith.constant 0 : i32
      %dma_wait3A_1098 = tpu.memref_slice %arg12[%dma_wait3A_1096, %dma_wait3A_1097] : memref<256x32xf32, #tpu.memory_space<vmem>> -> memref<128x32xf32, #tpu.memory_space<vmem>>
      %dma_wait3A_1099 = arith.constant 0 : i32
      %dma_wait3A_1100 = tpu.memref_slice %arg11[%add3A_1086, %dma_wait3A_1099] : memref<200x128xi32, #tpu.memory_space<vmem>> -> memref<1x128xi32, #tpu.memory_space<vmem>>
      %dma_wait3A_1101 = tpu.memref_squeeze %dma_wait3A_1100 : memref<1x128xi32, #tpu.memory_space<vmem>> -> memref<128xi32, #tpu.memory_space<vmem>>
      %dma_wait3A_1102 = arith.constant 0 : i32
      %dma_wait3A_1103 = arith.constant 0 : i32
      %dma_wait3A_1104 = tpu.memref_slice %arg7[%dma_wait3A_1102, %dma_wait3A_1103] : memref<100000x32xf32, #tpu.memory_space<hbm>> -> memref<100000x32xf32, #tpu.memory_space<hbm>>
      tpu.wait_indirect_dma semaphore(%arg21 : memref<!tpu.dma_semaphore, #tpu.memory_space<semaphore_mem>>) src(%dma_wait3A_1104 : memref<100000x32xf32, #tpu.memory_space<hbm>>) dst(%dma_wait3A_1098 : memref<128x32xf32, #tpu.memory_space<vmem>>)
      %sub3A_1105 = arith.constant 2 : i32
      %sub3A_1106 = arith.subi %add3A_933, %sub3A_1105 : i32
      %mul3A_1107 = arith.constant 256 : i32
      %mul3A_1108 = arith.muli %sub3A_1106, %mul3A_1107 : i32
      %add3A_1109 = arith.addi %mul3A_4, %mul3A_1108 : i32
      %dma_start3A_1110 = arith.constant 0 : i32
      %dma_start3A_1111 = tpu.memref_slice %arg8[%add3A_1109, %dma_start3A_1110] : memref<819200x128xf32, #tpu.memory_space<hbm>> -> memref<256x32xf32, #tpu.memory_space<hbm>>
      %dma_start3A_1112 = arith.constant 0 : i32
      %dma_start3A_1113 = tpu.memref_slice %arg8[%add3A_1109, %dma_start3A_1112] : memref<819200x128xf32, #tpu.memory_space<hbm>> -> memref<256x32xf32, #tpu.memory_space<hbm>>
      tpu.enqueue_dma source(%arg12 : memref<256x32xf32, #tpu.memory_space<vmem>>) target(%dma_start3A_1113 : memref<256x32xf32, #tpu.memory_space<hbm>>) target_semaphore(%arg25 : memref<!tpu.dma_semaphore, #tpu.memory_space<semaphore_mem>>)
      %mul3A_1114 = arith.constant 4 : i32
      %mul3A_1115 = arith.muli %scan3A_562, %mul3A_1114 : i32
      %add3A_1116 = arith.constant 3 : i32
      %add3A_1117 = arith.addi %mul3A_1115, %add3A_1116 : i32
      %sub3A_1118 = arith.constant 4 : i32
      %sub3A_1119 = arith.subi %add3A_1117, %sub3A_1118 : i32
      %mul3A_1120 = arith.constant 256 : i32
      %mul3A_1121 = arith.muli %sub3A_1119, %mul3A_1120 : i32
      %add3A_1122 = arith.addi %mul3A_4, %mul3A_1121 : i32
      %dma_wait3A_1123 = arith.constant 0 : i32
      %dma_wait3A_1124 = tpu.memref_slice %arg8[%add3A_1122, %dma_wait3A_1123] : memref<819200x128xf32, #tpu.memory_space<hbm>> -> memref<256x32xf32, #tpu.memory_space<hbm>>
      %dma_wait3A_1125 = arith.constant 0 : i32
      %dma_wait3A_1126 = tpu.memref_slice %arg8[%add3A_1122, %dma_wait3A_1125] : memref<819200x128xf32, #tpu.memory_space<hbm>> -> memref<256x32xf32, #tpu.memory_space<hbm>>
      tpu.wait_dma2 semaphore(%arg28 : memref<!tpu.dma_semaphore, #tpu.memory_space<semaphore_mem>>) src(%arg15 : memref<256x32xf32, #tpu.memory_space<vmem>>) dst(%dma_wait3A_1126 : memref<256x32xf32, #tpu.memory_space<hbm>>)
      %mul3A_1127 = arith.constant 2 : i32
      %mul3A_1128 = arith.muli %add3A_1117, %mul3A_1127 : i32
      %add3A_1129 = arith.constant 0 : i32
      %add3A_1130 = arith.addi %mul3A_1128, %add3A_1129 : i32
      %dma_start3A_1131 = arith.constant 0 : i32
      %dma_start3A_1132 = arith.constant 0 : i32
      %dma_start3A_1133 = tpu.memref_slice %arg15[%dma_start3A_1131, %dma_start3A_1132] : memref<256x32xf32, #tpu.memory_space<vmem>> -> memref<128x32xf32, #tpu.memory_space<vmem>>
      %dma_start3A_1134 = arith.constant 0 : i32
      %dma_start3A_1135 = tpu.memref_slice %arg9[%add3A_1130, %dma_start3A_1134] : memref<200x128xi32, #tpu.memory_space<vmem>> -> memref<1x128xi32, #tpu.memory_space<vmem>>
      %dma_start3A_1136 = tpu.memref_squeeze %dma_start3A_1135 : memref<1x128xi32, #tpu.memory_space<vmem>> -> memref<128xi32, #tpu.memory_space<vmem>>
      %dma_start3A_1137 = arith.constant 0 : i32
      %dma_start3A_1138 = arith.constant 0 : i32
      %dma_start3A_1139 = tpu.memref_slice %arg16[%dma_start3A_1137, %dma_start3A_1138] : memref<1000x32xf32, #tpu.memory_space<vmem_shared>> -> memref<1000x32xf32, #tpu.memory_space<vmem_shared>>
      tpu.enqueue_indirect_dma source(%dma_start3A_1139 : memref<1000x32xf32, #tpu.memory_space<vmem_shared>>) target(%dma_start3A_1133 : memref<128x32xf32, #tpu.memory_space<vmem>>) offsets(%dma_start3A_1136 : memref<128xi32, #tpu.memory_space<vmem>>) semaphore(%arg20 : memref<!tpu.dma_semaphore, #tpu.memory_space<semaphore_mem>>)
      %mul3A_1140 = arith.constant 2 : i32
      %mul3A_1141 = arith.muli %add3A_1117, %mul3A_1140 : i32
      %add3A_1142 = arith.constant 1 : i32
      %add3A_1143 = arith.addi %mul3A_1141, %add3A_1142 : i32
      %dma_start3A_1144 = arith.constant 128 : i32
      %dma_start3A_1145 = arith.constant 0 : i32
      %dma_start3A_1146 = tpu.memref_slice %arg15[%dma_start3A_1144, %dma_start3A_1145] : memref<256x32xf32, #tpu.memory_space<vmem>> -> memref<128x32xf32, #tpu.memory_space<vmem>>
      %dma_start3A_1147 = arith.constant 0 : i32
      %dma_start3A_1148 = tpu.memref_slice %arg9[%add3A_1143, %dma_start3A_1147] : memref<200x128xi32, #tpu.memory_space<vmem>> -> memref<1x128xi32, #tpu.memory_space<vmem>>
      %dma_start3A_1149 = tpu.memref_squeeze %dma_start3A_1148 : memref<1x128xi32, #tpu.memory_space<vmem>> -> memref<128xi32, #tpu.memory_space<vmem>>
      %dma_start3A_1150 = arith.constant 0 : i32
      %dma_start3A_1151 = arith.constant 0 : i32
      %dma_start3A_1152 = tpu.memref_slice %arg16[%dma_start3A_1150, %dma_start3A_1151] : memref<1000x32xf32, #tpu.memory_space<vmem_shared>> -> memref<1000x32xf32, #tpu.memory_space<vmem_shared>>
      tpu.enqueue_indirect_dma source(%dma_start3A_1152 : memref<1000x32xf32, #tpu.memory_space<vmem_shared>>) target(%dma_start3A_1146 : memref<128x32xf32, #tpu.memory_space<vmem>>) offsets(%dma_start3A_1149 : memref<128xi32, #tpu.memory_space<vmem>>) semaphore(%arg20 : memref<!tpu.dma_semaphore, #tpu.memory_space<semaphore_mem>>)
      %sub3A_1153 = arith.constant 1 : i32
      %sub3A_1154 = arith.subi %add3A_1117, %sub3A_1153 : i32
      %mul3A_1155 = arith.constant 2 : i32
      %mul3A_1156 = arith.muli %sub3A_1154, %mul3A_1155 : i32
      %add3A_1157 = arith.constant 0 : i32
      %add3A_1158 = arith.addi %mul3A_1156, %add3A_1157 : i32
      %dma_wait3A_1159 = arith.constant 0 : i32
      %dma_wait3A_1160 = arith.constant 0 : i32
      %dma_wait3A_1161 = tpu.memref_slice %arg14[%dma_wait3A_1159, %dma_wait3A_1160] : memref<256x32xf32, #tpu.memory_space<vmem>> -> memref<128x32xf32, #tpu.memory_space<vmem>>
      %dma_wait3A_1162 = arith.constant 0 : i32
      %dma_wait3A_1163 = tpu.memref_slice %arg9[%add3A_1158, %dma_wait3A_1162] : memref<200x128xi32, #tpu.memory_space<vmem>> -> memref<1x128xi32, #tpu.memory_space<vmem>>
      %dma_wait3A_1164 = tpu.memref_squeeze %dma_wait3A_1163 : memref<1x128xi32, #tpu.memory_space<vmem>> -> memref<128xi32, #tpu.memory_space<vmem>>
      %dma_wait3A_1165 = arith.constant 0 : i32
      %dma_wait3A_1166 = arith.constant 0 : i32
      %dma_wait3A_1167 = tpu.memref_slice %arg16[%dma_wait3A_1165, %dma_wait3A_1166] : memref<1000x32xf32, #tpu.memory_space<vmem_shared>> -> memref<1000x32xf32, #tpu.memory_space<vmem_shared>>
      tpu.wait_indirect_dma semaphore(%arg19 : memref<!tpu.dma_semaphore, #tpu.memory_space<semaphore_mem>>) src(%dma_wait3A_1167 : memref<1000x32xf32, #tpu.memory_space<vmem_shared>>) dst(%dma_wait3A_1161 : memref<128x32xf32, #tpu.memory_space<vmem>>)
      %mul3A_1168 = arith.constant 2 : i32
      %mul3A_1169 = arith.muli %sub3A_1154, %mul3A_1168 : i32
      %add3A_1170 = arith.constant 1 : i32
      %add3A_1171 = arith.addi %mul3A_1169, %add3A_1170 : i32
      %dma_wait3A_1172 = arith.constant 128 : i32
      %dma_wait3A_1173 = arith.constant 0 : i32
      %dma_wait3A_1174 = tpu.memref_slice %arg14[%dma_wait3A_1172, %dma_wait3A_1173] : memref<256x32xf32, #tpu.memory_space<vmem>> -> memref<128x32xf32, #tpu.memory_space<vmem>>
      %dma_wait3A_1175 = arith.constant 0 : i32
      %dma_wait3A_1176 = tpu.memref_slice %arg9[%add3A_1171, %dma_wait3A_1175] : memref<200x128xi32, #tpu.memory_space<vmem>> -> memref<1x128xi32, #tpu.memory_space<vmem>>
      %dma_wait3A_1177 = tpu.memref_squeeze %dma_wait3A_1176 : memref<1x128xi32, #tpu.memory_space<vmem>> -> memref<128xi32, #tpu.memory_space<vmem>>
      %dma_wait3A_1178 = arith.constant 0 : i32
      %dma_wait3A_1179 = arith.constant 0 : i32
      %dma_wait3A_1180 = tpu.memref_slice %arg16[%dma_wait3A_1178, %dma_wait3A_1179] : memref<1000x32xf32, #tpu.memory_space<vmem_shared>> -> memref<1000x32xf32, #tpu.memory_space<vmem_shared>>
      tpu.wait_indirect_dma semaphore(%arg19 : memref<!tpu.dma_semaphore, #tpu.memory_space<semaphore_mem>>) src(%dma_wait3A_1180 : memref<1000x32xf32, #tpu.memory_space<vmem_shared>>) dst(%dma_wait3A_1174 : memref<128x32xf32, #tpu.memory_space<vmem>>)
      %sub3A_1181 = arith.constant 1 : i32
      %sub3A_1182 = arith.subi %add3A_1117, %sub3A_1181 : i32
      %mul3A_1183 = arith.constant 2 : i32
      %mul3A_1184 = arith.muli %sub3A_1182, %mul3A_1183 : i32
      %add3A_1185 = arith.constant 0 : i32
      %add3A_1186 = arith.addi %mul3A_1184, %add3A_1185 : i32
      %mul3A_1187 = arith.constant 2 : i32
      %mul3A_1188 = arith.muli %sub3A_1182, %mul3A_1187 : i32
      %add3A_1189 = arith.constant 0 : i32
      %add3A_1190 = arith.addi %mul3A_1188, %add3A_1189 : i32
      %dma_start3A_1191 = arith.constant 0 : i32
      %dma_start3A_1192 = arith.constant 0 : i32
      %dma_start3A_1193 = tpu.memref_slice %arg14[%dma_start3A_1191, %dma_start3A_1192] : memref<256x32xf32, #tpu.memory_space<vmem>> -> memref<128x32xf32, #tpu.memory_space<vmem>>
      %dma_start3A_1194 = arith.constant 0 : i32
      %dma_start3A_1195 = tpu.memref_slice %arg10[%add3A_1186, %dma_start3A_1194] : memref<200x128xi32, #tpu.memory_space<vmem>> -> memref<1x128xi32, #tpu.memory_space<vmem>>
      %dma_start3A_1196 = tpu.memref_squeeze %dma_start3A_1195 : memref<1x128xi32, #tpu.memory_space<vmem>> -> memref<128xi32, #tpu.memory_space<vmem>>
      %dma_start3A_1197 = arith.constant 0 : i32
      %dma_start3A_1198 = arith.constant 0 : i32
      %dma_start3A_1199 = tpu.memref_slice %arg6[%dma_start3A_1197, %dma_start3A_1198] : memref<1000000x32xf32, #tpu.memory_space<hbm>> -> memref<1000000x32xf32, #tpu.memory_space<hbm>>
      tpu.enqueue_indirect_dma source(%dma_start3A_1199 : memref<1000000x32xf32, #tpu.memory_space<hbm>>) target(%dma_start3A_1193 : memref<128x32xf32, #tpu.memory_space<vmem>>) offsets(%dma_start3A_1196 : memref<128xi32, #tpu.memory_space<vmem>>) semaphore(%arg23 : memref<!tpu.dma_semaphore, #tpu.memory_space<semaphore_mem>>) {add = true}
      %dma_start3A_1200 = arith.constant 0 : i32
      %dma_start3A_1201 = arith.constant 0 : i32
      %dma_start3A_1202 = tpu.memref_slice %arg14[%dma_start3A_1200, %dma_start3A_1201] : memref<256x32xf32, #tpu.memory_space<vmem>> -> memref<128x32xf32, #tpu.memory_space<vmem>>
      %dma_start3A_1203 = arith.constant 0 : i32
      %dma_start3A_1204 = tpu.memref_slice %arg11[%add3A_1190, %dma_start3A_1203] : memref<200x128xi32, #tpu.memory_space<vmem>> -> memref<1x128xi32, #tpu.memory_space<vmem>>
      %dma_start3A_1205 = tpu.memref_squeeze %dma_start3A_1204 : memref<1x128xi32, #tpu.memory_space<vmem>> -> memref<128xi32, #tpu.memory_space<vmem>>
      %dma_start3A_1206 = arith.constant 0 : i32
      %dma_start3A_1207 = arith.constant 0 : i32
      %dma_start3A_1208 = tpu.memref_slice %arg7[%dma_start3A_1206, %dma_start3A_1207] : memref<100000x32xf32, #tpu.memory_space<hbm>> -> memref<100000x32xf32, #tpu.memory_space<hbm>>
      tpu.enqueue_indirect_dma source(%dma_start3A_1208 : memref<100000x32xf32, #tpu.memory_space<hbm>>) target(%dma_start3A_1202 : memref<128x32xf32, #tpu.memory_space<vmem>>) offsets(%dma_start3A_1205 : memref<128xi32, #tpu.memory_space<vmem>>) semaphore(%arg23 : memref<!tpu.dma_semaphore, #tpu.memory_space<semaphore_mem>>) {add = true}
      %mul3A_1209 = arith.constant 2 : i32
      %mul3A_1210 = arith.muli %sub3A_1182, %mul3A_1209 : i32
      %add3A_1211 = arith.constant 1 : i32
      %add3A_1212 = arith.addi %mul3A_1210, %add3A_1211 : i32
      %mul3A_1213 = arith.constant 2 : i32
      %mul3A_1214 = arith.muli %sub3A_1182, %mul3A_1213 : i32
      %add3A_1215 = arith.constant 1 : i32
      %add3A_1216 = arith.addi %mul3A_1214, %add3A_1215 : i32
      %dma_start3A_1217 = arith.constant 128 : i32
      %dma_start3A_1218 = arith.constant 0 : i32
      %dma_start3A_1219 = tpu.memref_slice %arg14[%dma_start3A_1217, %dma_start3A_1218] : memref<256x32xf32, #tpu.memory_space<vmem>> -> memref<128x32xf32, #tpu.memory_space<vmem>>
      %dma_start3A_1220 = arith.constant 0 : i32
      %dma_start3A_1221 = tpu.memref_slice %arg10[%add3A_1212, %dma_start3A_1220] : memref<200x128xi32, #tpu.memory_space<vmem>> -> memref<1x128xi32, #tpu.memory_space<vmem>>
      %dma_start3A_1222 = tpu.memref_squeeze %dma_start3A_1221 : memref<1x128xi32, #tpu.memory_space<vmem>> -> memref<128xi32, #tpu.memory_space<vmem>>
      %dma_start3A_1223 = arith.constant 0 : i32
      %dma_start3A_1224 = arith.constant 0 : i32
      %dma_start3A_1225 = tpu.memref_slice %arg6[%dma_start3A_1223, %dma_start3A_1224] : memref<1000000x32xf32, #tpu.memory_space<hbm>> -> memref<1000000x32xf32, #tpu.memory_space<hbm>>
      tpu.enqueue_indirect_dma source(%dma_start3A_1225 : memref<1000000x32xf32, #tpu.memory_space<hbm>>) target(%dma_start3A_1219 : memref<128x32xf32, #tpu.memory_space<vmem>>) offsets(%dma_start3A_1222 : memref<128xi32, #tpu.memory_space<vmem>>) semaphore(%arg23 : memref<!tpu.dma_semaphore, #tpu.memory_space<semaphore_mem>>) {add = true}
      %dma_start3A_1226 = arith.constant 128 : i32
      %dma_start3A_1227 = arith.constant 0 : i32
      %dma_start3A_1228 = tpu.memref_slice %arg14[%dma_start3A_1226, %dma_start3A_1227] : memref<256x32xf32, #tpu.memory_space<vmem>> -> memref<128x32xf32, #tpu.memory_space<vmem>>
      %dma_start3A_1229 = arith.constant 0 : i32
      %dma_start3A_1230 = tpu.memref_slice %arg11[%add3A_1216, %dma_start3A_1229] : memref<200x128xi32, #tpu.memory_space<vmem>> -> memref<1x128xi32, #tpu.memory_space<vmem>>
      %dma_start3A_1231 = tpu.memref_squeeze %dma_start3A_1230 : memref<1x128xi32, #tpu.memory_space<vmem>> -> memref<128xi32, #tpu.memory_space<vmem>>
      %dma_start3A_1232 = arith.constant 0 : i32
      %dma_start3A_1233 = arith.constant 0 : i32
      %dma_start3A_1234 = tpu.memref_slice %arg7[%dma_start3A_1232, %dma_start3A_1233] : memref<100000x32xf32, #tpu.memory_space<hbm>> -> memref<100000x32xf32, #tpu.memory_space<hbm>>
      tpu.enqueue_indirect_dma source(%dma_start3A_1234 : memref<100000x32xf32, #tpu.memory_space<hbm>>) target(%dma_start3A_1228 : memref<128x32xf32, #tpu.memory_space<vmem>>) offsets(%dma_start3A_1231 : memref<128xi32, #tpu.memory_space<vmem>>) semaphore(%arg23 : memref<!tpu.dma_semaphore, #tpu.memory_space<semaphore_mem>>) {add = true}
      %sub3A_1235 = arith.constant 2 : i32
      %sub3A_1236 = arith.subi %add3A_1117, %sub3A_1235 : i32
      %mul3A_1237 = arith.constant 2 : i32
      %mul3A_1238 = arith.muli %sub3A_1236, %mul3A_1237 : i32
      %add3A_1239 = arith.constant 0 : i32
      %add3A_1240 = arith.addi %mul3A_1238, %add3A_1239 : i32
      %mul3A_1241 = arith.constant 2 : i32
      %mul3A_1242 = arith.muli %sub3A_1236, %mul3A_1241 : i32
      %add3A_1243 = arith.constant 0 : i32
      %add3A_1244 = arith.addi %mul3A_1242, %add3A_1243 : i32
      %dma_wait3A_1245 = arith.constant 0 : i32
      %dma_wait3A_1246 = arith.constant 0 : i32
      %dma_wait3A_1247 = tpu.memref_slice %arg13[%dma_wait3A_1245, %dma_wait3A_1246] : memref<256x32xf32, #tpu.memory_space<vmem>> -> memref<128x32xf32, #tpu.memory_space<vmem>>
      %dma_wait3A_1248 = arith.constant 0 : i32
      %dma_wait3A_1249 = tpu.memref_slice %arg10[%add3A_1240, %dma_wait3A_1248] : memref<200x128xi32, #tpu.memory_space<vmem>> -> memref<1x128xi32, #tpu.memory_space<vmem>>
      %dma_wait3A_1250 = tpu.memref_squeeze %dma_wait3A_1249 : memref<1x128xi32, #tpu.memory_space<vmem>> -> memref<128xi32, #tpu.memory_space<vmem>>
      %dma_wait3A_1251 = arith.constant 0 : i32
      %dma_wait3A_1252 = arith.constant 0 : i32
      %dma_wait3A_1253 = tpu.memref_slice %arg6[%dma_wait3A_1251, %dma_wait3A_1252] : memref<1000000x32xf32, #tpu.memory_space<hbm>> -> memref<1000000x32xf32, #tpu.memory_space<hbm>>
      tpu.wait_indirect_dma semaphore(%arg22 : memref<!tpu.dma_semaphore, #tpu.memory_space<semaphore_mem>>) src(%dma_wait3A_1253 : memref<1000000x32xf32, #tpu.memory_space<hbm>>) dst(%dma_wait3A_1247 : memref<128x32xf32, #tpu.memory_space<vmem>>)
      %dma_wait3A_1254 = arith.constant 0 : i32
      %dma_wait3A_1255 = arith.constant 0 : i32
      %dma_wait3A_1256 = tpu.memref_slice %arg13[%dma_wait3A_1254, %dma_wait3A_1255] : memref<256x32xf32, #tpu.memory_space<vmem>> -> memref<128x32xf32, #tpu.memory_space<vmem>>
      %dma_wait3A_1257 = arith.constant 0 : i32
      %dma_wait3A_1258 = tpu.memref_slice %arg11[%add3A_1244, %dma_wait3A_1257] : memref<200x128xi32, #tpu.memory_space<vmem>> -> memref<1x128xi32, #tpu.memory_space<vmem>>
      %dma_wait3A_1259 = tpu.memref_squeeze %dma_wait3A_1258 : memref<1x128xi32, #tpu.memory_space<vmem>> -> memref<128xi32, #tpu.memory_space<vmem>>
      %dma_wait3A_1260 = arith.constant 0 : i32
      %dma_wait3A_1261 = arith.constant 0 : i32
      %dma_wait3A_1262 = tpu.memref_slice %arg7[%dma_wait3A_1260, %dma_wait3A_1261] : memref<100000x32xf32, #tpu.memory_space<hbm>> -> memref<100000x32xf32, #tpu.memory_space<hbm>>
      tpu.wait_indirect_dma semaphore(%arg22 : memref<!tpu.dma_semaphore, #tpu.memory_space<semaphore_mem>>) src(%dma_wait3A_1262 : memref<100000x32xf32, #tpu.memory_space<hbm>>) dst(%dma_wait3A_1256 : memref<128x32xf32, #tpu.memory_space<vmem>>)
      %mul3A_1263 = arith.constant 2 : i32
      %mul3A_1264 = arith.muli %sub3A_1236, %mul3A_1263 : i32
      %add3A_1265 = arith.constant 1 : i32
      %add3A_1266 = arith.addi %mul3A_1264, %add3A_1265 : i32
      %mul3A_1267 = arith.constant 2 : i32
      %mul3A_1268 = arith.muli %sub3A_1236, %mul3A_1267 : i32
      %add3A_1269 = arith.constant 1 : i32
      %add3A_1270 = arith.addi %mul3A_1268, %add3A_1269 : i32
      %dma_wait3A_1271 = arith.constant 128 : i32
      %dma_wait3A_1272 = arith.constant 0 : i32
      %dma_wait3A_1273 = tpu.memref_slice %arg13[%dma_wait3A_1271, %dma_wait3A_1272] : memref<256x32xf32, #tpu.memory_space<vmem>> -> memref<128x32xf32, #tpu.memory_space<vmem>>
      %dma_wait3A_1274 = arith.constant 0 : i32
      %dma_wait3A_1275 = tpu.memref_slice %arg10[%add3A_1266, %dma_wait3A_1274] : memref<200x128xi32, #tpu.memory_space<vmem>> -> memref<1x128xi32, #tpu.memory_space<vmem>>
      %dma_wait3A_1276 = tpu.memref_squeeze %dma_wait3A_1275 : memref<1x128xi32, #tpu.memory_space<vmem>> -> memref<128xi32, #tpu.memory_space<vmem>>
      %dma_wait3A_1277 = arith.constant 0 : i32
      %dma_wait3A_1278 = arith.constant 0 : i32
      %dma_wait3A_1279 = tpu.memref_slice %arg6[%dma_wait3A_1277, %dma_wait3A_1278] : memref<1000000x32xf32, #tpu.memory_space<hbm>> -> memref<1000000x32xf32, #tpu.memory_space<hbm>>
      tpu.wait_indirect_dma semaphore(%arg22 : memref<!tpu.dma_semaphore, #tpu.memory_space<semaphore_mem>>) src(%dma_wait3A_1279 : memref<1000000x32xf32, #tpu.memory_space<hbm>>) dst(%dma_wait3A_1273 : memref<128x32xf32, #tpu.memory_space<vmem>>)
      %dma_wait3A_1280 = arith.constant 128 : i32
      %dma_wait3A_1281 = arith.constant 0 : i32
      %dma_wait3A_1282 = tpu.memref_slice %arg13[%dma_wait3A_1280, %dma_wait3A_1281] : memref<256x32xf32, #tpu.memory_space<vmem>> -> memref<128x32xf32, #tpu.memory_space<vmem>>
      %dma_wait3A_1283 = arith.constant 0 : i32
      %dma_wait3A_1284 = tpu.memref_slice %arg11[%add3A_1270, %dma_wait3A_1283] : memref<200x128xi32, #tpu.memory_space<vmem>> -> memref<1x128xi32, #tpu.memory_space<vmem>>
      %dma_wait3A_1285 = tpu.memref_squeeze %dma_wait3A_1284 : memref<1x128xi32, #tpu.memory_space<vmem>> -> memref<128xi32, #tpu.memory_space<vmem>>
      %dma_wait3A_1286 = arith.constant 0 : i32
      %dma_wait3A_1287 = arith.constant 0 : i32
      %dma_wait3A_1288 = tpu.memref_slice %arg7[%dma_wait3A_1286, %dma_wait3A_1287] : memref<100000x32xf32, #tpu.memory_space<hbm>> -> memref<100000x32xf32, #tpu.memory_space<hbm>>
      tpu.wait_indirect_dma semaphore(%arg22 : memref<!tpu.dma_semaphore, #tpu.memory_space<semaphore_mem>>) src(%dma_wait3A_1288 : memref<100000x32xf32, #tpu.memory_space<hbm>>) dst(%dma_wait3A_1282 : memref<128x32xf32, #tpu.memory_space<vmem>>)
      %sub3A_1289 = arith.constant 2 : i32
      %sub3A_1290 = arith.subi %add3A_1117, %sub3A_1289 : i32
      %mul3A_1291 = arith.constant 256 : i32
      %mul3A_1292 = arith.muli %sub3A_1290, %mul3A_1291 : i32
      %add3A_1293 = arith.addi %mul3A_4, %mul3A_1292 : i32
      %dma_start3A_1294 = arith.constant 0 : i32
      %dma_start3A_1295 = tpu.memref_slice %arg8[%add3A_1293, %dma_start3A_1294] : memref<819200x128xf32, #tpu.memory_space<hbm>> -> memref<256x32xf32, #tpu.memory_space<hbm>>
      %dma_start3A_1296 = arith.constant 0 : i32
      %dma_start3A_1297 = tpu.memref_slice %arg8[%add3A_1293, %dma_start3A_1296] : memref<819200x128xf32, #tpu.memory_space<hbm>> -> memref<256x32xf32, #tpu.memory_space<hbm>>
      tpu.enqueue_dma source(%arg13 : memref<256x32xf32, #tpu.memory_space<vmem>>) target(%dma_start3A_1297 : memref<256x32xf32, #tpu.memory_space<hbm>>) target_semaphore(%arg26 : memref<!tpu.dma_semaphore, #tpu.memory_space<semaphore_mem>>)
    }
    %scan3A_385 = arith.constant 24 : i32
    %dma_wait3A_386 = arith.constant 198 : i32
    %dma_wait3A_387 = arith.constant 0 : i32
    %dma_wait3A_388 = arith.constant 0 : i32
    %dma_wait3A_389 = tpu.memref_slice %arg15[%dma_wait3A_387, %dma_wait3A_388] : memref<256x32xf32, #tpu.memory_space<vmem>> -> memref<128x32xf32, #tpu.memory_space<vmem>>
    %dma_wait3A_390 = arith.constant 0 : i32
    %dma_wait3A_391 = tpu.memref_slice %arg9[%dma_wait3A_386, %dma_wait3A_390] : memref<200x128xi32, #tpu.memory_space<vmem>> -> memref<1x128xi32, #tpu.memory_space<vmem>>
    %dma_wait3A_392 = tpu.memref_squeeze %dma_wait3A_391 : memref<1x128xi32, #tpu.memory_space<vmem>> -> memref<128xi32, #tpu.memory_space<vmem>>
    %dma_wait3A_393 = arith.constant 0 : i32
    %dma_wait3A_394 = arith.constant 0 : i32
    %dma_wait3A_395 = tpu.memref_slice %arg16[%dma_wait3A_393, %dma_wait3A_394] : memref<1000x32xf32, #tpu.memory_space<vmem_shared>> -> memref<1000x32xf32, #tpu.memory_space<vmem_shared>>
    tpu.wait_indirect_dma semaphore(%arg20 : memref<!tpu.dma_semaphore, #tpu.memory_space<semaphore_mem>>) src(%dma_wait3A_395 : memref<1000x32xf32, #tpu.memory_space<vmem_shared>>) dst(%dma_wait3A_389 : memref<128x32xf32, #tpu.memory_space<vmem>>)
    %dma_wait3A_396 = arith.constant 199 : i32
    %dma_wait3A_397 = arith.constant 128 : i32
    %dma_wait3A_398 = arith.constant 0 : i32
    %dma_wait3A_399 = tpu.memref_slice %arg15[%dma_wait3A_397, %dma_wait3A_398] : memref<256x32xf32, #tpu.memory_space<vmem>> -> memref<128x32xf32, #tpu.memory_space<vmem>>
    %dma_wait3A_400 = arith.constant 0 : i32
    %dma_wait3A_401 = tpu.memref_slice %arg9[%dma_wait3A_396, %dma_wait3A_400] : memref<200x128xi32, #tpu.memory_space<vmem>> -> memref<1x128xi32, #tpu.memory_space<vmem>>
    %dma_wait3A_402 = tpu.memref_squeeze %dma_wait3A_401 : memref<1x128xi32, #tpu.memory_space<vmem>> -> memref<128xi32, #tpu.memory_space<vmem>>
    %dma_wait3A_403 = arith.constant 0 : i32
    %dma_wait3A_404 = arith.constant 0 : i32
    %dma_wait3A_405 = tpu.memref_slice %arg16[%dma_wait3A_403, %dma_wait3A_404] : memref<1000x32xf32, #tpu.memory_space<vmem_shared>> -> memref<1000x32xf32, #tpu.memory_space<vmem_shared>>
    tpu.wait_indirect_dma semaphore(%arg20 : memref<!tpu.dma_semaphore, #tpu.memory_space<semaphore_mem>>) src(%dma_wait3A_405 : memref<1000x32xf32, #tpu.memory_space<vmem_shared>>) dst(%dma_wait3A_399 : memref<128x32xf32, #tpu.memory_space<vmem>>)
    %dma_start3A_406 = arith.constant 198 : i32
    %dma_start3A_407 = arith.constant 0 : i32
    %dma_start3A_408 = arith.constant 0 : i32
    %dma_start3A_409 = tpu.memref_slice %arg15[%dma_start3A_407, %dma_start3A_408] : memref<256x32xf32, #tpu.memory_space<vmem>> -> memref<128x32xf32, #tpu.memory_space<vmem>>
    %dma_start3A_410 = arith.constant 0 : i32
    %dma_start3A_411 = tpu.memref_slice %arg10[%dma_start3A_406, %dma_start3A_410] : memref<200x128xi32, #tpu.memory_space<vmem>> -> memref<1x128xi32, #tpu.memory_space<vmem>>
    %dma_start3A_412 = tpu.memref_squeeze %dma_start3A_411 : memref<1x128xi32, #tpu.memory_space<vmem>> -> memref<128xi32, #tpu.memory_space<vmem>>
    %dma_start3A_413 = arith.constant 0 : i32
    %dma_start3A_414 = arith.constant 0 : i32
    %dma_start3A_415 = tpu.memref_slice %arg6[%dma_start3A_413, %dma_start3A_414] : memref<1000000x32xf32, #tpu.memory_space<hbm>> -> memref<1000000x32xf32, #tpu.memory_space<hbm>>
    tpu.enqueue_indirect_dma source(%dma_start3A_415 : memref<1000000x32xf32, #tpu.memory_space<hbm>>) target(%dma_start3A_409 : memref<128x32xf32, #tpu.memory_space<vmem>>) offsets(%dma_start3A_412 : memref<128xi32, #tpu.memory_space<vmem>>) semaphore(%arg24 : memref<!tpu.dma_semaphore, #tpu.memory_space<semaphore_mem>>) {add = true}
    %dma_start3A_416 = arith.constant 198 : i32
    %dma_start3A_417 = arith.constant 0 : i32
    %dma_start3A_418 = arith.constant 0 : i32
    %dma_start3A_419 = tpu.memref_slice %arg15[%dma_start3A_417, %dma_start3A_418] : memref<256x32xf32, #tpu.memory_space<vmem>> -> memref<128x32xf32, #tpu.memory_space<vmem>>
    %dma_start3A_420 = arith.constant 0 : i32
    %dma_start3A_421 = tpu.memref_slice %arg11[%dma_start3A_416, %dma_start3A_420] : memref<200x128xi32, #tpu.memory_space<vmem>> -> memref<1x128xi32, #tpu.memory_space<vmem>>
    %dma_start3A_422 = tpu.memref_squeeze %dma_start3A_421 : memref<1x128xi32, #tpu.memory_space<vmem>> -> memref<128xi32, #tpu.memory_space<vmem>>
    %dma_start3A_423 = arith.constant 0 : i32
    %dma_start3A_424 = arith.constant 0 : i32
    %dma_start3A_425 = tpu.memref_slice %arg7[%dma_start3A_423, %dma_start3A_424] : memref<100000x32xf32, #tpu.memory_space<hbm>> -> memref<100000x32xf32, #tpu.memory_space<hbm>>
    tpu.enqueue_indirect_dma source(%dma_start3A_425 : memref<100000x32xf32, #tpu.memory_space<hbm>>) target(%dma_start3A_419 : memref<128x32xf32, #tpu.memory_space<vmem>>) offsets(%dma_start3A_422 : memref<128xi32, #tpu.memory_space<vmem>>) semaphore(%arg24 : memref<!tpu.dma_semaphore, #tpu.memory_space<semaphore_mem>>) {add = true}
    %dma_start3A_426 = arith.constant 199 : i32
    %dma_start3A_427 = arith.constant 128 : i32
    %dma_start3A_428 = arith.constant 0 : i32
    %dma_start3A_429 = tpu.memref_slice %arg15[%dma_start3A_427, %dma_start3A_428] : memref<256x32xf32, #tpu.memory_space<vmem>> -> memref<128x32xf32, #tpu.memory_space<vmem>>
    %dma_start3A_430 = arith.constant 0 : i32
    %dma_start3A_431 = tpu.memref_slice %arg10[%dma_start3A_426, %dma_start3A_430] : memref<200x128xi32, #tpu.memory_space<vmem>> -> memref<1x128xi32, #tpu.memory_space<vmem>>
    %dma_start3A_432 = tpu.memref_squeeze %dma_start3A_431 : memref<1x128xi32, #tpu.memory_space<vmem>> -> memref<128xi32, #tpu.memory_space<vmem>>
    %dma_start3A_433 = arith.constant 0 : i32
    %dma_start3A_434 = arith.constant 0 : i32
    %dma_start3A_435 = tpu.memref_slice %arg6[%dma_start3A_433, %dma_start3A_434] : memref<1000000x32xf32, #tpu.memory_space<hbm>> -> memref<1000000x32xf32, #tpu.memory_space<hbm>>
    tpu.enqueue_indirect_dma source(%dma_start3A_435 : memref<1000000x32xf32, #tpu.memory_space<hbm>>) target(%dma_start3A_429 : memref<128x32xf32, #tpu.memory_space<vmem>>) offsets(%dma_start3A_432 : memref<128xi32, #tpu.memory_space<vmem>>) semaphore(%arg24 : memref<!tpu.dma_semaphore, #tpu.memory_space<semaphore_mem>>) {add = true}
    %dma_start3A_436 = arith.constant 199 : i32
    %dma_start3A_437 = arith.constant 128 : i32
    %dma_start3A_438 = arith.constant 0 : i32
    %dma_start3A_439 = tpu.memref_slice %arg15[%dma_start3A_437, %dma_start3A_438] : memref<256x32xf32, #tpu.memory_space<vmem>> -> memref<128x32xf32, #tpu.memory_space<vmem>>
    %dma_start3A_440 = arith.constant 0 : i32
    %dma_start3A_441 = tpu.memref_slice %arg11[%dma_start3A_436, %dma_start3A_440] : memref<200x128xi32, #tpu.memory_space<vmem>> -> memref<1x128xi32, #tpu.memory_space<vmem>>
    %dma_start3A_442 = tpu.memref_squeeze %dma_start3A_441 : memref<1x128xi32, #tpu.memory_space<vmem>> -> memref<128xi32, #tpu.memory_space<vmem>>
    %dma_start3A_443 = arith.constant 0 : i32
    %dma_start3A_444 = arith.constant 0 : i32
    %dma_start3A_445 = tpu.memref_slice %arg7[%dma_start3A_443, %dma_start3A_444] : memref<100000x32xf32, #tpu.memory_space<hbm>> -> memref<100000x32xf32, #tpu.memory_space<hbm>>
    tpu.enqueue_indirect_dma source(%dma_start3A_445 : memref<100000x32xf32, #tpu.memory_space<hbm>>) target(%dma_start3A_439 : memref<128x32xf32, #tpu.memory_space<vmem>>) offsets(%dma_start3A_442 : memref<128xi32, #tpu.memory_space<vmem>>) semaphore(%arg24 : memref<!tpu.dma_semaphore, #tpu.memory_space<semaphore_mem>>) {add = true}
    %dma_wait3A_446 = arith.constant 196 : i32
    %dma_wait3A_447 = arith.constant 0 : i32
    %dma_wait3A_448 = arith.constant 0 : i32
    %dma_wait3A_449 = tpu.memref_slice %arg14[%dma_wait3A_447, %dma_wait3A_448] : memref<256x32xf32, #tpu.memory_space<vmem>> -> memref<128x32xf32, #tpu.memory_space<vmem>>
    %dma_wait3A_450 = arith.constant 0 : i32
    %dma_wait3A_451 = tpu.memref_slice %arg10[%dma_wait3A_446, %dma_wait3A_450] : memref<200x128xi32, #tpu.memory_space<vmem>> -> memref<1x128xi32, #tpu.memory_space<vmem>>
    %dma_wait3A_452 = tpu.memref_squeeze %dma_wait3A_451 : memref<1x128xi32, #tpu.memory_space<vmem>> -> memref<128xi32, #tpu.memory_space<vmem>>
    %dma_wait3A_453 = arith.constant 0 : i32
    %dma_wait3A_454 = arith.constant 0 : i32
    %dma_wait3A_455 = tpu.memref_slice %arg6[%dma_wait3A_453, %dma_wait3A_454] : memref<1000000x32xf32, #tpu.memory_space<hbm>> -> memref<1000000x32xf32, #tpu.memory_space<hbm>>
    tpu.wait_indirect_dma semaphore(%arg23 : memref<!tpu.dma_semaphore, #tpu.memory_space<semaphore_mem>>) src(%dma_wait3A_455 : memref<1000000x32xf32, #tpu.memory_space<hbm>>) dst(%dma_wait3A_449 : memref<128x32xf32, #tpu.memory_space<vmem>>)
    %dma_wait3A_456 = arith.constant 196 : i32
    %dma_wait3A_457 = arith.constant 0 : i32
    %dma_wait3A_458 = arith.constant 0 : i32
    %dma_wait3A_459 = tpu.memref_slice %arg14[%dma_wait3A_457, %dma_wait3A_458] : memref<256x32xf32, #tpu.memory_space<vmem>> -> memref<128x32xf32, #tpu.memory_space<vmem>>
    %dma_wait3A_460 = arith.constant 0 : i32
    %dma_wait3A_461 = tpu.memref_slice %arg11[%dma_wait3A_456, %dma_wait3A_460] : memref<200x128xi32, #tpu.memory_space<vmem>> -> memref<1x128xi32, #tpu.memory_space<vmem>>
    %dma_wait3A_462 = tpu.memref_squeeze %dma_wait3A_461 : memref<1x128xi32, #tpu.memory_space<vmem>> -> memref<128xi32, #tpu.memory_space<vmem>>
    %dma_wait3A_463 = arith.constant 0 : i32
    %dma_wait3A_464 = arith.constant 0 : i32
    %dma_wait3A_465 = tpu.memref_slice %arg7[%dma_wait3A_463, %dma_wait3A_464] : memref<100000x32xf32, #tpu.memory_space<hbm>> -> memref<100000x32xf32, #tpu.memory_space<hbm>>
    tpu.wait_indirect_dma semaphore(%arg23 : memref<!tpu.dma_semaphore, #tpu.memory_space<semaphore_mem>>) src(%dma_wait3A_465 : memref<100000x32xf32, #tpu.memory_space<hbm>>) dst(%dma_wait3A_459 : memref<128x32xf32, #tpu.memory_space<vmem>>)
    %dma_wait3A_466 = arith.constant 197 : i32
    %dma_wait3A_467 = arith.constant 128 : i32
    %dma_wait3A_468 = arith.constant 0 : i32
    %dma_wait3A_469 = tpu.memref_slice %arg14[%dma_wait3A_467, %dma_wait3A_468] : memref<256x32xf32, #tpu.memory_space<vmem>> -> memref<128x32xf32, #tpu.memory_space<vmem>>
    %dma_wait3A_470 = arith.constant 0 : i32
    %dma_wait3A_471 = tpu.memref_slice %arg10[%dma_wait3A_466, %dma_wait3A_470] : memref<200x128xi32, #tpu.memory_space<vmem>> -> memref<1x128xi32, #tpu.memory_space<vmem>>
    %dma_wait3A_472 = tpu.memref_squeeze %dma_wait3A_471 : memref<1x128xi32, #tpu.memory_space<vmem>> -> memref<128xi32, #tpu.memory_space<vmem>>
    %dma_wait3A_473 = arith.constant 0 : i32
    %dma_wait3A_474 = arith.constant 0 : i32
    %dma_wait3A_475 = tpu.memref_slice %arg6[%dma_wait3A_473, %dma_wait3A_474] : memref<1000000x32xf32, #tpu.memory_space<hbm>> -> memref<1000000x32xf32, #tpu.memory_space<hbm>>
    tpu.wait_indirect_dma semaphore(%arg23 : memref<!tpu.dma_semaphore, #tpu.memory_space<semaphore_mem>>) src(%dma_wait3A_475 : memref<1000000x32xf32, #tpu.memory_space<hbm>>) dst(%dma_wait3A_469 : memref<128x32xf32, #tpu.memory_space<vmem>>)
    %dma_wait3A_476 = arith.constant 197 : i32
    %dma_wait3A_477 = arith.constant 128 : i32
    %dma_wait3A_478 = arith.constant 0 : i32
    %dma_wait3A_479 = tpu.memref_slice %arg14[%dma_wait3A_477, %dma_wait3A_478] : memref<256x32xf32, #tpu.memory_space<vmem>> -> memref<128x32xf32, #tpu.memory_space<vmem>>
    %dma_wait3A_480 = arith.constant 0 : i32
    %dma_wait3A_481 = tpu.memref_slice %arg11[%dma_wait3A_476, %dma_wait3A_480] : memref<200x128xi32, #tpu.memory_space<vmem>> -> memref<1x128xi32, #tpu.memory_space<vmem>>
    %dma_wait3A_482 = tpu.memref_squeeze %dma_wait3A_481 : memref<1x128xi32, #tpu.memory_space<vmem>> -> memref<128xi32, #tpu.memory_space<vmem>>
    %dma_wait3A_483 = arith.constant 0 : i32
    %dma_wait3A_484 = arith.constant 0 : i32
    %dma_wait3A_485 = tpu.memref_slice %arg7[%dma_wait3A_483, %dma_wait3A_484] : memref<100000x32xf32, #tpu.memory_space<hbm>> -> memref<100000x32xf32, #tpu.memory_space<hbm>>
    tpu.wait_indirect_dma semaphore(%arg23 : memref<!tpu.dma_semaphore, #tpu.memory_space<semaphore_mem>>) src(%dma_wait3A_485 : memref<100000x32xf32, #tpu.memory_space<hbm>>) dst(%dma_wait3A_479 : memref<128x32xf32, #tpu.memory_space<vmem>>)
    %add3A_486 = arith.constant 25088 : i32
    %add3A_487 = arith.addi %mul3A_4, %add3A_486 : i32
    %dma_start3A_488 = arith.constant 0 : i32
    %dma_start3A_489 = tpu.memref_slice %arg8[%add3A_487, %dma_start3A_488] : memref<819200x128xf32, #tpu.memory_space<hbm>> -> memref<256x32xf32, #tpu.memory_space<hbm>>
    %dma_start3A_490 = arith.constant 0 : i32
    %dma_start3A_491 = tpu.memref_slice %arg8[%add3A_487, %dma_start3A_490] : memref<819200x128xf32, #tpu.memory_space<hbm>> -> memref<256x32xf32, #tpu.memory_space<hbm>>
    tpu.enqueue_dma source(%arg14 : memref<256x32xf32, #tpu.memory_space<vmem>>) target(%dma_start3A_491 : memref<256x32xf32, #tpu.memory_space<hbm>>) target_semaphore(%arg27 : memref<!tpu.dma_semaphore, #tpu.memory_space<semaphore_mem>>)
    %dma_wait3A_492 = arith.constant 198 : i32
    %dma_wait3A_493 = arith.constant 0 : i32
    %dma_wait3A_494 = arith.constant 0 : i32
    %dma_wait3A_495 = tpu.memref_slice %arg15[%dma_wait3A_493, %dma_wait3A_494] : memref<256x32xf32, #tpu.memory_space<vmem>> -> memref<128x32xf32, #tpu.memory_space<vmem>>
    %dma_wait3A_496 = arith.constant 0 : i32
    %dma_wait3A_497 = tpu.memref_slice %arg10[%dma_wait3A_492, %dma_wait3A_496] : memref<200x128xi32, #tpu.memory_space<vmem>> -> memref<1x128xi32, #tpu.memory_space<vmem>>
    %dma_wait3A_498 = tpu.memref_squeeze %dma_wait3A_497 : memref<1x128xi32, #tpu.memory_space<vmem>> -> memref<128xi32, #tpu.memory_space<vmem>>
    %dma_wait3A_499 = arith.constant 0 : i32
    %dma_wait3A_500 = arith.constant 0 : i32
    %dma_wait3A_501 = tpu.memref_slice %arg6[%dma_wait3A_499, %dma_wait3A_500] : memref<1000000x32xf32, #tpu.memory_space<hbm>> -> memref<1000000x32xf32, #tpu.memory_space<hbm>>
    tpu.wait_indirect_dma semaphore(%arg24 : memref<!tpu.dma_semaphore, #tpu.memory_space<semaphore_mem>>) src(%dma_wait3A_501 : memref<1000000x32xf32, #tpu.memory_space<hbm>>) dst(%dma_wait3A_495 : memref<128x32xf32, #tpu.memory_space<vmem>>)
    %dma_wait3A_502 = arith.constant 198 : i32
    %dma_wait3A_503 = arith.constant 0 : i32
    %dma_wait3A_504 = arith.constant 0 : i32
    %dma_wait3A_505 = tpu.memref_slice %arg15[%dma_wait3A_503, %dma_wait3A_504] : memref<256x32xf32, #tpu.memory_space<vmem>> -> memref<128x32xf32, #tpu.memory_space<vmem>>
    %dma_wait3A_506 = arith.constant 0 : i32
    %dma_wait3A_507 = tpu.memref_slice %arg11[%dma_wait3A_502, %dma_wait3A_506] : memref<200x128xi32, #tpu.memory_space<vmem>> -> memref<1x128xi32, #tpu.memory_space<vmem>>
    %dma_wait3A_508 = tpu.memref_squeeze %dma_wait3A_507 : memref<1x128xi32, #tpu.memory_space<vmem>> -> memref<128xi32, #tpu.memory_space<vmem>>
    %dma_wait3A_509 = arith.constant 0 : i32
    %dma_wait3A_510 = arith.constant 0 : i32
    %dma_wait3A_511 = tpu.memref_slice %arg7[%dma_wait3A_509, %dma_wait3A_510] : memref<100000x32xf32, #tpu.memory_space<hbm>> -> memref<100000x32xf32, #tpu.memory_space<hbm>>
    tpu.wait_indirect_dma semaphore(%arg24 : memref<!tpu.dma_semaphore, #tpu.memory_space<semaphore_mem>>) src(%dma_wait3A_511 : memref<100000x32xf32, #tpu.memory_space<hbm>>) dst(%dma_wait3A_505 : memref<128x32xf32, #tpu.memory_space<vmem>>)
    %dma_wait3A_512 = arith.constant 199 : i32
    %dma_wait3A_513 = arith.constant 128 : i32
    %dma_wait3A_514 = arith.constant 0 : i32
    %dma_wait3A_515 = tpu.memref_slice %arg15[%dma_wait3A_513, %dma_wait3A_514] : memref<256x32xf32, #tpu.memory_space<vmem>> -> memref<128x32xf32, #tpu.memory_space<vmem>>
    %dma_wait3A_516 = arith.constant 0 : i32
    %dma_wait3A_517 = tpu.memref_slice %arg10[%dma_wait3A_512, %dma_wait3A_516] : memref<200x128xi32, #tpu.memory_space<vmem>> -> memref<1x128xi32, #tpu.memory_space<vmem>>
    %dma_wait3A_518 = tpu.memref_squeeze %dma_wait3A_517 : memref<1x128xi32, #tpu.memory_space<vmem>> -> memref<128xi32, #tpu.memory_space<vmem>>
    %dma_wait3A_519 = arith.constant 0 : i32
    %dma_wait3A_520 = arith.constant 0 : i32
    %dma_wait3A_521 = tpu.memref_slice %arg6[%dma_wait3A_519, %dma_wait3A_520] : memref<1000000x32xf32, #tpu.memory_space<hbm>> -> memref<1000000x32xf32, #tpu.memory_space<hbm>>
    tpu.wait_indirect_dma semaphore(%arg24 : memref<!tpu.dma_semaphore, #tpu.memory_space<semaphore_mem>>) src(%dma_wait3A_521 : memref<1000000x32xf32, #tpu.memory_space<hbm>>) dst(%dma_wait3A_515 : memref<128x32xf32, #tpu.memory_space<vmem>>)
    %dma_wait3A_522 = arith.constant 199 : i32
    %dma_wait3A_523 = arith.constant 128 : i32
    %dma_wait3A_524 = arith.constant 0 : i32
    %dma_wait3A_525 = tpu.memref_slice %arg15[%dma_wait3A_523, %dma_wait3A_524] : memref<256x32xf32, #tpu.memory_space<vmem>> -> memref<128x32xf32, #tpu.memory_space<vmem>>
    %dma_wait3A_526 = arith.constant 0 : i32
    %dma_wait3A_527 = tpu.memref_slice %arg11[%dma_wait3A_522, %dma_wait3A_526] : memref<200x128xi32, #tpu.memory_space<vmem>> -> memref<1x128xi32, #tpu.memory_space<vmem>>
    %dma_wait3A_528 = tpu.memref_squeeze %dma_wait3A_527 : memref<1x128xi32, #tpu.memory_space<vmem>> -> memref<128xi32, #tpu.memory_space<vmem>>
    %dma_wait3A_529 = arith.constant 0 : i32
    %dma_wait3A_530 = arith.constant 0 : i32
    %dma_wait3A_531 = tpu.memref_slice %arg7[%dma_wait3A_529, %dma_wait3A_530] : memref<100000x32xf32, #tpu.memory_space<hbm>> -> memref<100000x32xf32, #tpu.memory_space<hbm>>
    tpu.wait_indirect_dma semaphore(%arg24 : memref<!tpu.dma_semaphore, #tpu.memory_space<semaphore_mem>>) src(%dma_wait3A_531 : memref<100000x32xf32, #tpu.memory_space<hbm>>) dst(%dma_wait3A_525 : memref<128x32xf32, #tpu.memory_space<vmem>>)
    %add3A_532 = arith.constant 25344 : i32
    %add3A_533 = arith.addi %mul3A_4, %add3A_532 : i32
    %dma_start3A_534 = arith.constant 0 : i32
    %dma_start3A_535 = tpu.memref_slice %arg8[%add3A_533, %dma_start3A_534] : memref<819200x128xf32, #tpu.memory_space<hbm>> -> memref<256x32xf32, #tpu.memory_space<hbm>>
    %dma_start3A_536 = arith.constant 0 : i32
    %dma_start3A_537 = tpu.memref_slice %arg8[%add3A_533, %dma_start3A_536] : memref<819200x128xf32, #tpu.memory_space<hbm>> -> memref<256x32xf32, #tpu.memory_space<hbm>>
    tpu.enqueue_dma source(%arg15 : memref<256x32xf32, #tpu.memory_space<vmem>>) target(%dma_start3A_537 : memref<256x32xf32, #tpu.memory_space<hbm>>) target_semaphore(%arg28 : memref<!tpu.dma_semaphore, #tpu.memory_space<semaphore_mem>>)
    %add3A_538 = arith.constant 24576 : i32
    %add3A_539 = arith.addi %mul3A_4, %add3A_538 : i32
    %dma_wait3A_540 = arith.constant 0 : i32
    %dma_wait3A_541 = tpu.memref_slice %arg8[%add3A_539, %dma_wait3A_540] : memref<819200x128xf32, #tpu.memory_space<hbm>> -> memref<256x32xf32, #tpu.memory_space<hbm>>
    %dma_wait3A_542 = arith.constant 0 : i32
    %dma_wait3A_543 = tpu.memref_slice %arg8[%add3A_539, %dma_wait3A_542] : memref<819200x128xf32, #tpu.memory_space<hbm>> -> memref<256x32xf32, #tpu.memory_space<hbm>>
    tpu.wait_dma2 semaphore(%arg25 : memref<!tpu.dma_semaphore, #tpu.memory_space<semaphore_mem>>) src(%arg12 : memref<256x32xf32, #tpu.memory_space<vmem>>) dst(%dma_wait3A_543 : memref<256x32xf32, #tpu.memory_space<hbm>>)
    %add3A_544 = arith.constant 24832 : i32
    %add3A_545 = arith.addi %mul3A_4, %add3A_544 : i32
    %dma_wait3A_546 = arith.constant 0 : i32
    %dma_wait3A_547 = tpu.memref_slice %arg8[%add3A_545, %dma_wait3A_546] : memref<819200x128xf32, #tpu.memory_space<hbm>> -> memref<256x32xf32, #tpu.memory_space<hbm>>
    %dma_wait3A_548 = arith.constant 0 : i32
    %dma_wait3A_549 = tpu.memref_slice %arg8[%add3A_545, %dma_wait3A_548] : memref<819200x128xf32, #tpu.memory_space<hbm>> -> memref<256x32xf32, #tpu.memory_space<hbm>>
    tpu.wait_dma2 semaphore(%arg26 : memref<!tpu.dma_semaphore, #tpu.memory_space<semaphore_mem>>) src(%arg13 : memref<256x32xf32, #tpu.memory_space<vmem>>) dst(%dma_wait3A_549 : memref<256x32xf32, #tpu.memory_space<hbm>>)
    %add3A_550 = arith.constant 25088 : i32
    %add3A_551 = arith.addi %mul3A_4, %add3A_550 : i32
    %dma_wait3A_552 = arith.constant 0 : i32
    %dma_wait3A_553 = tpu.memref_slice %arg8[%add3A_551, %dma_wait3A_552] : memref<819200x128xf32, #tpu.memory_space<hbm>> -> memref<256x32xf32, #tpu.memory_space<hbm>>
    %dma_wait3A_554 = arith.constant 0 : i32
    %dma_wait3A_555 = tpu.memref_slice %arg8[%add3A_551, %dma_wait3A_554] : memref<819200x128xf32, #tpu.memory_space<hbm>> -> memref<256x32xf32, #tpu.memory_space<hbm>>
    tpu.wait_dma2 semaphore(%arg27 : memref<!tpu.dma_semaphore, #tpu.memory_space<semaphore_mem>>) src(%arg14 : memref<256x32xf32, #tpu.memory_space<vmem>>) dst(%dma_wait3A_555 : memref<256x32xf32, #tpu.memory_space<hbm>>)
    %add3A_556 = arith.constant 25344 : i32
    %add3A_557 = arith.addi %mul3A_4, %add3A_556 : i32
    %dma_wait3A_558 = arith.constant 0 : i32
    %dma_wait3A_559 = tpu.memref_slice %arg8[%add3A_557, %dma_wait3A_558] : memref<819200x128xf32, #tpu.memory_space<hbm>> -> memref<256x32xf32, #tpu.memory_space<hbm>>
    %dma_wait3A_560 = arith.constant 0 : i32
    %dma_wait3A_561 = tpu.memref_slice %arg8[%add3A_557, %dma_wait3A_560] : memref<819200x128xf32, #tpu.memory_space<hbm>> -> memref<256x32xf32, #tpu.memory_space<hbm>>
    tpu.wait_dma2 semaphore(%arg28 : memref<!tpu.dma_semaphore, #tpu.memory_space<semaphore_mem>>) src(%arg15 : memref<256x32xf32, #tpu.memory_space<vmem>>) dst(%dma_wait3A_561 : memref<256x32xf32, #tpu.memory_space<hbm>>)
    return
  }
}

</mosaic_0001>

<sc_bundles>
// kernel: kernel.3.cloned.1.call-start
scs
__scs_entry_jumppad:
0x0: {  	(pc) =	sbr.rel $0x88, $3  }
0x1: {  	(tag) =	ssettag $0x0;
	lr =	simm.s32 $0x1  }
0x2: {  	[smem:$0x3F9B] =	sst lr;
	_ =	strace $0xD0000000  }
0x3: {  	_ = 	snop  }
0x4: {  	_ = 	snop  }
0x5: {  	_ = 	snop  }
0x6: {  	_ = 	snop  }
0x7: {  	_ = 	snop  }
__scs_overlays_trampoline_lowered:
0x8: {  	[smem:$0x3FAA] =	sst s0  }
0x9: {  	[smem:$0x3FAB] =	sst s1  }
0xa: {  	[smem:$0x3FAC] =	sst s2  }
0xb: {  	[smem:$0x3FAD] =	sst s3  }
0xc: {  	[smem:$0x3FAE] =	sst s4  }
0xd: {  	[smem:$0x3FAF] =	sst s5  }
0xe: {  	[smem:$0x3FB0] =	sst s6  }
0xf: {  	[smem:$0x3FB1] =	sst s7  }
0x10: {  	[smem:$0x3FB2] =	sst s8  }
0x11: {  	[smem:$0x3FB3] =	sst s9;
	s0 =	simm.s32 @!p0 $0x0  }
0x12: {  	s1 =	sld [smem:$0x3F99];
	s0 =	simm.s32 @p0 $0x1  }
0x13: {  	[smem:$0x3FB4] =	sst s0;
	s0 =	simm.s32 @!p1 $0x0  }
0x14: {  	s2 =	sld [smem:$0x3F98];
	s0 =	simm.s32 @p1 $0x1  }
0x15: {  	[smem:$0x3FB5] =	sst s0;
	s0 =	simm.s32 @!p2 $0x0  }
0x16: {  	s3 =	sld [smem:$0x3FDB];
	s0 =	simm.s32 @p2 $0x1  }
0x17: {  	s4 =	simm.s32 $0x1BF5;
	[smem:$0x3FB7] =	sst s0  }
0x18: {  	s0 =	sld [smem:$0x3F9A];
	_ =	swait.ge [sflag:s4], $0x0  }
0x19: {  	s7 =	sld [smem:$0x3F9B]  }
0x1a: {  	s8 =	sadd.s32 $0xFFFFE003, lr  }
0x1b: {  	s9 =	sadd.s32 $0xFFFFFEF7, lr;
	s5 =	simm.s32 $0xFFFFFFFF;
	p2 =	slt.u32 s8, $0xFFFFF086  }
0x1c: {  	p1 =	slt.u32 s9, $0xF7A;
	s5 =	simm.s32 @!p2 $0x0  }
0x1d: {  	s5 =	simm.s32 @p1 $0x1;
	p0 =	seq.s32 s7, s2  }
0x1e: {  	s7 =	smul.u32 @!p0 $0xF7A, s2;
	p2 =	seq.s32 @!p0 s5, $0x0  }
0x1f: {  	s9 =	smul.u32 $0xF7A, s1;
	s8 =	simm.s32 @!p0 $0x1BF5;
	p2 =	por !p2, p0  }
0x20: {  	[sflag:s8] =	ssyncset.s32 @!p0 $0xFFFFF086;
	s6 =	sadd.s32 @!p0 s3, s7;
	s7 =	simm.s32 @!p0 $0x108  }
0x21: {  	s3 =	sadd.s32 s3, s9;
	s6 =	sadd.s32 @!p0 $0x88, s6;
	s7 =	simm.s32 @p2 $0x1082  }
0x22: {  	[simem:s7], [sflag:s8] =	dma.local @!p0 [hbm:s6], $0xF7A  }
0x23: {  	s9 =	sor.u32 $0xD0000000, s2;
	s6 =	simm.s32 $0x108;
	_ =	swait.ge @!p0 [sflag:s8], $0x0  }
0x24: {  	s3 =	sadd.s32 $0x88, s3;
	s6 =	simm.s32 @!p1 $0x1082;
	[sflag:s4] =	ssyncset.s32 $0xFFFFF086  }
0x25: {  	[simem:s6], [sflag:s4] =	dma.local [hbm:s3], $0xF7A  }
0x26: {  	[smem:$0x3F9B] =	sst s1;
	(tag) =	ssettag s2;
	_ =	strace s9  }
0x27: {  	s1 =	sld [smem:$0x3FAB]  }
0x28: {  	s2 =	sld [smem:$0x3FAC]  }
0x29: {  	s4 =	sld [smem:$0x3FAE]  }
0x2a: {  	p0 =	seq.s32 s5, $0x0;
	s5 =	sld [smem:$0x3FAF]  }
0x2b: {  	s6 =	sld [smem:$0x3FB0]  }
0x2c: {  	s7 =	sld [smem:$0x3FB1]  }
0x2d: {  	s3 =	simm.s32 $0x108;
	s8 =	sld [smem:$0x3FB2]  }
0x2e: {  	s3 =	simm.s32 @!p0 $0x1082;
	s9 =	sld [smem:$0x3FB3]  }
0x2f: {  	lr =	sadd.s32 s0, s3;
	s0 =	sld [smem:$0x3FAA]  }
0x30: {  	s3 =	sld [smem:$0x3FAD]  }
0x31: {  	[smem:$0x3FB6] =	sst s10  }
0x32: {  	s10 =	sld [smem:$0x3FB4];
	_ =	sdelay $0x3  }
0x33: {  	p0 =	seq.s32 s10, $0x1;
	s10 =	sld [smem:$0x3FB6];
	_ =	sdelay $0x3  }
0x34: {  	[smem:$0x3FB6] =	sst s10  }
0x35: {  	s10 =	sld [smem:$0x3FB5];
	_ =	sdelay $0x3  }
0x36: {  	p1 =	seq.s32 s10, $0x1;
	s10 =	sld [smem:$0x3FB6];
	_ =	sdelay $0x3  }
0x37: {  	[smem:$0x3FB6] =	sst s10  }
0x38: {  	s10 =	sld [smem:$0x3FB7]  }
0x39: {  	_ = 	snop;
	(pc) =	sbr.ind lr, $3  }
0x3a: {  	_ = 	snop  }
0x3b: {  	_ = 	snop  }
0x3c: {  	p2 =	seq.s32 s10, $0x1;
	s10 =	sld [smem:$0x3FB6]  }
0x3d: {  	_ =	shalt  }
0x3e: {  	_ =	shalt  }
0x3f: {  	_ =	shalt  }
0x40: {  	_ =	shalt  }
0x41: {  	_ =	shalt  }
0x42: {  	_ =	shalt  }
0x43: {  	_ =	shalt  }
0x44: {  	_ =	shalt  }
0x45: {  	_ =	shalt  }
0x46: {  	_ =	shalt  }
0x47: {  	_ =	shalt  }
0x48: {  	_ =	shalt  }
0x49: {  	_ =	shalt  }
0x4a: {  	_ =	shalt  }
0x4b: {  	_ =	shalt  }
0x4c: {  	_ =	shalt  }
0x4d: {  	_ =	shalt  }
0x4e: {  	_ =	shalt  }
0x4f: {  	_ =	shalt  }
0x50: {  	_ =	shalt  }
0x51: {  	_ =	shalt  }
0x52: {  	_ =	shalt  }
0x53: {  	_ =	shalt  }
0x54: {  	_ =	shalt  }
0x55: {  	_ =	shalt  }
0x56: {  	_ =	shalt  }
0x57: {  	_ =	shalt  }
0x58: {  	_ =	shalt  }
0x59: {  	_ =	shalt  }
0x5a: {  	_ =	shalt  }
0x5b: {  	_ =	shalt  }
0x5c: {  	_ =	shalt  }
0x5d: {  	_ =	shalt  }
0x5e: {  	_ =	shalt  }
0x5f: {  	_ =	shalt  }
0x60: {  	_ =	shalt  }
0x61: {  	_ =	shalt  }
0x62: {  	_ =	shalt  }
0x63: {  	_ =	shalt  }
0x64: {  	_ =	shalt  }
0x65: {  	_ =	shalt  }
0x66: {  	_ =	shalt  }
0x67: {  	_ =	shalt  }
0x68: {  	_ =	shalt  }
0x69: {  	_ =	shalt  }
0x6a: {  	_ =	shalt  }
0x6b: {  	_ =	shalt  }
0x6c: {  	_ =	shalt  }
0x6d: {  	_ =	shalt  }
0x6e: {  	_ =	shalt  }
0x6f: {  	_ =	shalt  }
0x70: {  	_ =	shalt  }
0x71: {  	_ =	shalt  }
0x72: {  	_ =	shalt  }
0x73: {  	_ =	shalt  }
0x74: {  	_ =	shalt  }
0x75: {  	_ =	shalt  }
0x76: {  	_ =	shalt  }
0x77: {  	_ =	shalt  }
0x78: {  	_ =	shalt  }
0x79: {  	_ =	shalt  }
0x7a: {  	_ =	shalt  }
0x7b: {  	_ =	shalt  }
0x7c: {  	_ =	shalt  }
0x7d: {  	_ =	shalt  }
0x7e: {  	_ =	shalt  }
0x7f: {  	_ =	shalt  }
0x80: {  	_ =	shalt  }
0x81: {  	_ =	shalt  }
0x82: {  	_ =	shalt  }
0x83: {  	_ =	shalt  }
0x84: {  	_ =	shalt  }
0x85: {  	_ =	shalt  }
0x86: {  	_ =	shalt  }
0x87: {  	_ =	shalt  }
.Lfunc_end0:
.L_simem_size_0:
called_computation.1_lowered:
.L_overlay_start_0:
0x88: {  	s2 =	sld [smem:$0x3FD9]  }
0x89: {  	s3 =	sld [smem:$0x3FFE];
	_ =	sdelay $0x1  }
0x8a: {  	s1 =	srdreg.scid  }
0x8b: {  	s0 =	sand.u32 $0x1, s1  }
0x8c: {  	s17 =	sshll.u32 s0, $0xA;
	s2 =	sadd.s32 s3, s2  }
0x8d: {  	s2 =	sadd.s32 s2, s17  }
0x8e: {  	[smem:$0x3FC2] =	sst s2  }
0x8f: {  	_ = 	snop  }
0x90: {  	s2 =	sld [smem:$0x3FD0];
	(tm) =	ssettm $0x1  }
0x91: {  	s18 =	sld [smem:$0x3FFB];
	_ =	sdelay $0x3  }
0x92: {  	_ =	strace s18  }
0x93: {  	s3 =	sld [smem:$0x3FFC];
	_ =	sdelay $0x3  }
0x94: {  	_ =	strace s3  }
0x95: {  	s3 =	sld [smem:$0x3FFD];
	_ =	sdelay $0x3  }
0x96: {  	_ =	strace s3  }
0x97: {  	_ =	strace $0x8FFFFFFF  }
0x98: {  	s19 =	sld [smem:$0x3FDB];
	_ =	sdelay $0x1  }
0x99: {  	s4 =	simm.s32 $_scs_section_size  }
0x9a: {  	s5 =	simm.s32 $_size__tile_overlayer_lowered;
	s6 =	simm.s32 $_tile_overlayer_lowered  }
0x9b: {  	s22 =	simm.s32 $0x1BFF;
	s21 =	sshll.u32 s6, $0x1;
	s3 =	sadd.s32 s4, s19  }
0x9c: {  	s7 =	simm.s32 $0x0;
	s20 =	sshll.u32 s5, $0x1;
	s5 =	sadd.s32 s21, s3  }
0x9d: {  	[timem:s7], [sflag:s22] =	dma.local [hbm:s5], s20  }
0x9e: {  	_ =	swait.ge [sflag:s22], s20  }
0x9f: {  	s4 =	ssub.s32 $0x0, s20;
	[sflag:s22] =	ssyncset.done $0x0  }
0xa0: {  	[sflag:s22] =	ssyncadd.s32 s4;
	_ =	sdelay $0x1  }
0xa1: {  	s23 =	simm.s32 $0x1B8B  }
0xa2: {  	_ =	swait.ge [sflag:s23], $0x1  }
0xa3: {  	[sflag:s23] =	ssyncset.done $0x0  }
0xa4: {  	s25 =	simm.s32 $0x1B8E;
	s24 =	sld [smem:$0x3FFE];
	[sflag:s23] =	ssyncadd.s32 $0xFFFFFFFF  }
0xa5: {  	s26 =	simm.s32 $execute0_lowered;
	[smem:$0x3FD2] =	sst s25  }
0xa6: {  	s5 =	sshll.u32 s26, $0x1;
	_ =	strace $0x80000046;
	[dreg:$0x1] =	wrdreg $0xFFFFFFFF  }
0xa7: {  	s28 =	simm.s32 $_size_execute0_lowered;
	s3 =	sadd.s32 s3, s5;
	[dreg:$0x0] =	wrdreg $0x0  }
0xa8: {  	s5 =	sshll.u32 s28, $0x1;
	[dreg:$0x2] =	wrdreg s3  }
0xa9: {  	[dreg:$0x3] =	wrdreg s5  }
0xaa: {  	[dreg:$0x4] =	wrdreg $0xC0  }
0xab: {  	_ =	task [dreg:s7], $0x5FFFF  }
0xac: {  	[dreg:$0x1] =	wrdreg $0xFFFFFFFF  }
0xad: {  	[dreg:$0x0] =	wrdreg $0x60  }
0xae: {  	[dreg:$0x2] =	wrdreg s2  }
0xaf: {  	[dreg:$0x3] =	wrdreg s24  }
0xb0: {  	[dreg:$0x4] =	wrdreg $0x1AC000  }
0xb1: {  	[dreg:$0x5] =	wrdreg $0x9  }
0xb2: {  	_ =	task.clear_ibuf [dreg:s7], $0x6FFFF;
	_ =	strace $0x90000046  }
0xb3: {  	s29 =	simm.s32 $0x9;
	_ =	strace $0x80000048  }
0xb4: {  	_ =	swait.ge [sflag:s29], $0x1  }
0xb5: {  	[sflag:s29] =	ssyncadd.s32 $0xFFFFFFFF  }
0xb6: {  	_ =	strace $0x90000048  }
0xb7: {  	_ =	sfence  }
0xb8: {  	s30 =	sld [smem:$0x0];
	_ =	sdelay $0x2  }
0xb9: {  	s31 =	sshll.u32 s1, $0xD;
	s1 =	sshrl.u32 s1, $0x2  }
0xba: {  	s3 =	sand.u32 $0x4000, s31;
	s1 =	sadd.s32 s1, s30  }
0xbb: {  	s0 =	sor.u32 s3, s0;
	s1 =	sshll.u32 s1, $0x11  }
0xbc: {  	s0 =	sor.u32 s1, s0  }
0xbd: {  	s0 =	sadd.s32 $0x8F2B, s0  }
0xbe: {  	[sflag:s0] =	ssyncadd.remote.s32 $0x1  }
0xbf: {  	_ =	sfence.sel $0xFFFF  }
0xc0: {  	[dreg:$0x0] =	wrdreg $0xFFFFFFFF;
	(pc) =	sbr.abs _section_cstart, $3  }
0xc1: {  	[dreg:$0x1] =	wrdreg $0xFFFFFFFF  }
0xc2: {  	_ =	task.clear_ibuf [dreg:s7], $0x2FFFF;
	_ =	strace $0x9FFFFFFF  }
0xc3: {  	(tm) =	ssettm $0x7FFFFFFF  }
tec
execute0_lowered:
.L_overlay_start_1:
0x0: {  	(tag) =	ssettag $0x1  }
0x1: {  	s0 =	rddreg [dreg:$0x0]  }
0x2: {  	s2 =	rddreg [dreg:$0x1];
	s3 =	srdreg.scid  }
0x3: {  	s6 =	stileid.u32;
	s1 =	rddreg [dreg:$0x2];
	s5 =	simm.s32 $0x0  }
0x4: {  	s28 =	simm.s32 $0x14C00;
	s13 =	simm.s32 $0x15C00;
	s31 =	simm.s32 $0x1  }
0x5: {  	s12 =	simm.s32 $0x6;
	s14 =	simm.s32 $0x4;
	s3 =	sand.u32 $0x1, s3  }
0x6: {  	s4 =	sshll.u32 s6, $0x1;
	[smem:$0x7FF] =	sst s5;
	s17 =	smul.u32 $0x640000, s6  }
0x7: {  	s15 =	sadd.s32 $0x94C00, s2;
	s5 =	sadd.s32 $0x1000, s2;
	s20 =	smul.u32 $0xC800, s6  }
0x8: {  	s29 =	sadd.s32 $0x95C00, s2;
	p0 =	sne.s32 s6, $0x0;
	s22 =	smul.u32 $0x6400, s3  }
0x9: {  	s7 =	sor.u32 s3, s4;
	s10 =	ssub.s32 $0x2, s3;
	s3 =	smul.u32 $0x320000, s3  }
0xa: {  	_ =	strace $0x80000047;
	[dreg:$0x4] =	wrdreg s15;
	s8 =	smul.u32 $0xC80, s7  }
0xb: {  	s4 =	sadd.s32 $0xF43400, s2;
	s15 =	simm.s32 $0x0;
	s11 =	smul.u32 $0x64000, s7  }
0xc: {  	s16 =	sshrl.u32 s10, $0x1;
	s7 =	smul.u32 $0x320000, s7;
	s24 =	sadd.s32 s22, s20  }
0xd: {  	s20 =	simm.s32 $0x7;
	s9 =	sadd.s32 s8, s2;
	s2 =	ssub.s32 s10, s16  }
0xe: {  	s0 =	sadd.s32 s0, s8;
	s21 =	sadd.s32 s29, s11;
	s7 =	sshrl.u32 s7, $0x3  }
0xf: {  	s25 =	sshll.u32 s24, $0x4;
	s24 =	simm.s32 $0x12C00;
	s8 =	simm.s32 $0x18C00  }
0x10: {  	s11 =	simm.s32 $0x3;
	[dreg:$0x5] =	wrdreg s0;
	s18 =	sadd.s32 $0x7BC00, s9  }
0x11: {  	s19 =	sadd.s32 $0x62C00, s9;
	[dreg:$0x8] =	wrdreg s21;
	s10 =	sadd.s32 $0x1000, s21  }
0x12: {  	s7 =	sadd.s32 s29, s7;
	s2 =	smax.u32 s2, $0x1;
	[dreg:$0x6] =	wrdreg s18  }
0x13: {  	s0 =	sadd.s32 s3, s17;
	s9 =	simm.s32 $0x13C00;
	[dreg:$0x7] =	wrdreg s19  }
0x14: {  	s21 =	simm.s32 $0x17C00;
	[dreg:$0x9] =	wrdreg s10;
	s23 =	sadd.s32 $0x62000, s7  }
0x15: {  	s7 =	sadd.s32 $0x63000, s7;
	[dreg:$0xc] =	wrdreg s2;
	s3 =	sadd.s32 $0x20000, s0  }
0x16: {  	s2 =	sadd.s32 s25, s29;
	s26 =	sadd.s32 $0x28000, s0;
	[dreg:$0xa] =	wrdreg s23  }
0x17: {  	s0 =	sor.u32 $0x18000, s0;
	s18 =	simm.s32 $0x17C00;
	[dreg:$0xb] =	wrdreg s7  }
0x18: {  	s10 =	simm.s32 $0x8;
	[dreg:$0xd] =	wrdreg s3;
	s2 =	sadd.s32 $0x2000, s2  }
0x19: {  	s30 =	sshrl.u32 s26, $0x3;
	s0 =	sshrl.u32 s0, $0x3;
	s23 =	simm.s32 $0x80  }
0x1a: {  	s26 =	simm.s32 $0x2;
	[dreg:$0xe] =	wrdreg s2;
	s2 =	sadd.s32 s30, s29  }
0x1b: {  	s3 =	simm.s32 $0x5;
	s0 =	sadd.s32 s0, s29;
	[dreg:$0xf] =	wrdreg s2  }
0x1c: {  	s7 =	simm.s32 $0x20;
	[dreg:$0x10] =	wrdreg s0;
	s0 =	sshrl.u32 @!p0 s1, $0x3  }
0x1d: {  	s2 =	simm.s32 $0xC;
	[dreg:$0x11] =	wrdreg s0;
	s0 =	simm.s32 $0x16C00  }
.LBB2_1:
0x1e: {  	[dreg:$0x12] =	wrdreg s15  }
0x1f: {  	s15 =	rddreg [dreg:$0x4]  }
0x20: {  	s6 =	simm.s32 @!p0 $0x1C0E;
	s16 =	rddreg [dreg:$0x11]  }
0x21: {  	[spmem:s16], [sflag:s6] =	dma.local @!p0 [hbm:s15], $0xFA0  }
0x22: {  	s6 =	simm.s32 @!p0 $0xE  }
0x23: {  	_ =	swait.ge @!p0 [sflag:s6], $0xFA0  }
0x24: {  	[sflag:s6] =	ssyncset.done @!p0 $0x0  }
0x25: {  	s30 =	simm.s32 $0x0;
	s16 =	rddreg [dreg:$0x5];
	[sflag:s6] =	ssyncadd.s32 @!p0 $0xFFFFF060  }
0x26: {  	[tilespmem:s30], [sflag:$0xD] =	stream.linear.gather [hbm4b:s16+s30], $0x6400, $0x38;
	[tilespmem:$0x1B3D0] =	vst v63  }
0x27: {  	s19 =	simm.s32 $0x6400;
	s17 =	rddreg [dreg:$0x6]  }
0x28: {  	[tilespmem:s19], [sflag:$0xD] =	stream.linear.gather [hbm4b:s17+s30], $0x6400, $0x38;
	[tilespmem:$0x1B3D0] =	vst v63  }
0x29: {  	s25 =	simm.s32 $0xD;
	s22 =	rddreg [dreg:$0x7];
	s17 =	simm.s32 $0xC800  }
0x2a: {  	[tilespmem:s17], [sflag:$0xD] =	stream.linear.gather [hbm4b:s22+s30], $0x6400, $0x38;
	[tilespmem:$0x1B3D0] =	vst v63  }
0x2b: {  	_ =	swait.ge [sflag:s25], $0x6400  }
0x2c: {  	[sflag:s25] =	ssyncset.done $0x0  }
0x2d: {  	[sflag:s25] =	ssyncadd.s32 $0xFFFF9C00  }
0x2e: {  	_ =	swait.ge [sflag:s25], $0x6400  }
0x2f: {  	[sflag:s25] =	ssyncset.done $0x0  }
0x30: {  	[sflag:s25] =	ssyncadd.s32 $0xFFFF9C00  }
0x31: {  	_ =	swait.ge [sflag:s25], $0x6400  }
0x32: {  	[sflag:s25] =	ssyncset.done $0x0  }
0x33: {  	[sflag:s25] =	ssyncadd.s32 $0xFFFF9C00  }
0x34: {  	[bflag:$0x0] =	sbarrier.arrive $0xFFFF  }
0x35: {  	[tilespmem:s24], [sflag:$0x1] =	stream.indirect.gather [spmem:s1], $0x20, s30, s23, $0xb8;
	[tilespmem:$0x1B3D0] =	vst v63  }
0x36: {  	_ = 	snop  }
0x37: {  	[tilespmem:s9], [sflag:$0x1] =	stream.indirect.gather [spmem:s1], $0x20, s23, s23, $0xb8;
	[tilespmem:$0x1B3D0] =	vst v63  }
0x38: {  	s30 =	simm.s32 $0x100  }
0x39: {  	[tilespmem:s28], [sflag:$0x2] =	stream.indirect.gather [spmem:s1], $0x20, s30, s23, $0xb8;
	[tilespmem:$0x1B3D0] =	vst v63  }
0x3a: {  	s15 =	simm.s32 $0x180  }
0x3b: {  	[tilespmem:s13], [sflag:$0x2] =	stream.indirect.gather [spmem:s1], $0x20, s15, s23, $0xb8;
	[tilespmem:$0x1B3D0] =	vst v63  }
0x3c: {  	_ =	swait.ge [sflag:s31], $0x1000  }
0x3d: {  	[sflag:s31] =	ssyncset.done $0x0  }
0x3e: {  	[sflag:s31] =	ssyncadd.s32 $0xFFFFF000  }
0x3f: {  	_ =	swait.ge [sflag:s31], $0x1000  }
0x40: {  	[sflag:s31] =	ssyncset.done $0x0  }
0x41: {  	[sflag:s31] =	ssyncadd.s32 $0xFFFFF000  }
0x42: {  	[tilespmem:s24], [sflag:$0x5] =	stream.indirect.gather.add.f32 [hbm:s4], $0x20, s19, s23, $0xb8;
	[tilespmem:$0x1B3D0] =	vst v63  }
0x43: {  	_ = 	snop  }
0x44: {  	[tilespmem:s24], [sflag:$0x5] =	stream.indirect.gather.add.f32 [hbm:s5], $0x20, s17, s23, $0xb8;
	[tilespmem:$0x1B3D0] =	vst v63  }
0x45: {  	s19 =	simm.s32 $0x6480  }
0x46: {  	[tilespmem:s9], [sflag:$0x5] =	stream.indirect.gather.add.f32 [hbm:s4], $0x20, s19, s23, $0xb8;
	[tilespmem:$0x1B3D0] =	vst v63  }
0x47: {  	s22 =	simm.s32 $0xC880  }
0x48: {  	[tilespmem:s9], [sflag:$0x5] =	stream.indirect.gather.add.f32 [hbm:s5], $0x20, s22, s23, $0xb8;
	[tilespmem:$0x1B3D0] =	vst v63  }
0x49: {  	s25 =	simm.s32 $0x200  }
0x4a: {  	[tilespmem:s0], [sflag:$0x3] =	stream.indirect.gather [spmem:s1], $0x20, s25, s23, $0xb8;
	[tilespmem:$0x1B3D0] =	vst v63  }
0x4b: {  	s30 =	simm.s32 $0x280  }
0x4c: {  	[tilespmem:s18], [sflag:$0x3] =	stream.indirect.gather [spmem:s1], $0x20, s30, s23, $0xb8;
	[tilespmem:$0x1B3D0] =	vst v63  }
0x4d: {  	_ =	swait.ge [sflag:s26], $0x1000  }
0x4e: {  	[sflag:s26] =	ssyncset.done $0x0  }
0x4f: {  	[sflag:s26] =	ssyncadd.s32 $0xFFFFF000  }
0x50: {  	_ =	swait.ge [sflag:s26], $0x1000  }
0x51: {  	[sflag:s26] =	ssyncset.done $0x0  }
0x52: {  	s15 =	simm.s32 $0x6500;
	[sflag:s26] =	ssyncadd.s32 $0xFFFFF000  }
0x53: {  	[tilespmem:s28], [sflag:$0x6] =	stream.indirect.gather.add.f32 [hbm:s4], $0x20, s15, s23, $0xb8;
	[tilespmem:$0x1B3D0] =	vst v63  }
0x54: {  	s16 =	simm.s32 $0xC900  }
0x55: {  	[tilespmem:s28], [sflag:$0x6] =	stream.indirect.gather.add.f32 [hbm:s5], $0x20, s16, s23, $0xb8;
	[tilespmem:$0x1B3D0] =	vst v63  }
0x56: {  	s17 =	simm.s32 $0x6580  }
0x57: {  	[tilespmem:s13], [sflag:$0x6] =	stream.indirect.gather.add.f32 [hbm:s4], $0x20, s17, s23, $0xb8;
	[tilespmem:$0x1B3D0] =	vst v63  }
0x58: {  	s19 =	simm.s32 $0xC980  }
0x59: {  	[tilespmem:s13], [sflag:$0x6] =	stream.indirect.gather.add.f32 [hbm:s5], $0x20, s19, s23, $0xb8;
	[tilespmem:$0x1B3D0] =	vst v63  }
0x5a: {  	_ =	swait.ge [sflag:s3], $0x1000  }
0x5b: {  	[sflag:s3] =	ssyncset.done $0x0  }
0x5c: {  	[sflag:s3] =	ssyncadd.s32 $0xFFFFF000  }
0x5d: {  	_ =	swait.ge [sflag:s3], $0x1000  }
0x5e: {  	[sflag:s3] =	ssyncset.done $0x0  }
0x5f: {  	[sflag:s3] =	ssyncadd.s32 $0xFFFFF000  }
0x60: {  	_ =	swait.ge [sflag:s3], $0x1000  }
0x61: {  	[sflag:s3] =	ssyncset.done $0x0  }
0x62: {  	[sflag:s3] =	ssyncadd.s32 $0xFFFFF000  }
0x63: {  	_ =	swait.ge [sflag:s3], $0x1000  }
0x64: {  	[sflag:s3] =	ssyncset.done $0x0  }
0x65: {  	s22 =	rddreg [dreg:$0x8];
	[sflag:s3] =	ssyncadd.s32 $0xFFFFF000  }
0x66: {  	[hbm4b:s22+s7] =	stream.strided.scatter [tilespmem:s24], [sflag:$0x9], $0x2000, s23, s7, $0x38;
	[tilespmem:$0x1B3D0] =	vst v63  }
0x67: {  	s25 =	simm.s32 $0x300  }
0x68: {  	[tilespmem:s8], [sflag:$0x4] =	stream.indirect.gather [spmem:s1], $0x20, s25, s23, $0xb8;
	[tilespmem:$0x1B3D0] =	vst v63  }
0x69: {  	s30 =	simm.s32 $0x380;
	s16 =	simm.s32 $0x19C00  }
0x6a: {  	[tilespmem:s16], [sflag:$0x4] =	stream.indirect.gather [spmem:s1], $0x20, s30, s23, $0xb8;
	[tilespmem:$0x1B3D0] =	vst v63  }
0x6b: {  	_ =	swait.ge [sflag:s11], $0x1000  }
0x6c: {  	[sflag:s11] =	ssyncset.done $0x0  }
0x6d: {  	[sflag:s11] =	ssyncadd.s32 $0xFFFFF000  }
0x6e: {  	_ =	swait.ge [sflag:s11], $0x1000  }
0x6f: {  	[sflag:s11] =	ssyncset.done $0x0  }
0x70: {  	s15 =	simm.s32 $0x6600;
	[sflag:s11] =	ssyncadd.s32 $0xFFFFF000  }
0x71: {  	[tilespmem:s0], [sflag:$0x7] =	stream.indirect.gather.add.f32 [hbm:s4], $0x20, s15, s23, $0xb8;
	[tilespmem:$0x1B3D0] =	vst v63  }
0x72: {  	s17 =	simm.s32 $0xCA00  }
0x73: {  	[tilespmem:s0], [sflag:$0x7] =	stream.indirect.gather.add.f32 [hbm:s5], $0x20, s17, s23, $0xb8;
	[tilespmem:$0x1B3D0] =	vst v63  }
0x74: {  	s19 =	simm.s32 $0x6680  }
0x75: {  	[tilespmem:s18], [sflag:$0x7] =	stream.indirect.gather.add.f32 [hbm:s4], $0x20, s19, s23, $0xb8;
	[tilespmem:$0x1B3D0] =	vst v63  }
0x76: {  	s22 =	simm.s32 $0xCA80  }
0x77: {  	[tilespmem:s18], [sflag:$0x7] =	stream.indirect.gather.add.f32 [hbm:s5], $0x20, s22, s23, $0xb8;
	[tilespmem:$0x1B3D0] =	vst v63  }
0x78: {  	_ =	swait.ge [sflag:s12], $0x1000  }
0x79: {  	[sflag:s12] =	ssyncset.done $0x0  }
0x7a: {  	[sflag:s12] =	ssyncadd.s32 $0xFFFFF000  }
0x7b: {  	_ =	swait.ge [sflag:s12], $0x1000  }
0x7c: {  	[sflag:s12] =	ssyncset.done $0x0  }
0x7d: {  	[sflag:s12] =	ssyncadd.s32 $0xFFFFF000  }
0x7e: {  	_ =	swait.ge [sflag:s12], $0x1000  }
0x7f: {  	[sflag:s12] =	ssyncset.done $0x0  }
0x80: {  	[sflag:s12] =	ssyncadd.s32 $0xFFFFF000  }
0x81: {  	_ =	swait.ge [sflag:s12], $0x1000  }
0x82: {  	[sflag:s12] =	ssyncset.done $0x0  }
0x83: {  	s30 =	simm.s32 $0x9;
	s25 =	rddreg [dreg:$0x9];
	[sflag:s12] =	ssyncadd.s32 $0xFFFFF000  }
0x84: {  	[hbm4b:s25+s7] =	stream.strided.scatter [tilespmem:s28], [sflag:$0xA], $0x2000, s23, s7, $0x38;
	[tilespmem:$0x1B3D0] =	vst v63  }
0x85: {  	_ =	swait.ge [sflag:s30], $0x2000  }
0x86: {  	[sflag:s30] =	ssyncset.done $0x0  }
0x87: {  	s15 =	simm.s32 $0x400;
	[sflag:s30] =	ssyncadd.s32 $0xFFFFE000  }
0x88: {  	[tilespmem:s24], [sflag:$0x1] =	stream.indirect.gather [spmem:s1], $0x20, s15, s23, $0xb8;
	[tilespmem:$0x1B3D0] =	vst v63  }
0x89: {  	s17 =	simm.s32 $0x480  }
0x8a: {  	[tilespmem:s9], [sflag:$0x1] =	stream.indirect.gather [spmem:s1], $0x20, s17, s23, $0xb8;
	[tilespmem:$0x1B3D0] =	vst v63  }
0x8b: {  	_ =	swait.ge [sflag:s14], $0x1000  }
0x8c: {  	[sflag:s14] =	ssyncset.done $0x0  }
0x8d: {  	[sflag:s14] =	ssyncadd.s32 $0xFFFFF000  }
0x8e: {  	_ =	swait.ge [sflag:s14], $0x1000  }
0x8f: {  	[sflag:s14] =	ssyncset.done $0x0  }
0x90: {  	s19 =	simm.s32 $0x6700;
	[sflag:s14] =	ssyncadd.s32 $0xFFFFF000  }
0x91: {  	[tilespmem:s8], [sflag:$0x8] =	stream.indirect.gather.add.f32 [hbm:s4], $0x20, s19, s23, $0xb8;
	[tilespmem:$0x1B3D0] =	vst v63  }
0x92: {  	s22 =	simm.s32 $0xCB00  }
0x93: {  	[tilespmem:s8], [sflag:$0x8] =	stream.indirect.gather.add.f32 [hbm:s5], $0x20, s22, s23, $0xb8;
	[tilespmem:$0x1B3D0] =	vst v63  }
0x94: {  	s25 =	simm.s32 $0x6780  }
0x95: {  	[tilespmem:s16], [sflag:$0x8] =	stream.indirect.gather.add.f32 [hbm:s4], $0x20, s25, s23, $0xb8;
	[tilespmem:$0x1B3D0] =	vst v63  }
0x96: {  	s30 =	simm.s32 $0xCB80  }
0x97: {  	[tilespmem:s16], [sflag:$0x8] =	stream.indirect.gather.add.f32 [hbm:s5], $0x20, s30, s23, $0xb8;
	[tilespmem:$0x1B3D0] =	vst v63  }
0x98: {  	_ =	swait.ge [sflag:s20], $0x1000  }
0x99: {  	[sflag:s20] =	ssyncset.done $0x0  }
0x9a: {  	[sflag:s20] =	ssyncadd.s32 $0xFFFFF000  }
0x9b: {  	_ =	swait.ge [sflag:s20], $0x1000  }
0x9c: {  	[sflag:s20] =	ssyncset.done $0x0  }
0x9d: {  	[sflag:s20] =	ssyncadd.s32 $0xFFFFF000  }
0x9e: {  	_ =	swait.ge [sflag:s20], $0x1000  }
0x9f: {  	[sflag:s20] =	ssyncset.done $0x0  }
0xa0: {  	[sflag:s20] =	ssyncadd.s32 $0xFFFFF000  }
0xa1: {  	_ =	swait.ge [sflag:s20], $0x1000  }
0xa2: {  	[sflag:s20] =	ssyncset.done $0x0  }
0xa3: {  	s15 =	simm.s32 $0xA;
	s25 =	rddreg [dreg:$0xe];
	[sflag:s20] =	ssyncadd.s32 $0xFFFFF000  }
0xa4: {  	[hbm4b:s25+s7] =	stream.strided.scatter [tilespmem:s0], [sflag:$0xB], $0x2000, s23, s7, $0x38;
	[tilespmem:$0x1B3D0] =	vst v63  }
0xa5: {  	_ =	swait.ge [sflag:s15], $0x2000  }
0xa6: {  	[sflag:s15] =	ssyncset.done $0x0  }
0xa7: {  	s17 =	simm.s32 $0x500;
	[sflag:s15] =	ssyncadd.s32 $0xFFFFE000  }
0xa8: {  	[tilespmem:s28], [sflag:$0x2] =	stream.indirect.gather [spmem:s1], $0x20, s17, s23, $0xb8;
	[tilespmem:$0x1B3D0] =	vst v63  }
0xa9: {  	s19 =	simm.s32 $0x580  }
0xaa: {  	[tilespmem:s13], [sflag:$0x2] =	stream.indirect.gather [spmem:s1], $0x20, s19, s23, $0xb8;
	[tilespmem:$0x1B3D0] =	vst v63  }
0xab: {  	_ =	swait.ge [sflag:s31], $0x1000  }
0xac: {  	[sflag:s31] =	ssyncset.done $0x0  }
0xad: {  	[sflag:s31] =	ssyncadd.s32 $0xFFFFF000  }
0xae: {  	_ =	swait.ge [sflag:s31], $0x1000  }
0xaf: {  	[sflag:s31] =	ssyncset.done $0x0  }
0xb0: {  	s22 =	simm.s32 $0x6800;
	[sflag:s31] =	ssyncadd.s32 $0xFFFFF000  }
0xb1: {  	[tilespmem:s24], [sflag:$0x5] =	stream.indirect.gather.add.f32 [hbm:s4], $0x20, s22, s23, $0xb8;
	[tilespmem:$0x1B3D0] =	vst v63  }
0xb2: {  	s30 =	simm.s32 $0xCC00  }
0xb3: {  	[tilespmem:s24], [sflag:$0x5] =	stream.indirect.gather.add.f32 [hbm:s5], $0x20, s30, s23, $0xb8;
	[tilespmem:$0x1B3D0] =	vst v63  }
0xb4: {  	s15 =	simm.s32 $0x6880  }
0xb5: {  	[tilespmem:s9], [sflag:$0x5] =	stream.indirect.gather.add.f32 [hbm:s4], $0x20, s15, s23, $0xb8;
	[tilespmem:$0x1B3D0] =	vst v63  }
0xb6: {  	s17 =	simm.s32 $0xCC80  }
0xb7: {  	[tilespmem:s9], [sflag:$0x5] =	stream.indirect.gather.add.f32 [hbm:s5], $0x20, s17, s23, $0xb8;
	[tilespmem:$0x1B3D0] =	vst v63  }
0xb8: {  	_ =	swait.ge [sflag:s10], $0x1000  }
0xb9: {  	[sflag:s10] =	ssyncset.done $0x0  }
0xba: {  	[sflag:s10] =	ssyncadd.s32 $0xFFFFF000  }
0xbb: {  	_ =	swait.ge [sflag:s10], $0x1000  }
0xbc: {  	[sflag:s10] =	ssyncset.done $0x0  }
0xbd: {  	[sflag:s10] =	ssyncadd.s32 $0xFFFFF000  }
0xbe: {  	_ =	swait.ge [sflag:s10], $0x1000  }
0xbf: {  	[sflag:s10] =	ssyncset.done $0x0  }
0xc0: {  	[sflag:s10] =	ssyncadd.s32 $0xFFFFF000  }
0xc1: {  	_ =	swait.ge [sflag:s10], $0x1000  }
0xc2: {  	[sflag:s10] =	ssyncset.done $0x0  }
0xc3: {  	s19 =	simm.s32 $0xB;
	s17 =	rddreg [dreg:$0x10];
	[sflag:s10] =	ssyncadd.s32 $0xFFFFF000  }
0xc4: {  	[hbm4b:s17+s7] =	stream.strided.scatter [tilespmem:s8], [sflag:$0xC], $0x2000, s23, s7, $0x38;
	[tilespmem:$0x1B3D0] =	vst v63  }
0xc5: {  	_ =	swait.ge [sflag:s19], $0x2000  }
0xc6: {  	[sflag:s19] =	ssyncset.done $0x0  }
0xc7: {  	s22 =	simm.s32 $0x600;
	[sflag:s19] =	ssyncadd.s32 $0xFFFFE000  }
0xc8: {  	[tilespmem:s0], [sflag:$0x3] =	stream.indirect.gather [spmem:s1], $0x20, s22, s23, $0xb8;
	[tilespmem:$0x1B3D0] =	vst v63  }
0xc9: {  	s30 =	simm.s32 $0x680  }
0xca: {  	[tilespmem:s18], [sflag:$0x3] =	stream.indirect.gather [spmem:s1], $0x20, s30, s23, $0xb8;
	[tilespmem:$0x1B3D0] =	vst v63  }
0xcb: {  	_ =	swait.ge [sflag:s26], $0x1000  }
0xcc: {  	[sflag:s26] =	ssyncset.done $0x0  }
0xcd: {  	[sflag:s26] =	ssyncadd.s32 $0xFFFFF000  }
0xce: {  	_ =	swait.ge [sflag:s26], $0x1000  }
0xcf: {  	[sflag:s26] =	ssyncset.done $0x0  }
0xd0: {  	s9 =	simm.s32 $0x6900;
	[sflag:s26] =	ssyncadd.s32 $0xFFFFF000  }
0xd1: {  	[tilespmem:s28], [sflag:$0x6] =	stream.indirect.gather.add.f32 [hbm:s4], $0x20, s9, s23, $0xb8;
	[tilespmem:$0x1B3D0] =	vst v63  }
0xd2: {  	s15 =	simm.s32 $0xCD00  }
0xd3: {  	[tilespmem:s28], [sflag:$0x6] =	stream.indirect.gather.add.f32 [hbm:s5], $0x20, s15, s23, $0xb8;
	[tilespmem:$0x1B3D0] =	vst v63  }
0xd4: {  	s19 =	simm.s32 $0x6980  }
0xd5: {  	[tilespmem:s13], [sflag:$0x6] =	stream.indirect.gather.add.f32 [hbm:s4], $0x20, s19, s23, $0xb8;
	[tilespmem:$0x1B3D0] =	vst v63  }
0xd6: {  	s22 =	simm.s32 $0xCD80  }
0xd7: {  	[tilespmem:s13], [sflag:$0x6] =	stream.indirect.gather.add.f32 [hbm:s5], $0x20, s22, s23, $0xb8;
	[tilespmem:$0x1B3D0] =	vst v63  }
0xd8: {  	_ =	swait.ge [sflag:s3], $0x1000  }
0xd9: {  	[sflag:s3] =	ssyncset.done $0x0  }
0xda: {  	[sflag:s3] =	ssyncadd.s32 $0xFFFFF000  }
0xdb: {  	_ =	swait.ge [sflag:s3], $0x1000  }
0xdc: {  	[sflag:s3] =	ssyncset.done $0x0  }
0xdd: {  	[sflag:s3] =	ssyncadd.s32 $0xFFFFF000  }
0xde: {  	_ =	swait.ge [sflag:s3], $0x1000  }
0xdf: {  	[sflag:s3] =	ssyncset.done $0x0  }
0xe0: {  	[sflag:s3] =	ssyncadd.s32 $0xFFFFF000  }
0xe1: {  	_ =	swait.ge [sflag:s3], $0x1000  }
0xe2: {  	s15 =	rddreg [dreg:$0xd]  }
0xe3: {  	[sflag:s3] =	ssyncset.done $0x0;
	s30 =	sshrl.u32 s15, $0x3  }
0xe4: {  	[sflag:s3] =	ssyncadd.s32 $0xFFFFF000;
	s6 =	sadd.s32 s29, s30  }
0xe5: {  	[hbm4b:s6+s7] =	stream.strided.scatter [tilespmem:s24], [sflag:$0x9], $0x2000, s23, s7, $0x38;
	[tilespmem:$0x1B3D0] =	vst v63  }
0xe6: {  	_ =	swait.ge [sflag:s2], $0x2000  }
0xe7: {  	[sflag:s2] =	ssyncset.done $0x0  }
0xe8: {  	s9 =	simm.s32 $0x700;
	[sflag:s2] =	ssyncadd.s32 $0xFFFFE000  }
0xe9: {  	[tilespmem:s8], [sflag:$0x4] =	stream.indirect.gather [spmem:s1], $0x20, s9, s23, $0xb8;
	[tilespmem:$0x1B3D0] =	vst v63  }
0xea: {  	s13 =	simm.s32 $0x780  }
0xeb: {  	[tilespmem:s16], [sflag:$0x4] =	stream.indirect.gather [spmem:s1], $0x20, s13, s23, $0xb8;
	[tilespmem:$0x1B3D0] =	vst v63  }
0xec: {  	_ =	swait.ge [sflag:s11], $0x1000  }
0xed: {  	[sflag:s11] =	ssyncset.done $0x0  }
0xee: {  	[sflag:s11] =	ssyncadd.s32 $0xFFFFF000  }
0xef: {  	_ =	swait.ge [sflag:s11], $0x1000  }
0xf0: {  	[sflag:s11] =	ssyncset.done $0x0  }
0xf1: {  	s16 =	simm.s32 $0x6A00;
	[sflag:s11] =	ssyncadd.s32 $0xFFFFF000  }
0xf2: {  	[tilespmem:s0], [sflag:$0x7] =	stream.indirect.gather.add.f32 [hbm:s4], $0x20, s16, s23, $0xb8;
	[tilespmem:$0x1B3D0] =	vst v63  }
0xf3: {  	s19 =	simm.s32 $0xCE00  }
0xf4: {  	[tilespmem:s0], [sflag:$0x7] =	stream.indirect.gather.add.f32 [hbm:s5], $0x20, s19, s23, $0xb8;
	[tilespmem:$0x1B3D0] =	vst v63  }
0xf5: {  	s22 =	simm.s32 $0x6A80  }
0xf6: {  	[tilespmem:s18], [sflag:$0x7] =	stream.indirect.gather.add.f32 [hbm:s4], $0x20, s22, s23, $0xb8;
	[tilespmem:$0x1B3D0] =	vst v63  }
0xf7: {  	s30 =	simm.s32 $0xCE80  }
0xf8: {  	[tilespmem:s18], [sflag:$0x7] =	stream.indirect.gather.add.f32 [hbm:s5], $0x20, s30, s23, $0xb8;
	[tilespmem:$0x1B3D0] =	vst v63  }
0xf9: {  	_ =	swait.ge [sflag:s12], $0x1000  }
0xfa: {  	[sflag:s12] =	ssyncset.done $0x0  }
0xfb: {  	[sflag:s12] =	ssyncadd.s32 $0xFFFFF000  }
0xfc: {  	_ =	swait.ge [sflag:s12], $0x1000  }
0xfd: {  	[sflag:s12] =	ssyncset.done $0x0  }
0xfe: {  	[sflag:s12] =	ssyncadd.s32 $0xFFFFF000  }
0xff: {  	_ =	swait.ge [sflag:s12], $0x1000  }
0x100: {  	[sflag:s12] =	ssyncset.done $0x0  }
0x101: {  	s17 =	sadd.s32 $0x4000, s17;
	s9 =	simm.s32 $0x13C00;
	[sflag:s12] =	ssyncadd.s32 $0xFFFFF000  }
0x102: {  	s13 =	simm.s32 $0x15C00;
	s16 =	simm.s32 $0x1000;
	_ =	swait.ge [sflag:s12], $0x1000  }
0x103: {  	s22 =	sadd.s32 $0x20000, s15;
	[sflag:s12] =	ssyncset.done $0x0;
	s6 =	rddreg [dreg:$0xf]  }
0x104: {  	s15 =	sadd.s32 $0x4000, s25;
	s18 =	sadd.s32 $0x4000, s6;
	[sflag:s12] =	ssyncadd.s32 $0xFFFFF000  }
.LBB2_2:
0x105: {  	[hbm4b:s6+s7] =	stream.strided.scatter [tilespmem:s28], [sflag:$0xA], $0x2000, s23, s7, $0x38;
	[tilespmem:$0x1B3D0] =	vst v63  }
0x106: {  	s25 =	smov.u32 s16;
	s6 =	smov.u32 s18;
	s19 =	simm.s32 $0x9  }
0x107: {  	p1 =	sne.s32 s16, $0x17000;
	s16 =	sadd.s32 $0x1000, s16;
	_ =	swait.ge [sflag:s19], $0x2000  }
0x108: {  	s25 =	sshra.s32 s25, $0x2;
	[sflag:s19] =	ssyncset.done $0x0  }
0x109: {  	s30 =	sadd.s32 $0x400, s25;
	[sflag:s19] =	ssyncadd.s32 $0xFFFFE000  }
0x10a: {  	[tilespmem:s24], [sflag:$0x1] =	stream.indirect.gather [spmem:s1], $0x20, s30, s23, $0xb8;
	[tilespmem:$0x1B3D0] =	vst v63  }
0x10b: {  	s30 =	sadd.s32 $0x480, s25  }
0x10c: {  	[tilespmem:s9], [sflag:$0x1] =	stream.indirect.gather [spmem:s1], $0x20, s30, s23, $0xb8;
	[tilespmem:$0x1B3D0] =	vst v63  }
0x10d: {  	_ =	swait.ge [sflag:s14], $0x1000  }
0x10e: {  	[sflag:s14] =	ssyncset.done $0x0  }
0x10f: {  	[sflag:s14] =	ssyncadd.s32 $0xFFFFF000  }
0x110: {  	_ =	swait.ge [sflag:s14], $0x1000  }
0x111: {  	[sflag:s14] =	ssyncset.done $0x0  }
0x112: {  	s30 =	sadd.s32 $0x6700, s25;
	[sflag:s14] =	ssyncadd.s32 $0xFFFFF000  }
0x113: {  	[tilespmem:s8], [sflag:$0x8] =	stream.indirect.gather.add.f32 [hbm:s4], $0x20, s30, s23, $0xb8;
	[tilespmem:$0x1B3D0] =	vst v63  }
0x114: {  	s30 =	sadd.s32 $0xCB00, s25  }
0x115: {  	[tilespmem:s8], [sflag:$0x8] =	stream.indirect.gather.add.f32 [hbm:s5], $0x20, s30, s23, $0xb8;
	[tilespmem:$0x1B3D0] =	vst v63  }
0x116: {  	s19 =	simm.s32 $0x19C00;
	s30 =	sadd.s32 $0x6780, s25  }
0x117: {  	[tilespmem:s19], [sflag:$0x8] =	stream.indirect.gather.add.f32 [hbm:s4], $0x20, s30, s23, $0xb8;
	[tilespmem:$0x1B3D0] =	vst v63  }
0x118: {  	s30 =	sadd.s32 $0xCB80, s25  }
0x119: {  	[tilespmem:s19], [sflag:$0x8] =	stream.indirect.gather.add.f32 [hbm:s5], $0x20, s30, s23, $0xb8;
	[tilespmem:$0x1B3D0] =	vst v63  }
0x11a: {  	_ =	swait.ge [sflag:s20], $0x1000  }
0x11b: {  	[sflag:s20] =	ssyncset.done $0x0  }
0x11c: {  	[sflag:s20] =	ssyncadd.s32 $0xFFFFF000  }
0x11d: {  	_ =	swait.ge [sflag:s20], $0x1000  }
0x11e: {  	[sflag:s20] =	ssyncset.done $0x0  }
0x11f: {  	[sflag:s20] =	ssyncadd.s32 $0xFFFFF000  }
0x120: {  	_ =	swait.ge [sflag:s20], $0x1000  }
0x121: {  	[sflag:s20] =	ssyncset.done $0x0  }
0x122: {  	[sflag:s20] =	ssyncadd.s32 $0xFFFFF000  }
0x123: {  	_ =	swait.ge [sflag:s20], $0x1000  }
0x124: {  	[sflag:s20] =	ssyncset.done $0x0  }
0x125: {  	s30 =	simm.s32 $0xA;
	[sflag:s20] =	ssyncadd.s32 $0xFFFFF000  }
0x126: {  	[hbm4b:s15+s7] =	stream.strided.scatter [tilespmem:s0], [sflag:$0xB], $0x2000, s23, s7, $0x38;
	[tilespmem:$0x1B3D0] =	vst v63  }
0x127: {  	_ =	swait.ge [sflag:s30], $0x2000  }
0x128: {  	[sflag:s30] =	ssyncset.done $0x0  }
0x129: {  	[sflag:s30] =	ssyncadd.s32 $0xFFFFE000;
	s30 =	sadd.s32 $0x500, s25  }
0x12a: {  	[tilespmem:s28], [sflag:$0x2] =	stream.indirect.gather [spmem:s1], $0x20, s30, s23, $0xb8;
	[tilespmem:$0x1B3D0] =	vst v63  }
0x12b: {  	s30 =	sadd.s32 $0x580, s25  }
0x12c: {  	[tilespmem:s13], [sflag:$0x2] =	stream.indirect.gather [spmem:s1], $0x20, s30, s23, $0xb8;
	[tilespmem:$0x1B3D0] =	vst v63  }
0x12d: {  	_ =	swait.ge [sflag:s31], $0x1000  }
0x12e: {  	[sflag:s31] =	ssyncset.done $0x0  }
0x12f: {  	[sflag:s31] =	ssyncadd.s32 $0xFFFFF000  }
0x130: {  	_ =	swait.ge [sflag:s31], $0x1000  }
0x131: {  	[sflag:s31] =	ssyncset.done $0x0  }
0x132: {  	s30 =	sadd.s32 $0x6800, s25;
	[sflag:s31] =	ssyncadd.s32 $0xFFFFF000  }
0x133: {  	[tilespmem:s24], [sflag:$0x5] =	stream.indirect.gather.add.f32 [hbm:s4], $0x20, s30, s23, $0xb8;
	[tilespmem:$0x1B3D0] =	vst v63  }
0x134: {  	s30 =	sadd.s32 $0xCC00, s25  }
0x135: {  	[tilespmem:s24], [sflag:$0x5] =	stream.indirect.gather.add.f32 [hbm:s5], $0x20, s30, s23, $0xb8;
	[tilespmem:$0x1B3D0] =	vst v63  }
0x136: {  	s30 =	sadd.s32 $0x6880, s25  }
0x137: {  	[tilespmem:s9], [sflag:$0x5] =	stream.indirect.gather.add.f32 [hbm:s4], $0x20, s30, s23, $0xb8;
	[tilespmem:$0x1B3D0] =	vst v63  }
0x138: {  	s30 =	sadd.s32 $0xCC80, s25  }
0x139: {  	[tilespmem:s9], [sflag:$0x5] =	stream.indirect.gather.add.f32 [hbm:s5], $0x20, s30, s23, $0xb8;
	[tilespmem:$0x1B3D0] =	vst v63  }
0x13a: {  	_ =	swait.ge [sflag:s10], $0x1000  }
0x13b: {  	[sflag:s10] =	ssyncset.done $0x0  }
0x13c: {  	[sflag:s10] =	ssyncadd.s32 $0xFFFFF000  }
0x13d: {  	_ =	swait.ge [sflag:s10], $0x1000  }
0x13e: {  	[sflag:s10] =	ssyncset.done $0x0  }
0x13f: {  	[sflag:s10] =	ssyncadd.s32 $0xFFFFF000  }
0x140: {  	_ =	swait.ge [sflag:s10], $0x1000  }
0x141: {  	[sflag:s10] =	ssyncset.done $0x0  }
0x142: {  	[sflag:s10] =	ssyncadd.s32 $0xFFFFF000  }
0x143: {  	_ =	swait.ge [sflag:s10], $0x1000  }
0x144: {  	[sflag:s10] =	ssyncset.done $0x0  }
0x145: {  	s30 =	simm.s32 $0xB;
	[sflag:s10] =	ssyncadd.s32 $0xFFFFF000  }
0x146: {  	[hbm4b:s17+s7] =	stream.strided.scatter [tilespmem:s8], [sflag:$0xC], $0x2000, s23, s7, $0x38;
	[tilespmem:$0x1B3D0] =	vst v63  }
0x147: {  	_ =	swait.ge [sflag:s30], $0x2000  }
0x148: {  	[sflag:s30] =	ssyncset.done $0x0  }
0x149: {  	[sflag:s30] =	ssyncadd.s32 $0xFFFFE000;
	s30 =	sadd.s32 $0x600, s25  }
0x14a: {  	[tilespmem:s0], [sflag:$0x3] =	stream.indirect.gather [spmem:s1], $0x20, s30, s23, $0xb8;
	[tilespmem:$0x1B3D0] =	vst v63  }
0x14b: {  	s30 =	sadd.s32 $0x680, s25  }
0x14c: {  	[tilespmem:s21], [sflag:$0x3] =	stream.indirect.gather [spmem:s1], $0x20, s30, s23, $0xb8;
	[tilespmem:$0x1B3D0] =	vst v63  }
0x14d: {  	_ =	swait.ge [sflag:s26], $0x1000  }
0x14e: {  	[sflag:s26] =	ssyncset.done $0x0  }
0x14f: {  	[sflag:s26] =	ssyncadd.s32 $0xFFFFF000  }
0x150: {  	_ =	swait.ge [sflag:s26], $0x1000  }
0x151: {  	[sflag:s26] =	ssyncset.done $0x0  }
0x152: {  	s30 =	sadd.s32 $0x6900, s25;
	[sflag:s26] =	ssyncadd.s32 $0xFFFFF000  }
0x153: {  	[tilespmem:s28], [sflag:$0x6] =	stream.indirect.gather.add.f32 [hbm:s4], $0x20, s30, s23, $0xb8;
	[tilespmem:$0x1B3D0] =	vst v63  }
0x154: {  	s30 =	sadd.s32 $0xCD00, s25  }
0x155: {  	[tilespmem:s28], [sflag:$0x6] =	stream.indirect.gather.add.f32 [hbm:s5], $0x20, s30, s23, $0xb8;
	[tilespmem:$0x1B3D0] =	vst v63  }
0x156: {  	s30 =	sadd.s32 $0x6980, s25  }
0x157: {  	[tilespmem:s13], [sflag:$0x6] =	stream.indirect.gather.add.f32 [hbm:s4], $0x20, s30, s23, $0xb8;
	[tilespmem:$0x1B3D0] =	vst v63  }
0x158: {  	s30 =	sadd.s32 $0xCD80, s25  }
0x159: {  	[tilespmem:s13], [sflag:$0x6] =	stream.indirect.gather.add.f32 [hbm:s5], $0x20, s30, s23, $0xb8;
	[tilespmem:$0x1B3D0] =	vst v63  }
0x15a: {  	_ =	swait.ge [sflag:s3], $0x1000  }
0x15b: {  	[sflag:s3] =	ssyncset.done $0x0  }
0x15c: {  	[sflag:s3] =	ssyncadd.s32 $0xFFFFF000  }
0x15d: {  	_ =	swait.ge [sflag:s3], $0x1000  }
0x15e: {  	[sflag:s3] =	ssyncset.done $0x0  }
0x15f: {  	[sflag:s3] =	ssyncadd.s32 $0xFFFFF000  }
0x160: {  	_ =	swait.ge [sflag:s3], $0x1000  }
0x161: {  	[sflag:s3] =	ssyncset.done $0x0  }
0x162: {  	[sflag:s3] =	ssyncadd.s32 $0xFFFFF000  }
0x163: {  	_ =	swait.ge [sflag:s3], $0x1000  }
0x164: {  	s30 =	sshrl.u32 s22, $0x3;
	[sflag:s3] =	ssyncset.done $0x0  }
0x165: {  	s30 =	sadd.s32 s29, s30;
	[sflag:s3] =	ssyncadd.s32 $0xFFFFF000  }
0x166: {  	[hbm4b:s30+s7] =	stream.strided.scatter [tilespmem:s24], [sflag:$0x9], $0x2000, s23, s7, $0x38;
	[tilespmem:$0x1B3D0] =	vst v63  }
0x167: {  	_ =	swait.ge [sflag:s2], $0x2000  }
0x168: {  	[sflag:s2] =	ssyncset.done $0x0  }
0x169: {  	s30 =	sadd.s32 $0x700, s25;
	[sflag:s2] =	ssyncadd.s32 $0xFFFFE000  }
0x16a: {  	[tilespmem:s8], [sflag:$0x4] =	stream.indirect.gather [spmem:s1], $0x20, s30, s23, $0xb8;
	[tilespmem:$0x1B3D0] =	vst v63  }
0x16b: {  	s30 =	sadd.s32 $0x780, s25  }
0x16c: {  	[tilespmem:s19], [sflag:$0x4] =	stream.indirect.gather [spmem:s1], $0x20, s30, s23, $0xb8;
	[tilespmem:$0x1B3D0] =	vst v63  }
0x16d: {  	_ =	swait.ge [sflag:s11], $0x1000  }
0x16e: {  	[sflag:s11] =	ssyncset.done $0x0  }
0x16f: {  	[sflag:s11] =	ssyncadd.s32 $0xFFFFF000  }
0x170: {  	_ =	swait.ge [sflag:s11], $0x1000  }
0x171: {  	[sflag:s11] =	ssyncset.done $0x0  }
0x172: {  	s30 =	sadd.s32 $0x6A00, s25;
	[sflag:s11] =	ssyncadd.s32 $0xFFFFF000  }
0x173: {  	[tilespmem:s0], [sflag:$0x7] =	stream.indirect.gather.add.f32 [hbm:s4], $0x20, s30, s23, $0xb8;
	[tilespmem:$0x1B3D0] =	vst v63  }
0x174: {  	s30 =	sadd.s32 $0xCE00, s25  }
0x175: {  	[tilespmem:s0], [sflag:$0x7] =	stream.indirect.gather.add.f32 [hbm:s5], $0x20, s30, s23, $0xb8;
	[tilespmem:$0x1B3D0] =	vst v63  }
0x176: {  	s30 =	sadd.s32 $0x6A80, s25  }
0x177: {  	[tilespmem:s21], [sflag:$0x7] =	stream.indirect.gather.add.f32 [hbm:s4], $0x20, s30, s23, $0xb8;
	[tilespmem:$0x1B3D0] =	vst v63  }
0x178: {  	s25 =	sadd.s32 $0xCE80, s25  }
0x179: {  	[tilespmem:s21], [sflag:$0x7] =	stream.indirect.gather.add.f32 [hbm:s5], $0x20, s25, s23, $0xb8;
	[tilespmem:$0x1B3D0] =	vst v63  }
0x17a: {  	_ =	swait.ge [sflag:s12], $0x1000  }
0x17b: {  	[sflag:s12] =	ssyncset.done $0x0  }
0x17c: {  	[sflag:s12] =	ssyncadd.s32 $0xFFFFF000  }
0x17d: {  	_ =	swait.ge [sflag:s12], $0x1000  }
0x17e: {  	[sflag:s12] =	ssyncset.done $0x0  }
0x17f: {  	[sflag:s12] =	ssyncadd.s32 $0xFFFFF000  }
0x180: {  	_ =	swait.ge [sflag:s12], $0x1000  }
.Ltmp0:
0x181: {  	[sflag:s12] =	ssyncset.done $0x0;
	(pc) =	sbr.rel @p1 .LBB2_2-.Ltmp0, $4  }
0x182: {  	[sflag:s12] =	ssyncadd.s32 $0xFFFFF000  }
0x183: {  	_ =	swait.ge [sflag:s12], $0x1000  }
0x184: {  	s18 =	sadd.s32 $0x4000, s18;
	s17 =	sadd.s32 $0x4000, s17;
	[sflag:s12] =	ssyncset.done $0x0  }
0x185: {  	s15 =	sadd.s32 $0x4000, s15;
	s22 =	sadd.s32 $0x20000, s22;
	[sflag:s12] =	ssyncadd.s32 $0xFFFFF000  }
0x186: {  	[hbm4b:s6+s7] =	stream.strided.scatter [tilespmem:s28], [sflag:$0xA], $0x2000, s23, s7, $0x38;
	[tilespmem:$0x1B3D0] =	vst v63  }
0x187: {  	_ =	swait.ge [sflag:s14], $0x1000  }
0x188: {  	[sflag:s14] =	ssyncset.done $0x0  }
0x189: {  	[sflag:s14] =	ssyncadd.s32 $0xFFFFF000  }
0x18a: {  	_ =	swait.ge [sflag:s14], $0x1000  }
0x18b: {  	[sflag:s14] =	ssyncset.done $0x0  }
0x18c: {  	s9 =	simm.s32 $0xC700;
	[sflag:s14] =	ssyncadd.s32 $0xFFFFF000  }
0x18d: {  	[tilespmem:s8], [sflag:$0x8] =	stream.indirect.gather.add.f32 [hbm:s4], $0x20, s9, s23, $0xb8;
	[tilespmem:$0x1B3D0] =	vst v63  }
0x18e: {  	s13 =	simm.s32 $0x12B00  }
0x18f: {  	[tilespmem:s8], [sflag:$0x8] =	stream.indirect.gather.add.f32 [hbm:s5], $0x20, s13, s23, $0xb8;
	[tilespmem:$0x1B3D0] =	vst v63  }
0x190: {  	s15 =	simm.s32 $0x19C00;
	s9 =	simm.s32 $0xC780  }
0x191: {  	[tilespmem:s15], [sflag:$0x8] =	stream.indirect.gather.add.f32 [hbm:s4], $0x20, s9, s23, $0xb8;
	[tilespmem:$0x1B3D0] =	vst v63  }
0x192: {  	s16 =	simm.s32 $0x12B80  }
0x193: {  	[tilespmem:s15], [sflag:$0x8] =	stream.indirect.gather.add.f32 [hbm:s5], $0x20, s16, s23, $0xb8;
	[tilespmem:$0x1B3D0] =	vst v63  }
0x194: {  	_ =	swait.ge [sflag:s20], $0x1000  }
0x195: {  	[sflag:s20] =	ssyncset.done $0x0  }
0x196: {  	[sflag:s20] =	ssyncadd.s32 $0xFFFFF000  }
0x197: {  	_ =	swait.ge [sflag:s20], $0x1000  }
0x198: {  	[sflag:s20] =	ssyncset.done $0x0  }
0x199: {  	[sflag:s20] =	ssyncadd.s32 $0xFFFFF000  }
0x19a: {  	_ =	swait.ge [sflag:s20], $0x1000  }
0x19b: {  	[sflag:s20] =	ssyncset.done $0x0  }
0x19c: {  	[sflag:s20] =	ssyncadd.s32 $0xFFFFF000  }
0x19d: {  	_ =	swait.ge [sflag:s20], $0x1000  }
0x19e: {  	[sflag:s20] =	ssyncset.done $0x0  }
0x19f: {  	s17 =	rddreg [dreg:$0xa];
	[sflag:s20] =	ssyncadd.s32 $0xFFFFF000  }
0x1a0: {  	[hbm4b:s17+s7] =	stream.strided.scatter [tilespmem:s0], [sflag:$0xB], $0x2000, s23, s7, $0x38;
	[tilespmem:$0x1B3D0] =	vst v63  }
0x1a1: {  	_ =	swait.ge [sflag:s10], $0x1000  }
0x1a2: {  	[sflag:s10] =	ssyncset.done $0x0  }
0x1a3: {  	[sflag:s10] =	ssyncadd.s32 $0xFFFFF000  }
0x1a4: {  	_ =	swait.ge [sflag:s10], $0x1000  }
0x1a5: {  	[sflag:s10] =	ssyncset.done $0x0  }
0x1a6: {  	[sflag:s10] =	ssyncadd.s32 $0xFFFFF000  }
0x1a7: {  	_ =	swait.ge [sflag:s10], $0x1000  }
0x1a8: {  	[sflag:s10] =	ssyncset.done $0x0  }
0x1a9: {  	[sflag:s10] =	ssyncadd.s32 $0xFFFFF000  }
0x1aa: {  	_ =	swait.ge [sflag:s10], $0x1000  }
0x1ab: {  	[sflag:s10] =	ssyncset.done $0x0  }
0x1ac: {  	s19 =	simm.s32 $0x9;
	s18 =	rddreg [dreg:$0xb];
	[sflag:s10] =	ssyncadd.s32 $0xFFFFF000  }
0x1ad: {  	[hbm4b:s18+s7] =	stream.strided.scatter [tilespmem:s8], [sflag:$0xC], $0x2000, s23, s7, $0x38;
	[tilespmem:$0x1B3D0] =	vst v63  }
0x1ae: {  	_ =	swait.ge [sflag:s19], $0x2000  }
0x1af: {  	[sflag:s19] =	ssyncset.done $0x0  }
0x1b0: {  	s22 =	simm.s32 $0xA;
	[sflag:s19] =	ssyncadd.s32 $0xFFFFE000  }
0x1b1: {  	_ =	swait.ge [sflag:s22], $0x2000  }
0x1b2: {  	[sflag:s22] =	ssyncset.done $0x0  }
0x1b3: {  	s25 =	simm.s32 $0xB;
	[sflag:s22] =	ssyncadd.s32 $0xFFFFE000  }
0x1b4: {  	_ =	swait.ge [sflag:s25], $0x2000  }
0x1b5: {  	[sflag:s25] =	ssyncset.done $0x0  }
0x1b6: {  	[sflag:s25] =	ssyncadd.s32 $0xFFFFE000  }
0x1b7: {  	_ =	swait.ge [sflag:s2], $0x2000  }
0x1b8: {  	s15 =	rddreg [dreg:$0x12]  }
0x1b9: {  	s30 =	rddreg [dreg:$0xc];
	s15 =	sadd.s32 $0x1, s15  }
0x1ba: {  	p1 =	sne.s32 s15, s30  }
.Ltmp1:
0x1bb: {  	_ = 	snop;
	(pc) =	sbr.rel @p1 .LBB2_1-.Ltmp1, $3  }
0x1bc: {  	_ =	sdelay $0x1  }
0x1bd: {  	s13 =	simm.s32 $0x15C00;
	[sflag:s2] =	ssyncset.done $0x0  }
0x1be: {  	s9 =	simm.s32 $0x13C00;
	s18 =	simm.s32 $0x17C00;
	[sflag:s2] =	ssyncadd.s32 $0xFFFFE000  }
0x1bf: {  	_ =	sfence.sel $0x180000  }
0x1c0: {  	[bflag:$0x0] =	sbarrier.arrive $0xFFFF  }
0x1c1: {  	_ =	strace $0x90000047  }
0x1c2: {  	[bflag:$0x2] =	sbarrier.arrive $0xFFFF  }
0x1c3: {  	s0 =	rddreg [dreg:$0x3]  }
0x1c4: {  	s0 =	sadd.s32 @!p0 $0x100000, s0  }
0x1c5: {  	[sflag:s0] =	ssyncadd.tile.s32 @!p0 $0x1;
	_ =	shalt  }
.Lfunc_end2:
_tile_overlayer_lowered:
.L_overlay_start_2:
0x1c6: {  	(tag) =	ssettag $0x2  }
0x1c7: {  	s0 =	rddreg [dreg:$0x0];
	s2 =	stileid.u32  }
0x1c8: {  	s1 =	rddreg [dreg:$0x1];
	p0 =	sne.s32 s2, $0x0  }
0x1c9: {  	s3 =	rddreg [dreg:$0x2];
	[bflag:$0x3] =	sbarrier.arrive $0xFFFF;
	s2 =	simm.s32 @!p0 $0x1C0E  }
0x1ca: {  	[timem:s3], [sflag:s2] =	dma.local @!p0 [hbm:s0], s1  }
0x1cb: {  	s0 =	simm.s32 @!p0 $0xE  }
0x1cc: {  	_ =	swait.ge @!p0 [sflag:s0], s1  }
0x1cd: {  	s1 =	ssub.s32 @!p0 $0x0, s1;
	[sflag:s0] =	ssyncset.done @!p0 $0x0  }
0x1ce: {  	[sflag:s0] =	ssyncadd.s32 @!p0 s1  }
0x1cf: {  	[bflag:$0x3] =	sbarrier.arrive $0xFFFF  }
0x1d0: {  	_ =	shalt  }

// kernel: sparse-core-data-format-call.cloned.1.call-start
scs
called_computation_lowered:
.L_overlay_start_0:
0x0: {  	s2 =	sld [smem:$0x3FD9]  }
0x1: {  	s3 =	sld [smem:$0x3FFE];
	_ =	sdelay $0x1  }
0x2: {  	s1 =	srdreg.scid  }
0x3: {  	s0 =	sand.u32 $0x1, s1  }
0x4: {  	s18 =	sshll.u32 s0, $0xA;
	s2 =	sadd.s32 s3, s2  }
0x5: {  	s2 =	sadd.s32 s2, s18  }
0x6: {  	[smem:$0x3FC2] =	sst s2  }
0x7: {  	_ = 	snop  }
0x8: {  	s2 =	sld [smem:$0x3FD0];
	(tm) =	ssettm $0x1  }
0x9: {  	s19 =	sld [smem:$0x3FFB];
	_ =	sdelay $0x3  }
0xa: {  	_ =	strace s19  }
0xb: {  	s3 =	sld [smem:$0x3FFC];
	_ =	sdelay $0x3  }
0xc: {  	_ =	strace s3  }
0xd: {  	s3 =	sld [smem:$0x3FFD];
	_ =	sdelay $0x3  }
0xe: {  	_ =	strace s3  }
0xf: {  	_ =	strace $0x8FFFFFFF  }
0x10: {  	s20 =	sld [smem:$0x3FDB];
	_ =	sdelay $0x1  }
0x11: {  	s4 =	simm.s32 $_scs_section_size  }
0x12: {  	s5 =	simm.s32 $_size__tile_overlayer_lowered;
	s6 =	simm.s32 $_tile_overlayer_lowered  }
0x13: {  	s23 =	simm.s32 $0x1BFF;
	s22 =	sshll.u32 s6, $0x1;
	s3 =	sadd.s32 s4, s20  }
0x14: {  	s7 =	simm.s32 $0x0;
	s21 =	sshll.u32 s5, $0x1;
	s5 =	sadd.s32 s22, s3  }
0x15: {  	[timem:s7], [sflag:s23] =	dma.local [hbm:s5], s21  }
0x16: {  	_ =	swait.ge [sflag:s23], s21  }
0x17: {  	s4 =	ssub.s32 $0x0, s21;
	[sflag:s23] =	ssyncset.done $0x0  }
0x18: {  	[sflag:s23] =	ssyncadd.s32 s4;
	_ =	sdelay $0x1  }
0x19: {  	s24 =	simm.s32 $0x1B8B  }
0x1a: {  	_ =	swait.ge [sflag:s24], $0x1  }
0x1b: {  	[sflag:s24] =	ssyncset.done $0x0  }
0x1c: {  	s26 =	simm.s32 $0x1B8E;
	s25 =	sld [smem:$0x3FFE];
	[sflag:s24] =	ssyncadd.s32 $0xFFFFFFFF  }
0x1d: {  	s27 =	simm.s32 $execute0_lowered;
	[smem:$0x3FD2] =	sst s26  }
0x1e: {  	s5 =	sshll.u32 s27, $0x1;
	_ =	strace $0x80000049;
	[dreg:$0x1] =	wrdreg $0xFFFFFFFF  }
0x1f: {  	s28 =	simm.s32 $_size_execute0_lowered;
	s3 =	sadd.s32 s3, s5;
	[dreg:$0x0] =	wrdreg $0x0  }
0x20: {  	s5 =	sshll.u32 s28, $0x1;
	[dreg:$0x2] =	wrdreg s3  }
0x21: {  	[dreg:$0x3] =	wrdreg s5  }
0x22: {  	[dreg:$0x4] =	wrdreg $0xC0  }
0x23: {  	_ =	task [dreg:s7], $0x5FFFF  }
0x24: {  	[dreg:$0x1] =	wrdreg $0xFFFFFFFF  }
0x25: {  	[dreg:$0x0] =	wrdreg $0x60  }
0x26: {  	[dreg:$0x2] =	wrdreg s25  }
0x27: {  	[dreg:$0x3] =	wrdreg s2  }
0x28: {  	[dreg:$0x4] =	wrdreg $0x9  }
0x29: {  	_ =	task.clear_ibuf [dreg:s7], $0x5FFFF;
	_ =	strace $0x90000049  }
0x2a: {  	s29 =	simm.s32 $0x9;
	_ =	strace $0x8000004B  }
0x2b: {  	_ =	swait.ge [sflag:s29], $0x1  }
0x2c: {  	[sflag:s29] =	ssyncadd.s32 $0xFFFFFFFF  }
0x2d: {  	_ =	strace $0x9000004B  }
0x2e: {  	_ =	sfence  }
0x2f: {  	s30 =	sld [smem:$0x0];
	_ =	sdelay $0x2  }
0x30: {  	s31 =	sshll.u32 s1, $0xD;
	s1 =	sshrl.u32 s1, $0x2  }
0x31: {  	s3 =	sand.u32 $0x4000, s31;
	s1 =	sadd.s32 s1, s30  }
0x32: {  	s0 =	sor.u32 s3, s0;
	s1 =	sshll.u32 s1, $0x11  }
0x33: {  	s0 =	sor.u32 s1, s0  }
0x34: {  	s0 =	sadd.s32 $0x8F2B, s0  }
0x35: {  	[sflag:s0] =	ssyncadd.remote.s32 $0x1  }
0x36: {  	_ =	sfence.sel $0xFFFF  }
0x37: {  	[dreg:$0x0] =	wrdreg $0xFFFFFFFF;
	(pc) =	sbr.abs _section_cstart, $3  }
0x38: {  	[dreg:$0x1] =	wrdreg $0xFFFFFFFF  }
0x39: {  	_ =	task.clear_ibuf [dreg:s7], $0x2FFFF;
	_ =	strace $0x9FFFFFFF  }
0x3a: {  	(tm) =	ssettm $0x7FFFFFFF  }
0x3b: {  	_ =	shalt  }
tec
execute0_lowered:
.L_overlay_start_1:
0x0: {  	(tag) =	ssettag $0x1  }
0x1: {  	s0 =	srdreg.scid  }
0x2: {  	s1 =	sshll.u32 s0, $0x4  }
0x3: {  	s0 =	stileid.u32;
	s1 =	sand.u32 $0x10, s1  }
0x4: {  	s1 =	sor.u32 s0, s1  }
0x5: {  	s6 =	rddreg [dreg:$0x0];
	s4 =	simm.s32 $0x1;
	s2 =	sshll.u32 s1, $0x7  }
0x6: {  	s7 =	simm.s32 $0x2;
	s12 =	simm.s32 $0x0;
	s1 =	ssub.s32 $0x1000, s2  }
0x7: {  	s8 =	simm.s32 $0x8000;
	s13 =	simm.s32 $0x0;
	s3 =	sand.u32 $0xF80, s1  }
0x8: {  	s9 =	simm.s32 $0x0;
	s5 =	sshrl.u32 s1, $0xC;
	p0 =	sne.s32 s3, $0x0  }
.Ltmp0:
0x9: {  	s1 =	rddreg [dreg:$0x2];
	s4 =	simm.s32 @!p0 $0x0;
	(pc) =	sbr.rel .LBB1_1-.Ltmp0, $4  }
0xa: {  	s11 =	simm.s32 $0x0;
	s3 =	rddreg [dreg:$0x1];
	s5 =	sadd.s32 s4, s5  }
0xb: {  	_ =	strace $0x8000004A;
	s4 =	simm.s32 $0x1;
	s5 =	smul.u32 $0xC8, s5  }
0xc: {  	s6 =	sadd.s32 $0x95C00, s6;
	s10 =	smov.u32 s2;
	[sflag:s4] =	ssyncpa.u1 $0x0  }
0xd: {  	p0 =	por $0x0, $0x0;
	[sflag:s7] =	ssyncpa.u1 $0x0;
	s7 =	sor.u32 $0x1, s5  }
.LBB1_4:
0xe: {  	s16 =	sshll.u32 s13, $0x3;
	s17 =	sand.u32 $0x78, s13  }
0xf: {  	s30 =	sand.u32 $0x3E00, s13;
	s12 =	sshll.u32 s12, $0xE;
	s16 =	sand.u32 $0xC00, s16  }
0x10: {  	s31 =	sand.u32 $0x7, s13;
	s16 =	sor.u32 s17, s16;
	s17 =	sadd.s32 s3, s30  }
0x11: {  	s13 =	sshll.u32 s31, $0x12;
	s16 =	sshrl.u32 s16, $0x3;
	s12 =	sadd.s32 s12, s17  }
0x12: {  	[tilespmem:s15+$0x0 ss:$0x81] =	vst.msk $0xffff, v0;
	s13 =	sor.u32 $0x400, s13;
	s12 =	sadd.s32 s16, s12  }
0x13: {  	[hbm4b:s12+s13] =	stream.strided.scatter [tilespmem:s14], [sflag:$0x2], $0x1000, s8, s13, $0x20;
	[tilespmem:$0x4040] =	vst v63  }
.LBB1_5:
0x14: {  	s14 =	sadd.s32 $0x1, s9  }
0x15: {  	s12 =	sadd.s32 $0x1000, s10;
	s16 =	smov.u32 s10;
	p2 =	sgt.s32 s14, $0xC7  }
0x16: {  	s16 =	smov.u32 @p2 s12  }
0x17: {  	s14 =	simm.s32 @p2 $0x0;
	p2 =	sgt.s32 s16, $0xFFF  }
0x18: {  	s16 =	smov.u32 @p2 s2;
	p2 =	sne.s32 s11, s7  }
.Ltmp1:
0x19: {  	p1 =	slt.u32 s11, $0x2;
	(pc) =	sbr.rel @!p2 .LBB1_6-.Ltmp1, $4  }
0x1a: {  	s15 =	simm.s32 @!p1 $0x2  }
0x1b: {  	s13 =	smov.u32 s10;
	p0 =	por !p0, !p0;
	_ =	swait.ge @!p1 [sflag:s15], $0x1000  }
0x1c: {  	s12 =	smov.u32 s9;
	[sflag:s15] =	ssyncset.done @!p1 $0x0;
	s9 =	smov.u32 s14  }
0x1d: {  	s11 =	sadd.s32 $0x1, s11;
	[sflag:s15] =	ssyncadd.s32 @!p1 $0xFFFFF000;
	s10 =	smov.u32 s16  }
.LBB1_1:
0x1e: {  	p1 =	sge.u32 s11, s5  }
0x1f: {  	s14 =	sand.u32 @!p1 $0x1FFFFFF, s9  }
0x20: {  	s15 =	smulhi.u32 @!p1 $0x147AE15, s14;
	_ =	sdelay $0x1  }
0x21: {  	s15 =	smul.u32 @!p1 $0xC8, s15  }
0x22: {  	s16 =	sxor.u32 @!p1 $0xFFFFFFFF, s11;
	s17 =	smul.u32 @!p1 $0xC80, s10  }
0x23: {  	s31 =	sadd.s32 $0xFFFFFFFF, s11;
	s16 =	sshll.u32 @!p1 s16, $0xC;
	s14 =	ssub.s32 @!p1 s14, s15  }
0x24: {  	s15 =	sand.u32 @!p1 $0x1000, s16;
	s16 =	sadd.s32 @!p1 s6, s17;
	s14 =	sshll.u32 @!p1 s14, $0x4  }
0x25: {  	s17 =	simm.s32 @!p1 $0x6400;
	s14 =	sadd.s32 @!p1 s14, s16;
	s16 =	simm.s32 @!p1 $0x20  }
0x26: {  	[tilespmem:s15], [sflag:$0x1] =	stream.strided.gather @!p1 [hbm4b:s14+s16], $0x1000, s17, s16, $0x38;
	[tilespmem:$0x4040] =	vst v63  }
0x27: {  	p1 =	sge.u32 s31, s5  }
.Ltmp2:
0x28: {  	_ = 	snop;
	(pc) =	sbr.rel @p1 .LBB1_5-.Ltmp2, $1  }
0x29: {  	_ =	sdelay $0x3  }
0x2a: {  	s14 =	simm.s32 $0x1  }
0x2b: {  	_ =	swait.ge [sflag:s4], $0x1000;
	s14 =	simm.s32 @!p0 $0x0  }
0x2c: {  	[sflag:s4] =	ssyncset.done $0x0;
	s15 =	sshll.u32 s14, $0xC  }
0x2d: {  	[sflag:s4] =	ssyncadd.s32 $0xFFFFF000;
	s18 =	sor.u32 $0x10, s15  }
0x2e: {  	s14 =	smul.u32 $0x4080, s14;
	v1 =	vld [tilespmem:s18+$0x0]  }
0x2f: {  	s30 =	sand.u32 $0x1, s11;
	v0 =	vld [tilespmem:s18+$0xFFFFFFF0]  }
0x30: {  	s15 =	smul.u32 $0x4080, s30;
	s14 =	sshrl.u32 s14, $0x2  }
0x31: {  	s16 =	sor.u32 $0x2000, s14  }
0x32: {  	s31 =	sshrl.u32 s15, $0x2;
	s15 =	sadd.s32 $0x0, s16  }
0x33: {  	s17 =	simm.s32 $0x4;
	s18 =	sadd.s32 $0x20, s18;
	s14 =	sor.u32 $0x2000, s31;
	[tilespmem:s15+$0x810 ss:$0x81] =	vst.msk $0xffff, v1  }
.LBB1_3:
0x34: {  	v1 =	vld [tilespmem:s18+$0x0];
	p1 =	sne.s32 s17, $0x1FC;
	[tilespmem:s15+$0x0 ss:$0x81] =	vst.msk $0xffff, v0;
	s15 =	smov.u32 s17;
	s17 =	sadd.s32 $0x4, s17  }
.Ltmp3:
0x35: {  	v0 =	vld [tilespmem:s18+$0xFFFFFFF0];
	(pc) =	sbr.rel @p1 .LBB1_3-.Ltmp3, $4  }
0x36: {  	_ = 	snop  }
0x37: {  	s15 =	sshra.s32 s15, $0x2  }
0x38: {  	s15 =	sadd.s32 s15, s16  }
0x39: {  	s18 =	sadd.s32 $0x20, s18;
	[tilespmem:s15+$0x810 ss:$0x81] =	vst.msk $0xffff, v1  }
.Ltmp4:
0x3a: {  	_ = 	snop;
	(pc) =	sbr.rel .LBB1_4-.Ltmp4, $1  }
0x3b: {  	_ =	sdelay $0x3  }
.LBB1_6:
0x3c: {  	_ =	sfence.sel $0x180000  }
0x3d: {  	s2 =	simm.s32 $0x1;
	[bflag:$0x0] =	sbarrier.arrive $0xFFFF  }
0x3e: {  	s31 =	simm.s32 $0x2;
	[sflag:s2] =	ssyncpa.u1 $0x1  }
0x3f: {  	[sflag:s31] =	ssyncpa.u1 $0x1  }
0x40: {  	p0 =	sne.s32 s0, $0x0;
	_ =	strace $0x9000004A  }
0x41: {  	s0 =	sadd.s32 @!p0 $0x100000, s1;
	[bflag:$0x2] =	sbarrier.arrive $0xFFFF  }
0x42: {  	[sflag:s0] =	ssyncadd.tile.s32 @!p0 $0x1;
	_ =	shalt  }
.Lfunc_end1:
_tile_overlayer_lowered:
.L_overlay_start_2:
0x43: {  	(tag) =	ssettag $0x2  }
0x44: {  	s0 =	rddreg [dreg:$0x0];
	s2 =	stileid.u32  }
0x45: {  	s1 =	rddreg [dreg:$0x1];
	p0 =	sne.s32 s2, $0x0  }
0x46: {  	s3 =	rddreg [dreg:$0x2];
	[bflag:$0x3] =	sbarrier.arrive $0xFFFF;
	s2 =	simm.s32 @!p0 $0x1C01  }
0x47: {  	[timem:s3], [sflag:s2] =	dma.local @!p0 [hbm:s0], s1  }
0x48: {  	s0 =	simm.s32 @!p0 $0x1  }
0x49: {  	_ =	swait.ge @!p0 [sflag:s0], s1  }
0x4a: {  	s1 =	ssub.s32 @!p0 $0x0, s1;
	[sflag:s0] =	ssyncset.done @!p0 $0x0  }
0x4b: {  	[sflag:s0] =	ssyncadd.s32 @!p0 s1  }
0x4c: {  	[bflag:$0x3] =	sbarrier.arrive $0xFFFF  }
0x4d: {  	_ =	shalt  }

</sc_bundles>
